<compile_context>
chip_gen: v7x
topology: tpu7x:2x2x1
jax: 0.10.2.dev20260603
libtpu: 0.0.44.dev20260713+nightly
codegen_flags: <defaults>
</compile_context>

<pallas_src>
import jax
import jax.numpy as jnp
import numpy as np
from jax import lax
from jax.experimental import pallas as pl
from jax.experimental.pallas import tpu as pltpu
from jax.experimental.pallas import tpu_sc as plsc

NUM_INPUT = 4096
HIDDEN_BATCHES = 23
HIDDEN_SIZE = 4096
NUM_OUTPUT = 1024
FAN_IN = 32
LANES = 16
NUM_TILES = 16
ROWS_HID = HIDDEN_SIZE // NUM_TILES
ROWS_OUT = NUM_OUTPUT // NUM_TILES
MASK_HI = np.int32(-65536)
MASK_LO = np.int32(65535)


def _rows16(cbuf, vals, bias_vec, base_off):
    prods = []
    for i in range(LANES):
        off = base_off + i * FAN_IN
        c0 = cbuf[pl.ds(off, LANES)]
        c1 = cbuf[pl.ds(off + LANES, LANES)]
        w0 = plsc.bitcast(c0 & MASK_HI, jnp.float32)
        w1 = plsc.bitcast(c1 & MASK_HI, jnp.float32)
        g0 = plsc.load_gather(vals, [c0 & MASK_LO])
        g1 = plsc.load_gather(vals, [c1 & MASK_LO])
        prods.append(w0 * g0 + w1 * g1)
    lane = lax.iota(jnp.int32, LANES)
    d = 1
    while len(prods) > 1:
        pidx = lane ^ d
        m = (lane & d) == 0
        nxt = []
        for k in range(0, len(prods), 2):
            a, b = prods[k], prods[k + 1]
            pa = jnp.take_along_axis(a, pidx, axis=0)
            pb = jnp.take_along_axis(b, pidx, axis=0)
            nxt.append(jnp.where(m, a, pb) + jnp.where(m, pa, b))
        prods = nxt
        d *= 2
    return prods[0] + bias_vec


def _body(x_hbm, ch_hbm, co_hbm, bias_hbm, out_hbm,
          vals, cbuf2, cobuf, bbuf2, obbuf, obuf, shared,
          csem, bsem, osem):
    cid = lax.axis_index("c")
    sid = lax.axis_index("s")

    @pl.when(cid == 0)
    def _():
        base = sid * ROWS_HID
        base_o = sid * ROWS_OUT
        cw = ROWS_HID * FAN_IN
        ocw = ROWS_OUT * FAN_IN

        def issue(t, slot):
            pltpu.async_copy(
                ch_hbm.at[pl.ds(t * (HIDDEN_SIZE * FAN_IN) + sid * cw, cw)],
                cbuf2.at[pl.ds(slot * cw, cw)], csem)
            pltpu.async_copy(bias_hbm.at[pl.ds(t * HIDDEN_SIZE + base, ROWS_HID)],
                             bbuf2.at[pl.ds(slot * ROWS_HID, ROWS_HID)], bsem)

        def wait(t, slot):
            pltpu.make_async_copy(
                ch_hbm.at[pl.ds(t * (HIDDEN_SIZE * FAN_IN) + sid * cw, cw)],
                cbuf2.at[pl.ds(slot * cw, cw)], csem).wait()
            pltpu.make_async_copy(bias_hbm.at[pl.ds(t * HIDDEN_SIZE + base, ROWS_HID)],
                                  bbuf2.at[pl.ds(slot * ROWS_HID, ROWS_HID)], bsem).wait()

        issue(0, 0)
        pltpu.async_copy(co_hbm.at[pl.ds(sid * ocw, ocw)], cobuf, osem)
        pltpu.async_copy(
            bias_hbm.at[pl.ds(HIDDEN_BATCHES * HIDDEN_SIZE + base_o, ROWS_OUT)],
            obbuf, osem)
        pltpu.sync_copy(x_hbm, vals)

        def layer(t, carry):
            slot = lax.rem(t, 2)
            wait(t, slot)

            @pl.when(t + 1 < HIDDEN_BATCHES)
            def _():
                issue(t + 1, lax.rem(t + 1, 2))

            def rows(r, c2):
                row0 = r * LANES
                bv = bbuf2[pl.ds(slot * ROWS_HID + row0, LANES)]
                a = _rows16(cbuf2, vals, bv,
                            slot * (ROWS_HID * FAN_IN) + row0 * FAN_IN)
                obuf[pl.ds(row0, LANES)] = a / (1.0 + jnp.exp(-a))
                return c2

            lax.fori_loop(0, ROWS_HID // LANES, rows, 0)

            pltpu.sync_copy(obuf, shared.at[slot, pl.ds(base, ROWS_HID)])
            plsc.subcore_barrier()
            pltpu.sync_copy(shared.at[slot], vals)
            return carry

        lax.fori_loop(0, HIDDEN_BATCHES, layer, 0)

        pltpu.make_async_copy(co_hbm.at[pl.ds(sid * ocw, ocw)], cobuf, osem).wait()
        pltpu.make_async_copy(
            bias_hbm.at[pl.ds(HIDDEN_BATCHES * HIDDEN_SIZE + base_o, ROWS_OUT)],
            obbuf, osem).wait()

        def out_rows(r, c2):
            row0 = r * LANES
            bv = obbuf[pl.ds(row0, LANES)]
            obuf[pl.ds(row0, LANES)] = _rows16(cobuf, vals, bv, row0 * FAN_IN)
            return c2

        lax.fori_loop(0, ROWS_OUT // LANES, out_rows, 0)
        pltpu.sync_copy(obuf.at[pl.ds(0, ROWS_OUT)], out_hbm.at[pl.ds(base_o, ROWS_OUT)])


def _pack(weights, idx, local_start):
    wbits = lax.bitcast_convert_type(
        weights.astype(jnp.bfloat16), jnp.uint16).astype(jnp.uint32)
    ibits = (idx - local_start).astype(jnp.uint32)
    packed = lax.bitcast_convert_type((wbits << 16) | ibits, jnp.int32)
    return packed.reshape(-1)


def kernel(x, hidden_weights, out_weights, bias, hidden_idx, out_idx):
    pstart = (np.arange(HIDDEN_BATCHES, dtype=np.int32)
              * HIDDEN_SIZE)[:, None, None]
    ch = _pack(hidden_weights, hidden_idx, pstart)
    co = _pack(out_weights, out_idx, HIDDEN_BATCHES * HIDDEN_SIZE)

    mesh = plsc.VectorSubcoreMesh(core_axis_name="c", subcore_axis_name="s")
    run = pl.kernel(
        _body,
        mesh=mesh,
        compiler_params=pltpu.CompilerParams(needs_layout_passes=False),
        out_type=jax.ShapeDtypeStruct((NUM_OUTPUT,), jnp.float32),
        scratch_types=[
            pltpu.VMEM((HIDDEN_SIZE,), jnp.float32),
            pltpu.VMEM((2 * ROWS_HID * FAN_IN,), jnp.int32),
            pltpu.VMEM((ROWS_OUT * FAN_IN,), jnp.int32),
            pltpu.VMEM((2 * ROWS_HID,), jnp.float32),
            pltpu.VMEM((ROWS_OUT,), jnp.float32),
            pltpu.VMEM((ROWS_HID,), jnp.float32),
            pltpu.VMEM_SHARED((2, HIDDEN_SIZE), jnp.float32),
            pltpu.SemaphoreType.DMA,
            pltpu.SemaphoreType.DMA,
            pltpu.SemaphoreType.DMA,
        ],
    )
    return run(x, ch, co, bias)

# --- scband reference (transcript-rebuilt; emitter-appended) ---
"""Pipeline reference for scband-neural-network-4758823764402 (READ-ONLY COPY).

The authoritative reference and input builder live on the scoring server;
editing this copy changes nothing except your own understanding.
"""

import jax, jax.numpy as jnp
import numpy as np

NUM_INPUT = 4096
HIDDEN_BATCHES = 23
HIDDEN_SIZE = 4096
NUM_OUTPUT = 1024
FAN_IN = 32
NUM_NEURONS = NUM_INPUT + HIDDEN_BATCHES * HIDDEN_SIZE + NUM_OUTPUT
NUM_NON_INPUT = NUM_NEURONS - NUM_INPUT


def setup_inputs(seed: int = 0) -> dict:
    key = jax.random.key(seed)
    ks = jax.random.split(key, 6)
    x = jax.random.normal(ks[0], (NUM_INPUT,), dtype=jnp.float32)
    # Per-topo-batch sparse connectivity: each neuron has FAN_IN predecessors in the
    # previous topo batch. weights[t][i, f] is the weight of edge idx[t][i, f] -> neuron.
    hidden_weights = jax.random.normal(ks[1], (HIDDEN_BATCHES, HIDDEN_SIZE, FAN_IN), dtype=jnp.float32) / np.sqrt(FAN_IN)
    out_weights = jax.random.normal(ks[2], (NUM_OUTPUT, FAN_IN), dtype=jnp.float32) / np.sqrt(FAN_IN)
    bias = jax.random.normal(ks[3], (NUM_NON_INPUT,), dtype=jnp.float32) * 0.01
    idx_list = []
    for t in range(HIDDEN_BATCHES):
        prev_start = 0 if t == 0 else NUM_INPUT + (t - 1) * HIDDEN_SIZE
        prev_size = NUM_INPUT if t == 0 else HIDDEN_SIZE
        k = jax.random.fold_in(ks[4], t)
        idx_list.append(jax.random.randint(k, (HIDDEN_SIZE, FAN_IN), prev_start, prev_start + prev_size, dtype=jnp.int32))
    hidden_idx = jnp.stack(idx_list)
    last_start = NUM_INPUT + (HIDDEN_BATCHES - 1) * HIDDEN_SIZE
    out_idx = jax.random.randint(ks[5], (NUM_OUTPUT, FAN_IN), last_start, last_start + HIDDEN_SIZE, dtype=jnp.int32)
    return {
        "x": x,
        "hidden_weights": hidden_weights,
        "out_weights": out_weights,
        "bias": bias,
        "hidden_idx": hidden_idx,
        "out_idx": out_idx,
    }


def reference(x, hidden_weights, out_weights, bias, hidden_idx, out_idx):
    # Faithful translation of NeuralNetwork.__call__ (dropout_p = 0 => dropout_keep == 1):
    #   values = zeros(num_neurons); values[input_neurons] = x
    #   for each topo batch: affine = (weights * mask) @ values[idx] + bias[tb - n_in]
    # The masked dense matmul is represented in its mathematically-equivalent sparse
    # (gather + weighted sum over fan-in) form, since mask has exactly FAN_IN nonzeros per row.
    values = jnp.zeros((NUM_NEURONS,), dtype=x.dtype)
    values = values.at[jnp.arange(NUM_INPUT)].set(x)
    for t in range(HIDDEN_BATCHES):
        tb_start = NUM_INPUT + t * HIDDEN_SIZE
        gathered = values[hidden_idx[t]]  # gather [HIDDEN_SIZE, FAN_IN]
        affine = jnp.sum(hidden_weights[t] * gathered, axis=-1) + bias[tb_start - NUM_INPUT: tb_start - NUM_INPUT + HIDDEN_SIZE]
        out_vals = jax.nn.silu(affine)  # hidden_activation
        values = values.at[jnp.arange(tb_start, tb_start + HIDDEN_SIZE)].set(out_vals)
    gathered = values[out_idx]  # gather [NUM_OUTPUT, FAN_IN]
    affine = jnp.sum(out_weights * gathered, axis=-1) + bias[NUM_NON_INPUT - NUM_OUTPUT:]
    # output_activation_elem = identity, output_activation_group = identity
    return affine

if __name__ == "__main__":
    import jax
    _d = setup_inputs()
    print(jax.jit(kernel)(*tuple(_d.values())))

</pallas_src>

<mosaic_0001>
#map = affine_map<(d0, d1) -> (0)>
module attributes {stable_mosaic.version = 14 : i64} {
  func.func @_body(%arg0: i32, %arg1: i32, %arg2: memref<4096xf32, #tpu.memory_space<hbm>>, %arg3: memref<3014656xi32, #tpu.memory_space<hbm>>, %arg4: memref<32768xi32, #tpu.memory_space<hbm>>, %arg5: memref<95232xf32, #tpu.memory_space<hbm>>, %arg6: memref<1024xf32, #tpu.memory_space<hbm>>, %arg7: memref<4096xf32, #tpu.memory_space<vmem>>, %arg8: memref<16384xi32, #tpu.memory_space<vmem>>, %arg9: memref<2048xi32, #tpu.memory_space<vmem>>, %arg10: memref<512xf32, #tpu.memory_space<vmem>>, %arg11: memref<64xf32, #tpu.memory_space<vmem>>, %arg12: memref<256xf32, #tpu.memory_space<vmem>>, %arg13: memref<2x4096xf32, #tpu.memory_space<vmem_shared>>, %arg14: memref<!tpu.dma_semaphore, #tpu.memory_space<semaphore_mem>>, %arg15: memref<!tpu.dma_semaphore, #tpu.memory_space<semaphore_mem>>, %arg16: memref<!tpu.dma_semaphore, #tpu.memory_space<semaphore_mem>>) attributes {dimension_semantics = [#tpu.dimension_semantics<core_parallel>, #tpu.dimension_semantics<subcore_parallel>], iteration_bounds = array<i64: 2, 16>, scalar_prefetch = 0 : i64, scratch_operands = 10 : i64, tpu.core_type = #tpu.core_type<sc_vector_subcore>, window_params = [{transform_indices = #map}, {transform_indices = #map}, {transform_indices = #map}, {transform_indices = #map}, {transform_indices = #map}]} {
    %eq3A = arith.constant 0 : i32
    %eq3A_0 = arith.cmpi eq, %arg0, %eq3A : i32
    %convert_element_type3A = arith.extui %eq3A_0 : i1 to i32
    %cond3A = arith.constant 0 : i32
    %cond3A_1 = arith.cmpi ne, %convert_element_type3A, %cond3A : i32
    scf.if %cond3A_1 {
      %mul3A = arith.constant 256 : i32
      %mul3A_2 = arith.muli %arg1, %mul3A : i32
      %mul3A_3 = arith.constant 64 : i32
      %mul3A_4 = arith.muli %arg1, %mul3A_3 : i32
      %mul3A_5 = arith.constant 8192 : i32
      %mul3A_6 = arith.muli %arg1, %mul3A_5 : i32
      %add3A = arith.constant 0 : i32
      %add3A_7 = arith.addi %add3A, %mul3A_6 : i32
      %dma_start3A = arith.constant 0 : i32
      %dma_start3A_8 = tpu.memref_slice %arg8[%dma_start3A] : memref<16384xi32, #tpu.memory_space<vmem>> -> memref<8192xi32, #tpu.memory_space<vmem>>
      %dma_start3A_9 = tpu.memref_slice %arg3[%add3A_7] : memref<3014656xi32, #tpu.memory_space<hbm>> -> memref<8192xi32, #tpu.memory_space<hbm>>
      %dma_start3A_10 = arith.constant 0 : i32
      %dma_start3A_11 = tpu.memref_slice %arg8[%dma_start3A_10] : memref<16384xi32, #tpu.memory_space<vmem>> -> memref<8192xi32, #tpu.memory_space<vmem>>
      %dma_start3A_12 = tpu.memref_slice %arg3[%add3A_7] : memref<3014656xi32, #tpu.memory_space<hbm>> -> memref<8192xi32, #tpu.memory_space<hbm>>
      tpu.enqueue_dma source(%dma_start3A_12 : memref<8192xi32, #tpu.memory_space<hbm>>) target(%dma_start3A_11 : memref<8192xi32, #tpu.memory_space<vmem>>) target_semaphore(%arg14 : memref<!tpu.dma_semaphore, #tpu.memory_space<semaphore_mem>>)
      %add3A_13 = arith.constant 0 : i32
      %add3A_14 = arith.addi %add3A_13, %mul3A_2 : i32
      %dma_start3A_15 = arith.constant 0 : i32
      %dma_start3A_16 = tpu.memref_slice %arg10[%dma_start3A_15] : memref<512xf32, #tpu.memory_space<vmem>> -> memref<256xf32, #tpu.memory_space<vmem>>
      %dma_start3A_17 = tpu.memref_slice %arg5[%add3A_14] : memref<95232xf32, #tpu.memory_space<hbm>> -> memref<256xf32, #tpu.memory_space<hbm>>
      %dma_start3A_18 = arith.constant 0 : i32
      %dma_start3A_19 = tpu.memref_slice %arg10[%dma_start3A_18] : memref<512xf32, #tpu.memory_space<vmem>> -> memref<256xf32, #tpu.memory_space<vmem>>
      %dma_start3A_20 = tpu.memref_slice %arg5[%add3A_14] : memref<95232xf32, #tpu.memory_space<hbm>> -> memref<256xf32, #tpu.memory_space<hbm>>
      tpu.enqueue_dma source(%dma_start3A_20 : memref<256xf32, #tpu.memory_space<hbm>>) target(%dma_start3A_19 : memref<256xf32, #tpu.memory_space<vmem>>) target_semaphore(%arg15 : memref<!tpu.dma_semaphore, #tpu.memory_space<semaphore_mem>>)
      %mul3A_21 = arith.constant 2048 : i32
      %mul3A_22 = arith.muli %arg1, %mul3A_21 : i32
      %dma_start3A_23 = tpu.memref_slice %arg4[%mul3A_22] : memref<32768xi32, #tpu.memory_space<hbm>> -> memref<2048xi32, #tpu.memory_space<hbm>>
      %dma_start3A_24 = tpu.memref_slice %arg4[%mul3A_22] : memref<32768xi32, #tpu.memory_space<hbm>> -> memref<2048xi32, #tpu.memory_space<hbm>>
      tpu.enqueue_dma source(%dma_start3A_24 : memref<2048xi32, #tpu.memory_space<hbm>>) target(%arg9 : memref<2048xi32, #tpu.memory_space<vmem>>) target_semaphore(%arg16 : memref<!tpu.dma_semaphore, #tpu.memory_space<semaphore_mem>>)
      %add3A_25 = arith.constant 94208 : i32
      %add3A_26 = arith.addi %add3A_25, %mul3A_4 : i32
      %dma_start3A_27 = tpu.memref_slice %arg5[%add3A_26] : memref<95232xf32, #tpu.memory_space<hbm>> -> memref<64xf32, #tpu.memory_space<hbm>>
      %dma_start3A_28 = tpu.memref_slice %arg5[%add3A_26] : memref<95232xf32, #tpu.memory_space<hbm>> -> memref<64xf32, #tpu.memory_space<hbm>>
      tpu.enqueue_dma source(%dma_start3A_28 : memref<64xf32, #tpu.memory_space<hbm>>) target(%arg11 : memref<64xf32, #tpu.memory_space<vmem>>) target_semaphore(%arg16 : memref<!tpu.dma_semaphore, #tpu.memory_space<semaphore_mem>>)
      "tpu.region"() ({
        %run_scoped3A = tpu.sem_alloc : memref<!tpu.dma_semaphore, #tpu.memory_space<semaphore_mem>>
        tpu.enqueue_dma source(%arg2 : memref<4096xf32, #tpu.memory_space<hbm>>) target(%arg7 : memref<4096xf32, #tpu.memory_space<vmem>>) target_semaphore(%run_scoped3A : memref<!tpu.dma_semaphore, #tpu.memory_space<semaphore_mem>>)
        tpu.wait_dma2 semaphore(%run_scoped3A : memref<!tpu.dma_semaphore, #tpu.memory_space<semaphore_mem>>) src(%arg2 : memref<4096xf32, #tpu.memory_space<hbm>>) dst(%arg7 : memref<4096xf32, #tpu.memory_space<vmem>>)
        tpu.yield
      }) : () -> ()
      %scan3A = arith.constant 0 : i32
      %scan3A_29 = arith.constant 0 : i32
      %scan3A_30 = arith.constant 23 : i32
      %scan3A_31 = arith.addi %scan3A_29, %scan3A_30 : i32
      %scan3A_32 = arith.constant 1 : i32
      scf.for %scan3A_47 = %scan3A_29 to %scan3A_31 step %scan3A_32  : i32 {
        %rem3A = arith.constant 2 : i32
        %rem3A_48 = arith.remsi %scan3A_47, %rem3A : i32
        %mul3A_49 = arith.constant 131072 : i32
        %mul3A_50 = arith.muli %scan3A_47, %mul3A_49 : i32
        %mul3A_51 = arith.constant 8192 : i32
        %mul3A_52 = arith.muli %arg1, %mul3A_51 : i32
        %add3A_53 = arith.addi %mul3A_50, %mul3A_52 : i32
        %mul3A_54 = arith.constant 8192 : i32
        %mul3A_55 = arith.muli %rem3A_48, %mul3A_54 : i32
        %dma_wait3A_56 = tpu.memref_slice %arg8[%mul3A_55] : memref<16384xi32, #tpu.memory_space<vmem>> -> memref<8192xi32, #tpu.memory_space<vmem>>
        %dma_wait3A_57 = tpu.memref_slice %arg3[%add3A_53] : memref<3014656xi32, #tpu.memory_space<hbm>> -> memref<8192xi32, #tpu.memory_space<hbm>>
        %dma_wait3A_58 = tpu.memref_slice %arg8[%mul3A_55] : memref<16384xi32, #tpu.memory_space<vmem>> -> memref<8192xi32, #tpu.memory_space<vmem>>
        %dma_wait3A_59 = tpu.memref_slice %arg3[%add3A_53] : memref<3014656xi32, #tpu.memory_space<hbm>> -> memref<8192xi32, #tpu.memory_space<hbm>>
        tpu.wait_dma2 semaphore(%arg14 : memref<!tpu.dma_semaphore, #tpu.memory_space<semaphore_mem>>) src(%dma_wait3A_59 : memref<8192xi32, #tpu.memory_space<hbm>>) dst(%dma_wait3A_58 : memref<8192xi32, #tpu.memory_space<vmem>>)
        %mul3A_60 = arith.constant 4096 : i32
        %mul3A_61 = arith.muli %scan3A_47, %mul3A_60 : i32
        %add3A_62 = arith.addi %mul3A_61, %mul3A_2 : i32
        %mul3A_63 = arith.constant 256 : i32
        %mul3A_64 = arith.muli %rem3A_48, %mul3A_63 : i32
        %dma_wait3A_65 = tpu.memref_slice %arg10[%mul3A_64] : memref<512xf32, #tpu.memory_space<vmem>> -> memref<256xf32, #tpu.memory_space<vmem>>
        %dma_wait3A_66 = tpu.memref_slice %arg5[%add3A_62] : memref<95232xf32, #tpu.memory_space<hbm>> -> memref<256xf32, #tpu.memory_space<hbm>>
        %dma_wait3A_67 = tpu.memref_slice %arg10[%mul3A_64] : memref<512xf32, #tpu.memory_space<vmem>> -> memref<256xf32, #tpu.memory_space<vmem>>
        %dma_wait3A_68 = tpu.memref_slice %arg5[%add3A_62] : memref<95232xf32, #tpu.memory_space<hbm>> -> memref<256xf32, #tpu.memory_space<hbm>>
        tpu.wait_dma2 semaphore(%arg15 : memref<!tpu.dma_semaphore, #tpu.memory_space<semaphore_mem>>) src(%dma_wait3A_68 : memref<256xf32, #tpu.memory_space<hbm>>) dst(%dma_wait3A_67 : memref<256xf32, #tpu.memory_space<vmem>>)
        %add3A_69 = arith.constant 1 : i32
        %add3A_70 = arith.addi %scan3A_47, %add3A_69 : i32
        %lt3A = arith.constant 23 : i32
        %lt3A_71 = arith.cmpi slt, %add3A_70, %lt3A : i32
        %convert_element_type3A_72 = arith.extui %lt3A_71 : i1 to i32
        %cond3A_73 = arith.constant 0 : i32
        %cond3A_74 = arith.cmpi ne, %convert_element_type3A_72, %cond3A_73 : i32
        scf.if %cond3A_74 {
          %add3A_81 = arith.constant 1 : i32
          %add3A_82 = arith.addi %scan3A_47, %add3A_81 : i32
          %add3A_83 = arith.constant 1 : i32
          %add3A_84 = arith.addi %scan3A_47, %add3A_83 : i32
          %rem3A_85 = arith.constant 2 : i32
          %rem3A_86 = arith.remsi %add3A_84, %rem3A_85 : i32
          %mul3A_87 = arith.constant 131072 : i32
          %mul3A_88 = arith.muli %add3A_82, %mul3A_87 : i32
          %mul3A_89 = arith.constant 8192 : i32
          %mul3A_90 = arith.muli %arg1, %mul3A_89 : i32
          %add3A_91 = arith.addi %mul3A_88, %mul3A_90 : i32
          %mul3A_92 = arith.constant 8192 : i32
          %mul3A_93 = arith.muli %rem3A_86, %mul3A_92 : i32
          %dma_start3A_94 = tpu.memref_slice %arg8[%mul3A_93] : memref<16384xi32, #tpu.memory_space<vmem>> -> memref<8192xi32, #tpu.memory_space<vmem>>
          %dma_start3A_95 = tpu.memref_slice %arg3[%add3A_91] : memref<3014656xi32, #tpu.memory_space<hbm>> -> memref<8192xi32, #tpu.memory_space<hbm>>
          %dma_start3A_96 = tpu.memref_slice %arg8[%mul3A_93] : memref<16384xi32, #tpu.memory_space<vmem>> -> memref<8192xi32, #tpu.memory_space<vmem>>
          %dma_start3A_97 = tpu.memref_slice %arg3[%add3A_91] : memref<3014656xi32, #tpu.memory_space<hbm>> -> memref<8192xi32, #tpu.memory_space<hbm>>
          tpu.enqueue_dma source(%dma_start3A_97 : memref<8192xi32, #tpu.memory_space<hbm>>) target(%dma_start3A_96 : memref<8192xi32, #tpu.memory_space<vmem>>) target_semaphore(%arg14 : memref<!tpu.dma_semaphore, #tpu.memory_space<semaphore_mem>>)
          %mul3A_98 = arith.constant 4096 : i32
          %mul3A_99 = arith.muli %add3A_82, %mul3A_98 : i32
          %add3A_100 = arith.addi %mul3A_99, %mul3A_2 : i32
          %mul3A_101 = arith.constant 256 : i32
          %mul3A_102 = arith.muli %rem3A_86, %mul3A_101 : i32
          %dma_start3A_103 = tpu.memref_slice %arg10[%mul3A_102] : memref<512xf32, #tpu.memory_space<vmem>> -> memref<256xf32, #tpu.memory_space<vmem>>
          %dma_start3A_104 = tpu.memref_slice %arg5[%add3A_100] : memref<95232xf32, #tpu.memory_space<hbm>> -> memref<256xf32, #tpu.memory_space<hbm>>
          %dma_start3A_105 = tpu.memref_slice %arg10[%mul3A_102] : memref<512xf32, #tpu.memory_space<vmem>> -> memref<256xf32, #tpu.memory_space<vmem>>
          %dma_start3A_106 = tpu.memref_slice %arg5[%add3A_100] : memref<95232xf32, #tpu.memory_space<hbm>> -> memref<256xf32, #tpu.memory_space<hbm>>
          tpu.enqueue_dma source(%dma_start3A_106 : memref<256xf32, #tpu.memory_space<hbm>>) target(%dma_start3A_105 : memref<256xf32, #tpu.memory_space<vmem>>) target_semaphore(%arg15 : memref<!tpu.dma_semaphore, #tpu.memory_space<semaphore_mem>>)
        } else {
        }
        %scan3A_75 = arith.constant 0 : i32
        %scan3A_76 = arith.constant 0 : i32
        %scan3A_77 = arith.constant 16 : i32
        %scan3A_78 = arith.addi %scan3A_76, %scan3A_77 : i32
        %scan3A_79 = arith.constant 1 : i32
        scf.for %scan3A_81 = %scan3A_76 to %scan3A_78 step %scan3A_79  : i32 {
          %mul3A_82 = arith.constant 16 : i32
          %mul3A_83 = arith.muli %scan3A_81, %mul3A_82 : i32
          %mul3A_84 = arith.constant 256 : i32
          %mul3A_85 = arith.muli %rem3A_48, %mul3A_84 : i32
          %add3A_86 = arith.addi %mul3A_85, %mul3A_83 : i32
          %get3A = arith.index_cast %add3A_86 : i32 to index
          %get3A_87 = tpu.vector_load %arg10[%get3A] {strides = array<i32>} : memref<512xf32, #tpu.memory_space<vmem>>, vector<16xf32>,
          %mul3A_88 = arith.constant 8192 : i32
          %mul3A_89 = arith.muli %rem3A_48, %mul3A_88 : i32
          %mul3A_90 = arith.constant 32 : i32
          %mul3A_91 = arith.muli %mul3A_83, %mul3A_90 : i32
          %add3A_92 = arith.addi %mul3A_89, %mul3A_91 : i32
          %add3A_93 = arith.constant 0 : i32
          %add3A_94 = arith.addi %add3A_92, %add3A_93 : i32
          %get3A_95 = arith.index_cast %add3A_94 : i32 to index
          %get3A_96 = tpu.vector_load %arg8[%get3A_95] {strides = array<i32>} : memref<16384xi32, #tpu.memory_space<vmem>>, vector<16xi32>,
          %add3A_97 = arith.constant 16 : i32
          %add3A_98 = arith.addi %add3A_94, %add3A_97 : i32
          %get3A_99 = arith.index_cast %add3A_98 : i32 to index
          %get3A_100 = tpu.vector_load %arg8[%get3A_99] {strides = array<i32>} : memref<16384xi32, #tpu.memory_space<vmem>>, vector<16xi32>,
          %and3A = arith.constant -65536 : i32
          %and3A_101 = vector.broadcast %and3A : i32 to vector<16xi32>
          %and3A_102 = arith.andi %get3A_96, %and3A_101 : vector<16xi32>
          %bitcast3A = vector.bitcast %and3A_102 : vector<16xi32> to vector<16xf32>
          %and3A_103 = arith.constant -65536 : i32
          %and3A_104 = vector.broadcast %and3A_103 : i32 to vector<16xi32>
          %and3A_105 = arith.andi %get3A_100, %and3A_104 : vector<16xi32>
          %bitcast3A_106 = vector.bitcast %and3A_105 : vector<16xi32> to vector<16xf32>
          %and3A_107 = arith.constant 65535 : i32
          %and3A_108 = vector.broadcast %and3A_107 : i32 to vector<16xi32>
          %and3A_109 = arith.andi %get3A_96, %and3A_108 : vector<16xi32>
          %gather3A = tpu.vector_load_idx %arg7[%and3A_109] : memref<4096xf32, #tpu.memory_space<vmem>>[vector<16xi32>], vector<16xf32>,
          %and3A_110 = arith.constant 65535 : i32
          %and3A_111 = vector.broadcast %and3A_110 : i32 to vector<16xi32>
          %and3A_112 = arith.andi %get3A_100, %and3A_111 : vector<16xi32>
          %gather3A_113 = tpu.vector_load_idx %arg7[%and3A_112] : memref<4096xf32, #tpu.memory_space<vmem>>[vector<16xi32>], vector<16xf32>,
          %mul3A_114 = arith.mulf %bitcast3A, %gather3A : vector<16xf32>
          %mul3A_115 = arith.mulf %bitcast3A_106, %gather3A_113 : vector<16xf32>
          %add3A_116 = arith.addf %mul3A_114, %mul3A_115 : vector<16xf32>
          %add3A_117 = arith.constant 32 : i32
          %add3A_118 = arith.addi %add3A_92, %add3A_117 : i32
          %get3A_119 = arith.index_cast %add3A_118 : i32 to index
          %get3A_120 = tpu.vector_load %arg8[%get3A_119] {strides = array<i32>} : memref<16384xi32, #tpu.memory_space<vmem>>, vector<16xi32>,
          %add3A_121 = arith.constant 16 : i32
          %add3A_122 = arith.addi %add3A_118, %add3A_121 : i32
          %get3A_123 = arith.index_cast %add3A_122 : i32 to index
          %get3A_124 = tpu.vector_load %arg8[%get3A_123] {strides = array<i32>} : memref<16384xi32, #tpu.memory_space<vmem>>, vector<16xi32>,
          %and3A_125 = arith.constant -65536 : i32
          %and3A_126 = vector.broadcast %and3A_125 : i32 to vector<16xi32>
          %and3A_127 = arith.andi %get3A_120, %and3A_126 : vector<16xi32>
          %bitcast3A_128 = vector.bitcast %and3A_127 : vector<16xi32> to vector<16xf32>
          %and3A_129 = arith.constant -65536 : i32
          %and3A_130 = vector.broadcast %and3A_129 : i32 to vector<16xi32>
          %and3A_131 = arith.andi %get3A_124, %and3A_130 : vector<16xi32>
          %bitcast3A_132 = vector.bitcast %and3A_131 : vector<16xi32> to vector<16xf32>
          %and3A_133 = arith.constant 65535 : i32
          %and3A_134 = vector.broadcast %and3A_133 : i32 to vector<16xi32>
          %and3A_135 = arith.andi %get3A_120, %and3A_134 : vector<16xi32>
          %gather3A_136 = tpu.vector_load_idx %arg7[%and3A_135] : memref<4096xf32, #tpu.memory_space<vmem>>[vector<16xi32>], vector<16xf32>,
          %and3A_137 = arith.constant 65535 : i32
          %and3A_138 = vector.broadcast %and3A_137 : i32 to vector<16xi32>
          %and3A_139 = arith.andi %get3A_124, %and3A_138 : vector<16xi32>
          %gather3A_140 = tpu.vector_load_idx %arg7[%and3A_139] : memref<4096xf32, #tpu.memory_space<vmem>>[vector<16xi32>], vector<16xf32>,
          %mul3A_141 = arith.mulf %bitcast3A_128, %gather3A_136 : vector<16xf32>
          %mul3A_142 = arith.mulf %bitcast3A_132, %gather3A_140 : vector<16xf32>
          %add3A_143 = arith.addf %mul3A_141, %mul3A_142 : vector<16xf32>
          %add3A_144 = arith.constant 64 : i32
          %add3A_145 = arith.addi %add3A_92, %add3A_144 : i32
          %get3A_146 = arith.index_cast %add3A_145 : i32 to index
          %get3A_147 = tpu.vector_load %arg8[%get3A_146] {strides = array<i32>} : memref<16384xi32, #tpu.memory_space<vmem>>, vector<16xi32>,
          %add3A_148 = arith.constant 16 : i32
          %add3A_149 = arith.addi %add3A_145, %add3A_148 : i32
          %get3A_150 = arith.index_cast %add3A_149 : i32 to index
          %get3A_151 = tpu.vector_load %arg8[%get3A_150] {strides = array<i32>} : memref<16384xi32, #tpu.memory_space<vmem>>, vector<16xi32>,
          %and3A_152 = arith.constant -65536 : i32
          %and3A_153 = vector.broadcast %and3A_152 : i32 to vector<16xi32>
          %and3A_154 = arith.andi %get3A_147, %and3A_153 : vector<16xi32>
          %bitcast3A_155 = vector.bitcast %and3A_154 : vector<16xi32> to vector<16xf32>
          %and3A_156 = arith.constant -65536 : i32
          %and3A_157 = vector.broadcast %and3A_156 : i32 to vector<16xi32>
          %and3A_158 = arith.andi %get3A_151, %and3A_157 : vector<16xi32>
          %bitcast3A_159 = vector.bitcast %and3A_158 : vector<16xi32> to vector<16xf32>
          %and3A_160 = arith.constant 65535 : i32
          %and3A_161 = vector.broadcast %and3A_160 : i32 to vector<16xi32>
          %and3A_162 = arith.andi %get3A_147, %and3A_161 : vector<16xi32>
          %gather3A_163 = tpu.vector_load_idx %arg7[%and3A_162] : memref<4096xf32, #tpu.memory_space<vmem>>[vector<16xi32>], vector<16xf32>,
          %and3A_164 = arith.constant 65535 : i32
          %and3A_165 = vector.broadcast %and3A_164 : i32 to vector<16xi32>
          %and3A_166 = arith.andi %get3A_151, %and3A_165 : vector<16xi32>
          %gather3A_167 = tpu.vector_load_idx %arg7[%and3A_166] : memref<4096xf32, #tpu.memory_space<vmem>>[vector<16xi32>], vector<16xf32>,
          %mul3A_168 = arith.mulf %bitcast3A_155, %gather3A_163 : vector<16xf32>
          %mul3A_169 = arith.mulf %bitcast3A_159, %gather3A_167 : vector<16xf32>
          %add3A_170 = arith.addf %mul3A_168, %mul3A_169 : vector<16xf32>
          %add3A_171 = arith.constant 96 : i32
          %add3A_172 = arith.addi %add3A_92, %add3A_171 : i32
          %get3A_173 = arith.index_cast %add3A_172 : i32 to index
          %get3A_174 = tpu.vector_load %arg8[%get3A_173] {strides = array<i32>} : memref<16384xi32, #tpu.memory_space<vmem>>, vector<16xi32>,
          %add3A_175 = arith.constant 16 : i32
          %add3A_176 = arith.addi %add3A_172, %add3A_175 : i32
          %get3A_177 = arith.index_cast %add3A_176 : i32 to index
          %get3A_178 = tpu.vector_load %arg8[%get3A_177] {strides = array<i32>} : memref<16384xi32, #tpu.memory_space<vmem>>, vector<16xi32>,
          %and3A_179 = arith.constant -65536 : i32
          %and3A_180 = vector.broadcast %and3A_179 : i32 to vector<16xi32>
          %and3A_181 = arith.andi %get3A_174, %and3A_180 : vector<16xi32>
          %bitcast3A_182 = vector.bitcast %and3A_181 : vector<16xi32> to vector<16xf32>
          %and3A_183 = arith.constant -65536 : i32
          %and3A_184 = vector.broadcast %and3A_183 : i32 to vector<16xi32>
          %and3A_185 = arith.andi %get3A_178, %and3A_184 : vector<16xi32>
          %bitcast3A_186 = vector.bitcast %and3A_185 : vector<16xi32> to vector<16xf32>
          %and3A_187 = arith.constant 65535 : i32
          %and3A_188 = vector.broadcast %and3A_187 : i32 to vector<16xi32>
          %and3A_189 = arith.andi %get3A_174, %and3A_188 : vector<16xi32>
          %gather3A_190 = tpu.vector_load_idx %arg7[%and3A_189] : memref<4096xf32, #tpu.memory_space<vmem>>[vector<16xi32>], vector<16xf32>,
          %and3A_191 = arith.constant 65535 : i32
          %and3A_192 = vector.broadcast %and3A_191 : i32 to vector<16xi32>
          %and3A_193 = arith.andi %get3A_178, %and3A_192 : vector<16xi32>
          %gather3A_194 = tpu.vector_load_idx %arg7[%and3A_193] : memref<4096xf32, #tpu.memory_space<vmem>>[vector<16xi32>], vector<16xf32>,
          %mul3A_195 = arith.mulf %bitcast3A_182, %gather3A_190 : vector<16xf32>
          %mul3A_196 = arith.mulf %bitcast3A_186, %gather3A_194 : vector<16xf32>
          %add3A_197 = arith.addf %mul3A_195, %mul3A_196 : vector<16xf32>
          %add3A_198 = arith.constant 128 : i32
          %add3A_199 = arith.addi %add3A_92, %add3A_198 : i32
          %get3A_200 = arith.index_cast %add3A_199 : i32 to index
          %get3A_201 = tpu.vector_load %arg8[%get3A_200] {strides = array<i32>} : memref<16384xi32, #tpu.memory_space<vmem>>, vector<16xi32>,
          %add3A_202 = arith.constant 16 : i32
          %add3A_203 = arith.addi %add3A_199, %add3A_202 : i32
          %get3A_204 = arith.index_cast %add3A_203 : i32 to index
          %get3A_205 = tpu.vector_load %arg8[%get3A_204] {strides = array<i32>} : memref<16384xi32, #tpu.memory_space<vmem>>, vector<16xi32>,
          %and3A_206 = arith.constant -65536 : i32
          %and3A_207 = vector.broadcast %and3A_206 : i32 to vector<16xi32>
          %and3A_208 = arith.andi %get3A_201, %and3A_207 : vector<16xi32>
          %bitcast3A_209 = vector.bitcast %and3A_208 : vector<16xi32> to vector<16xf32>
          %and3A_210 = arith.constant -65536 : i32
          %and3A_211 = vector.broadcast %and3A_210 : i32 to vector<16xi32>
          %and3A_212 = arith.andi %get3A_205, %and3A_211 : vector<16xi32>
          %bitcast3A_213 = vector.bitcast %and3A_212 : vector<16xi32> to vector<16xf32>
          %and3A_214 = arith.constant 65535 : i32
          %and3A_215 = vector.broadcast %and3A_214 : i32 to vector<16xi32>
          %and3A_216 = arith.andi %get3A_201, %and3A_215 : vector<16xi32>
          %gather3A_217 = tpu.vector_load_idx %arg7[%and3A_216] : memref<4096xf32, #tpu.memory_space<vmem>>[vector<16xi32>], vector<16xf32>,
          %and3A_218 = arith.constant 65535 : i32
          %and3A_219 = vector.broadcast %and3A_218 : i32 to vector<16xi32>
          %and3A_220 = arith.andi %get3A_205, %and3A_219 : vector<16xi32>
          %gather3A_221 = tpu.vector_load_idx %arg7[%and3A_220] : memref<4096xf32, #tpu.memory_space<vmem>>[vector<16xi32>], vector<16xf32>,
          %mul3A_222 = arith.mulf %bitcast3A_209, %gather3A_217 : vector<16xf32>
          %mul3A_223 = arith.mulf %bitcast3A_213, %gather3A_221 : vector<16xf32>
          %add3A_224 = arith.addf %mul3A_222, %mul3A_223 : vector<16xf32>
          %add3A_225 = arith.constant 160 : i32
          %add3A_226 = arith.addi %add3A_92, %add3A_225 : i32
          %get3A_227 = arith.index_cast %add3A_226 : i32 to index
          %get3A_228 = tpu.vector_load %arg8[%get3A_227] {strides = array<i32>} : memref<16384xi32, #tpu.memory_space<vmem>>, vector<16xi32>,
          %add3A_229 = arith.constant 16 : i32
          %add3A_230 = arith.addi %add3A_226, %add3A_229 : i32
          %get3A_231 = arith.index_cast %add3A_230 : i32 to index
          %get3A_232 = tpu.vector_load %arg8[%get3A_231] {strides = array<i32>} : memref<16384xi32, #tpu.memory_space<vmem>>, vector<16xi32>,
          %and3A_233 = arith.constant -65536 : i32
          %and3A_234 = vector.broadcast %and3A_233 : i32 to vector<16xi32>
          %and3A_235 = arith.andi %get3A_228, %and3A_234 : vector<16xi32>
          %bitcast3A_236 = vector.bitcast %and3A_235 : vector<16xi32> to vector<16xf32>
          %and3A_237 = arith.constant -65536 : i32
          %and3A_238 = vector.broadcast %and3A_237 : i32 to vector<16xi32>
          %and3A_239 = arith.andi %get3A_232, %and3A_238 : vector<16xi32>
          %bitcast3A_240 = vector.bitcast %and3A_239 : vector<16xi32> to vector<16xf32>
          %and3A_241 = arith.constant 65535 : i32
          %and3A_242 = vector.broadcast %and3A_241 : i32 to vector<16xi32>
          %and3A_243 = arith.andi %get3A_228, %and3A_242 : vector<16xi32>
          %gather3A_244 = tpu.vector_load_idx %arg7[%and3A_243] : memref<4096xf32, #tpu.memory_space<vmem>>[vector<16xi32>], vector<16xf32>,
          %and3A_245 = arith.constant 65535 : i32
          %and3A_246 = vector.broadcast %and3A_245 : i32 to vector<16xi32>
          %and3A_247 = arith.andi %get3A_232, %and3A_246 : vector<16xi32>
          %gather3A_248 = tpu.vector_load_idx %arg7[%and3A_247] : memref<4096xf32, #tpu.memory_space<vmem>>[vector<16xi32>], vector<16xf32>,
          %mul3A_249 = arith.mulf %bitcast3A_236, %gather3A_244 : vector<16xf32>
          %mul3A_250 = arith.mulf %bitcast3A_240, %gather3A_248 : vector<16xf32>
          %add3A_251 = arith.addf %mul3A_249, %mul3A_250 : vector<16xf32>
          %add3A_252 = arith.constant 192 : i32
          %add3A_253 = arith.addi %add3A_92, %add3A_252 : i32
          %get3A_254 = arith.index_cast %add3A_253 : i32 to index
          %get3A_255 = tpu.vector_load %arg8[%get3A_254] {strides = array<i32>} : memref<16384xi32, #tpu.memory_space<vmem>>, vector<16xi32>,
          %add3A_256 = arith.constant 16 : i32
          %add3A_257 = arith.addi %add3A_253, %add3A_256 : i32
          %get3A_258 = arith.index_cast %add3A_257 : i32 to index
          %get3A_259 = tpu.vector_load %arg8[%get3A_258] {strides = array<i32>} : memref<16384xi32, #tpu.memory_space<vmem>>, vector<16xi32>,
          %and3A_260 = arith.constant -65536 : i32
          %and3A_261 = vector.broadcast %and3A_260 : i32 to vector<16xi32>
          %and3A_262 = arith.andi %get3A_255, %and3A_261 : vector<16xi32>
          %bitcast3A_263 = vector.bitcast %and3A_262 : vector<16xi32> to vector<16xf32>
          %and3A_264 = arith.constant -65536 : i32
          %and3A_265 = vector.broadcast %and3A_264 : i32 to vector<16xi32>
          %and3A_266 = arith.andi %get3A_259, %and3A_265 : vector<16xi32>
          %bitcast3A_267 = vector.bitcast %and3A_266 : vector<16xi32> to vector<16xf32>
          %and3A_268 = arith.constant 65535 : i32
          %and3A_269 = vector.broadcast %and3A_268 : i32 to vector<16xi32>
          %and3A_270 = arith.andi %get3A_255, %and3A_269 : vector<16xi32>
          %gather3A_271 = tpu.vector_load_idx %arg7[%and3A_270] : memref<4096xf32, #tpu.memory_space<vmem>>[vector<16xi32>], vector<16xf32>,
          %and3A_272 = arith.constant 65535 : i32
          %and3A_273 = vector.broadcast %and3A_272 : i32 to vector<16xi32>
          %and3A_274 = arith.andi %get3A_259, %and3A_273 : vector<16xi32>
          %gather3A_275 = tpu.vector_load_idx %arg7[%and3A_274] : memref<4096xf32, #tpu.memory_space<vmem>>[vector<16xi32>], vector<16xf32>,
          %mul3A_276 = arith.mulf %bitcast3A_263, %gather3A_271 : vector<16xf32>
          %mul3A_277 = arith.mulf %bitcast3A_267, %gather3A_275 : vector<16xf32>
          %add3A_278 = arith.addf %mul3A_276, %mul3A_277 : vector<16xf32>
          %add3A_279 = arith.constant 224 : i32
          %add3A_280 = arith.addi %add3A_92, %add3A_279 : i32
          %get3A_281 = arith.index_cast %add3A_280 : i32 to index
          %get3A_282 = tpu.vector_load %arg8[%get3A_281] {strides = array<i32>} : memref<16384xi32, #tpu.memory_space<vmem>>, vector<16xi32>,
          %add3A_283 = arith.constant 16 : i32
          %add3A_284 = arith.addi %add3A_280, %add3A_283 : i32
          %get3A_285 = arith.index_cast %add3A_284 : i32 to index
          %get3A_286 = tpu.vector_load %arg8[%get3A_285] {strides = array<i32>} : memref<16384xi32, #tpu.memory_space<vmem>>, vector<16xi32>,
          %and3A_287 = arith.constant -65536 : i32
          %and3A_288 = vector.broadcast %and3A_287 : i32 to vector<16xi32>
          %and3A_289 = arith.andi %get3A_282, %and3A_288 : vector<16xi32>
          %bitcast3A_290 = vector.bitcast %and3A_289 : vector<16xi32> to vector<16xf32>
          %and3A_291 = arith.constant -65536 : i32
          %and3A_292 = vector.broadcast %and3A_291 : i32 to vector<16xi32>
          %and3A_293 = arith.andi %get3A_286, %and3A_292 : vector<16xi32>
          %bitcast3A_294 = vector.bitcast %and3A_293 : vector<16xi32> to vector<16xf32>
          %and3A_295 = arith.constant 65535 : i32
          %and3A_296 = vector.broadcast %and3A_295 : i32 to vector<16xi32>
          %and3A_297 = arith.andi %get3A_282, %and3A_296 : vector<16xi32>
          %gather3A_298 = tpu.vector_load_idx %arg7[%and3A_297] : memref<4096xf32, #tpu.memory_space<vmem>>[vector<16xi32>], vector<16xf32>,
          %and3A_299 = arith.constant 65535 : i32
          %and3A_300 = vector.broadcast %and3A_299 : i32 to vector<16xi32>
          %and3A_301 = arith.andi %get3A_286, %and3A_300 : vector<16xi32>
          %gather3A_302 = tpu.vector_load_idx %arg7[%and3A_301] : memref<4096xf32, #tpu.memory_space<vmem>>[vector<16xi32>], vector<16xf32>,
          %mul3A_303 = arith.mulf %bitcast3A_290, %gather3A_298 : vector<16xf32>
          %mul3A_304 = arith.mulf %bitcast3A_294, %gather3A_302 : vector<16xf32>
          %add3A_305 = arith.addf %mul3A_303, %mul3A_304 : vector<16xf32>
          %add3A_306 = arith.constant 256 : i32
          %add3A_307 = arith.addi %add3A_92, %add3A_306 : i32
          %get3A_308 = arith.index_cast %add3A_307 : i32 to index
          %get3A_309 = tpu.vector_load %arg8[%get3A_308] {strides = array<i32>} : memref<16384xi32, #tpu.memory_space<vmem>>, vector<16xi32>,
          %add3A_310 = arith.constant 16 : i32
          %add3A_311 = arith.addi %add3A_307, %add3A_310 : i32
          %get3A_312 = arith.index_cast %add3A_311 : i32 to index
          %get3A_313 = tpu.vector_load %arg8[%get3A_312] {strides = array<i32>} : memref<16384xi32, #tpu.memory_space<vmem>>, vector<16xi32>,
          %and3A_314 = arith.constant -65536 : i32
          %and3A_315 = vector.broadcast %and3A_314 : i32 to vector<16xi32>
          %and3A_316 = arith.andi %get3A_309, %and3A_315 : vector<16xi32>
          %bitcast3A_317 = vector.bitcast %and3A_316 : vector<16xi32> to vector<16xf32>
          %and3A_318 = arith.constant -65536 : i32
          %and3A_319 = vector.broadcast %and3A_318 : i32 to vector<16xi32>
          %and3A_320 = arith.andi %get3A_313, %and3A_319 : vector<16xi32>
          %bitcast3A_321 = vector.bitcast %and3A_320 : vector<16xi32> to vector<16xf32>
          %and3A_322 = arith.constant 65535 : i32
          %and3A_323 = vector.broadcast %and3A_322 : i32 to vector<16xi32>
          %and3A_324 = arith.andi %get3A_309, %and3A_323 : vector<16xi32>
          %gather3A_325 = tpu.vector_load_idx %arg7[%and3A_324] : memref<4096xf32, #tpu.memory_space<vmem>>[vector<16xi32>], vector<16xf32>,
          %and3A_326 = arith.constant 65535 : i32
          %and3A_327 = vector.broadcast %and3A_326 : i32 to vector<16xi32>
          %and3A_328 = arith.andi %get3A_313, %and3A_327 : vector<16xi32>
          %gather3A_329 = tpu.vector_load_idx %arg7[%and3A_328] : memref<4096xf32, #tpu.memory_space<vmem>>[vector<16xi32>], vector<16xf32>,
          %mul3A_330 = arith.mulf %bitcast3A_317, %gather3A_325 : vector<16xf32>
          %mul3A_331 = arith.mulf %bitcast3A_321, %gather3A_329 : vector<16xf32>
          %add3A_332 = arith.addf %mul3A_330, %mul3A_331 : vector<16xf32>
          %add3A_333 = arith.constant 288 : i32
          %add3A_334 = arith.addi %add3A_92, %add3A_333 : i32
          %get3A_335 = arith.index_cast %add3A_334 : i32 to index
          %get3A_336 = tpu.vector_load %arg8[%get3A_335] {strides = array<i32>} : memref<16384xi32, #tpu.memory_space<vmem>>, vector<16xi32>,
          %add3A_337 = arith.constant 16 : i32
          %add3A_338 = arith.addi %add3A_334, %add3A_337 : i32
          %get3A_339 = arith.index_cast %add3A_338 : i32 to index
          %get3A_340 = tpu.vector_load %arg8[%get3A_339] {strides = array<i32>} : memref<16384xi32, #tpu.memory_space<vmem>>, vector<16xi32>,
          %and3A_341 = arith.constant -65536 : i32
          %and3A_342 = vector.broadcast %and3A_341 : i32 to vector<16xi32>
          %and3A_343 = arith.andi %get3A_336, %and3A_342 : vector<16xi32>
          %bitcast3A_344 = vector.bitcast %and3A_343 : vector<16xi32> to vector<16xf32>
          %and3A_345 = arith.constant -65536 : i32
          %and3A_346 = vector.broadcast %and3A_345 : i32 to vector<16xi32>
          %and3A_347 = arith.andi %get3A_340, %and3A_346 : vector<16xi32>
          %bitcast3A_348 = vector.bitcast %and3A_347 : vector<16xi32> to vector<16xf32>
          %and3A_349 = arith.constant 65535 : i32
          %and3A_350 = vector.broadcast %and3A_349 : i32 to vector<16xi32>
          %and3A_351 = arith.andi %get3A_336, %and3A_350 : vector<16xi32>
          %gather3A_352 = tpu.vector_load_idx %arg7[%and3A_351] : memref<4096xf32, #tpu.memory_space<vmem>>[vector<16xi32>], vector<16xf32>,
          %and3A_353 = arith.constant 65535 : i32
          %and3A_354 = vector.broadcast %and3A_353 : i32 to vector<16xi32>
          %and3A_355 = arith.andi %get3A_340, %and3A_354 : vector<16xi32>
          %gather3A_356 = tpu.vector_load_idx %arg7[%and3A_355] : memref<4096xf32, #tpu.memory_space<vmem>>[vector<16xi32>], vector<16xf32>,
          %mul3A_357 = arith.mulf %bitcast3A_344, %gather3A_352 : vector<16xf32>
          %mul3A_358 = arith.mulf %bitcast3A_348, %gather3A_356 : vector<16xf32>
          %add3A_359 = arith.addf %mul3A_357, %mul3A_358 : vector<16xf32>
          %add3A_360 = arith.constant 320 : i32
          %add3A_361 = arith.addi %add3A_92, %add3A_360 : i32
          %get3A_362 = arith.index_cast %add3A_361 : i32 to index
          %get3A_363 = tpu.vector_load %arg8[%get3A_362] {strides = array<i32>} : memref<16384xi32, #tpu.memory_space<vmem>>, vector<16xi32>,
          %add3A_364 = arith.constant 16 : i32
          %add3A_365 = arith.addi %add3A_361, %add3A_364 : i32
          %get3A_366 = arith.index_cast %add3A_365 : i32 to index
          %get3A_367 = tpu.vector_load %arg8[%get3A_366] {strides = array<i32>} : memref<16384xi32, #tpu.memory_space<vmem>>, vector<16xi32>,
          %and3A_368 = arith.constant -65536 : i32
          %and3A_369 = vector.broadcast %and3A_368 : i32 to vector<16xi32>
          %and3A_370 = arith.andi %get3A_363, %and3A_369 : vector<16xi32>
          %bitcast3A_371 = vector.bitcast %and3A_370 : vector<16xi32> to vector<16xf32>
          %and3A_372 = arith.constant -65536 : i32
          %and3A_373 = vector.broadcast %and3A_372 : i32 to vector<16xi32>
          %and3A_374 = arith.andi %get3A_367, %and3A_373 : vector<16xi32>
          %bitcast3A_375 = vector.bitcast %and3A_374 : vector<16xi32> to vector<16xf32>
          %and3A_376 = arith.constant 65535 : i32
          %and3A_377 = vector.broadcast %and3A_376 : i32 to vector<16xi32>
          %and3A_378 = arith.andi %get3A_363, %and3A_377 : vector<16xi32>
          %gather3A_379 = tpu.vector_load_idx %arg7[%and3A_378] : memref<4096xf32, #tpu.memory_space<vmem>>[vector<16xi32>], vector<16xf32>,
          %and3A_380 = arith.constant 65535 : i32
          %and3A_381 = vector.broadcast %and3A_380 : i32 to vector<16xi32>
          %and3A_382 = arith.andi %get3A_367, %and3A_381 : vector<16xi32>
          %gather3A_383 = tpu.vector_load_idx %arg7[%and3A_382] : memref<4096xf32, #tpu.memory_space<vmem>>[vector<16xi32>], vector<16xf32>,
          %mul3A_384 = arith.mulf %bitcast3A_371, %gather3A_379 : vector<16xf32>
          %mul3A_385 = arith.mulf %bitcast3A_375, %gather3A_383 : vector<16xf32>
          %add3A_386 = arith.addf %mul3A_384, %mul3A_385 : vector<16xf32>
          %add3A_387 = arith.constant 352 : i32
          %add3A_388 = arith.addi %add3A_92, %add3A_387 : i32
          %get3A_389 = arith.index_cast %add3A_388 : i32 to index
          %get3A_390 = tpu.vector_load %arg8[%get3A_389] {strides = array<i32>} : memref<16384xi32, #tpu.memory_space<vmem>>, vector<16xi32>,
          %add3A_391 = arith.constant 16 : i32
          %add3A_392 = arith.addi %add3A_388, %add3A_391 : i32
          %get3A_393 = arith.index_cast %add3A_392 : i32 to index
          %get3A_394 = tpu.vector_load %arg8[%get3A_393] {strides = array<i32>} : memref<16384xi32, #tpu.memory_space<vmem>>, vector<16xi32>,
          %and3A_395 = arith.constant -65536 : i32
          %and3A_396 = vector.broadcast %and3A_395 : i32 to vector<16xi32>
          %and3A_397 = arith.andi %get3A_390, %and3A_396 : vector<16xi32>
          %bitcast3A_398 = vector.bitcast %and3A_397 : vector<16xi32> to vector<16xf32>
          %and3A_399 = arith.constant -65536 : i32
          %and3A_400 = vector.broadcast %and3A_399 : i32 to vector<16xi32>
          %and3A_401 = arith.andi %get3A_394, %and3A_400 : vector<16xi32>
          %bitcast3A_402 = vector.bitcast %and3A_401 : vector<16xi32> to vector<16xf32>
          %and3A_403 = arith.constant 65535 : i32
          %and3A_404 = vector.broadcast %and3A_403 : i32 to vector<16xi32>
          %and3A_405 = arith.andi %get3A_390, %and3A_404 : vector<16xi32>
          %gather3A_406 = tpu.vector_load_idx %arg7[%and3A_405] : memref<4096xf32, #tpu.memory_space<vmem>>[vector<16xi32>], vector<16xf32>,
          %and3A_407 = arith.constant 65535 : i32
          %and3A_408 = vector.broadcast %and3A_407 : i32 to vector<16xi32>
          %and3A_409 = arith.andi %get3A_394, %and3A_408 : vector<16xi32>
          %gather3A_410 = tpu.vector_load_idx %arg7[%and3A_409] : memref<4096xf32, #tpu.memory_space<vmem>>[vector<16xi32>], vector<16xf32>,
          %mul3A_411 = arith.mulf %bitcast3A_398, %gather3A_406 : vector<16xf32>
          %mul3A_412 = arith.mulf %bitcast3A_402, %gather3A_410 : vector<16xf32>
          %add3A_413 = arith.addf %mul3A_411, %mul3A_412 : vector<16xf32>
          %add3A_414 = arith.constant 384 : i32
          %add3A_415 = arith.addi %add3A_92, %add3A_414 : i32
          %get3A_416 = arith.index_cast %add3A_415 : i32 to index
          %get3A_417 = tpu.vector_load %arg8[%get3A_416] {strides = array<i32>} : memref<16384xi32, #tpu.memory_space<vmem>>, vector<16xi32>,
          %add3A_418 = arith.constant 16 : i32
          %add3A_419 = arith.addi %add3A_415, %add3A_418 : i32
          %get3A_420 = arith.index_cast %add3A_419 : i32 to index
          %get3A_421 = tpu.vector_load %arg8[%get3A_420] {strides = array<i32>} : memref<16384xi32, #tpu.memory_space<vmem>>, vector<16xi32>,
          %and3A_422 = arith.constant -65536 : i32
          %and3A_423 = vector.broadcast %and3A_422 : i32 to vector<16xi32>
          %and3A_424 = arith.andi %get3A_417, %and3A_423 : vector<16xi32>
          %bitcast3A_425 = vector.bitcast %and3A_424 : vector<16xi32> to vector<16xf32>
          %and3A_426 = arith.constant -65536 : i32
          %and3A_427 = vector.broadcast %and3A_426 : i32 to vector<16xi32>
          %and3A_428 = arith.andi %get3A_421, %and3A_427 : vector<16xi32>
          %bitcast3A_429 = vector.bitcast %and3A_428 : vector<16xi32> to vector<16xf32>
          %and3A_430 = arith.constant 65535 : i32
          %and3A_431 = vector.broadcast %and3A_430 : i32 to vector<16xi32>
          %and3A_432 = arith.andi %get3A_417, %and3A_431 : vector<16xi32>
          %gather3A_433 = tpu.vector_load_idx %arg7[%and3A_432] : memref<4096xf32, #tpu.memory_space<vmem>>[vector<16xi32>], vector<16xf32>,
          %and3A_434 = arith.constant 65535 : i32
          %and3A_435 = vector.broadcast %and3A_434 : i32 to vector<16xi32>
          %and3A_436 = arith.andi %get3A_421, %and3A_435 : vector<16xi32>
          %gather3A_437 = tpu.vector_load_idx %arg7[%and3A_436] : memref<4096xf32, #tpu.memory_space<vmem>>[vector<16xi32>], vector<16xf32>,
          %mul3A_438 = arith.mulf %bitcast3A_425, %gather3A_433 : vector<16xf32>
          %mul3A_439 = arith.mulf %bitcast3A_429, %gather3A_437 : vector<16xf32>
          %add3A_440 = arith.addf %mul3A_438, %mul3A_439 : vector<16xf32>
          %add3A_441 = arith.constant 416 : i32
          %add3A_442 = arith.addi %add3A_92, %add3A_441 : i32
          %get3A_443 = arith.index_cast %add3A_442 : i32 to index
          %get3A_444 = tpu.vector_load %arg8[%get3A_443] {strides = array<i32>} : memref<16384xi32, #tpu.memory_space<vmem>>, vector<16xi32>,
          %add3A_445 = arith.constant 16 : i32
          %add3A_446 = arith.addi %add3A_442, %add3A_445 : i32
          %get3A_447 = arith.index_cast %add3A_446 : i32 to index
          %get3A_448 = tpu.vector_load %arg8[%get3A_447] {strides = array<i32>} : memref<16384xi32, #tpu.memory_space<vmem>>, vector<16xi32>,
          %and3A_449 = arith.constant -65536 : i32
          %and3A_450 = vector.broadcast %and3A_449 : i32 to vector<16xi32>
          %and3A_451 = arith.andi %get3A_444, %and3A_450 : vector<16xi32>
          %bitcast3A_452 = vector.bitcast %and3A_451 : vector<16xi32> to vector<16xf32>
          %and3A_453 = arith.constant -65536 : i32
          %and3A_454 = vector.broadcast %and3A_453 : i32 to vector<16xi32>
          %and3A_455 = arith.andi %get3A_448, %and3A_454 : vector<16xi32>
          %bitcast3A_456 = vector.bitcast %and3A_455 : vector<16xi32> to vector<16xf32>
          %and3A_457 = arith.constant 65535 : i32
          %and3A_458 = vector.broadcast %and3A_457 : i32 to vector<16xi32>
          %and3A_459 = arith.andi %get3A_444, %and3A_458 : vector<16xi32>
          %gather3A_460 = tpu.vector_load_idx %arg7[%and3A_459] : memref<4096xf32, #tpu.memory_space<vmem>>[vector<16xi32>], vector<16xf32>,
          %and3A_461 = arith.constant 65535 : i32
          %and3A_462 = vector.broadcast %and3A_461 : i32 to vector<16xi32>
          %and3A_463 = arith.andi %get3A_448, %and3A_462 : vector<16xi32>
          %gather3A_464 = tpu.vector_load_idx %arg7[%and3A_463] : memref<4096xf32, #tpu.memory_space<vmem>>[vector<16xi32>], vector<16xf32>,
          %mul3A_465 = arith.mulf %bitcast3A_452, %gather3A_460 : vector<16xf32>
          %mul3A_466 = arith.mulf %bitcast3A_456, %gather3A_464 : vector<16xf32>
          %add3A_467 = arith.addf %mul3A_465, %mul3A_466 : vector<16xf32>
          %add3A_468 = arith.constant 448 : i32
          %add3A_469 = arith.addi %add3A_92, %add3A_468 : i32
          %get3A_470 = arith.index_cast %add3A_469 : i32 to index
          %get3A_471 = tpu.vector_load %arg8[%get3A_470] {strides = array<i32>} : memref<16384xi32, #tpu.memory_space<vmem>>, vector<16xi32>,
          %add3A_472 = arith.constant 16 : i32
          %add3A_473 = arith.addi %add3A_469, %add3A_472 : i32
          %get3A_474 = arith.index_cast %add3A_473 : i32 to index
          %get3A_475 = tpu.vector_load %arg8[%get3A_474] {strides = array<i32>} : memref<16384xi32, #tpu.memory_space<vmem>>, vector<16xi32>,
          %and3A_476 = arith.constant -65536 : i32
          %and3A_477 = vector.broadcast %and3A_476 : i32 to vector<16xi32>
          %and3A_478 = arith.andi %get3A_471, %and3A_477 : vector<16xi32>
          %bitcast3A_479 = vector.bitcast %and3A_478 : vector<16xi32> to vector<16xf32>
          %and3A_480 = arith.constant -65536 : i32
          %and3A_481 = vector.broadcast %and3A_480 : i32 to vector<16xi32>
          %and3A_482 = arith.andi %get3A_475, %and3A_481 : vector<16xi32>
          %bitcast3A_483 = vector.bitcast %and3A_482 : vector<16xi32> to vector<16xf32>
          %and3A_484 = arith.constant 65535 : i32
          %and3A_485 = vector.broadcast %and3A_484 : i32 to vector<16xi32>
          %and3A_486 = arith.andi %get3A_471, %and3A_485 : vector<16xi32>
          %gather3A_487 = tpu.vector_load_idx %arg7[%and3A_486] : memref<4096xf32, #tpu.memory_space<vmem>>[vector<16xi32>], vector<16xf32>,
          %and3A_488 = arith.constant 65535 : i32
          %and3A_489 = vector.broadcast %and3A_488 : i32 to vector<16xi32>
          %and3A_490 = arith.andi %get3A_475, %and3A_489 : vector<16xi32>
          %gather3A_491 = tpu.vector_load_idx %arg7[%and3A_490] : memref<4096xf32, #tpu.memory_space<vmem>>[vector<16xi32>], vector<16xf32>,
          %mul3A_492 = arith.mulf %bitcast3A_479, %gather3A_487 : vector<16xf32>
          %mul3A_493 = arith.mulf %bitcast3A_483, %gather3A_491 : vector<16xf32>
          %add3A_494 = arith.addf %mul3A_492, %mul3A_493 : vector<16xf32>
          %add3A_495 = arith.constant 480 : i32
          %add3A_496 = arith.addi %add3A_92, %add3A_495 : i32
          %get3A_497 = arith.index_cast %add3A_496 : i32 to index
          %get3A_498 = tpu.vector_load %arg8[%get3A_497] {strides = array<i32>} : memref<16384xi32, #tpu.memory_space<vmem>>, vector<16xi32>,
          %add3A_499 = arith.constant 16 : i32
          %add3A_500 = arith.addi %add3A_496, %add3A_499 : i32
          %get3A_501 = arith.index_cast %add3A_500 : i32 to index
          %get3A_502 = tpu.vector_load %arg8[%get3A_501] {strides = array<i32>} : memref<16384xi32, #tpu.memory_space<vmem>>, vector<16xi32>,
          %and3A_503 = arith.constant -65536 : i32
          %and3A_504 = vector.broadcast %and3A_503 : i32 to vector<16xi32>
          %and3A_505 = arith.andi %get3A_498, %and3A_504 : vector<16xi32>
          %bitcast3A_506 = vector.bitcast %and3A_505 : vector<16xi32> to vector<16xf32>
          %and3A_507 = arith.constant -65536 : i32
          %and3A_508 = vector.broadcast %and3A_507 : i32 to vector<16xi32>
          %and3A_509 = arith.andi %get3A_502, %and3A_508 : vector<16xi32>
          %bitcast3A_510 = vector.bitcast %and3A_509 : vector<16xi32> to vector<16xf32>
          %and3A_511 = arith.constant 65535 : i32
          %and3A_512 = vector.broadcast %and3A_511 : i32 to vector<16xi32>
          %and3A_513 = arith.andi %get3A_498, %and3A_512 : vector<16xi32>
          %gather3A_514 = tpu.vector_load_idx %arg7[%and3A_513] : memref<4096xf32, #tpu.memory_space<vmem>>[vector<16xi32>], vector<16xf32>,
          %and3A_515 = arith.constant 65535 : i32
          %and3A_516 = vector.broadcast %and3A_515 : i32 to vector<16xi32>
          %and3A_517 = arith.andi %get3A_502, %and3A_516 : vector<16xi32>
          %gather3A_518 = tpu.vector_load_idx %arg7[%and3A_517] : memref<4096xf32, #tpu.memory_space<vmem>>[vector<16xi32>], vector<16xf32>,
          %mul3A_519 = arith.mulf %bitcast3A_506, %gather3A_514 : vector<16xf32>
          %mul3A_520 = arith.mulf %bitcast3A_510, %gather3A_518 : vector<16xf32>
          %add3A_521 = arith.addf %mul3A_519, %mul3A_520 : vector<16xf32>
          %iota3A = tpu.iota {dimensions = array<i32: 0>} : vector<16xi32>
          %xor3A = arith.constant 1 : i32
          %xor3A_522 = vector.broadcast %xor3A : i32 to vector<16xi32>
          %xor3A_523 = arith.xori %iota3A, %xor3A_522 : vector<16xi32>
          %and3A_524 = arith.constant 1 : i32
          %and3A_525 = vector.broadcast %and3A_524 : i32 to vector<16xi32>
          %and3A_526 = arith.andi %iota3A, %and3A_525 : vector<16xi32>
          %eq3A_527 = arith.constant 0 : i32
          %eq3A_528 = vector.broadcast %eq3A_527 : i32 to vector<16xi32>
          %eq3A_529 = arith.cmpi eq, %and3A_526, %eq3A_528 : vector<16xi32>
          %lt3A_530 = arith.constant 0 : i32
          %lt3A_531 = vector.broadcast %lt3A_530 : i32 to vector<16xi32>
          %lt3A_532 = arith.cmpi slt, %xor3A_523, %lt3A_531 : vector<16xi32>
          %add3A_533 = arith.constant 16 : i32
          %add3A_534 = vector.broadcast %add3A_533 : i32 to vector<16xi32>
          %add3A_535 = arith.addi %xor3A_523, %add3A_534 : vector<16xi32>
          %select_n3A = arith.select %lt3A_532, %add3A_535, %xor3A_523 : vector<16xi1>, vector<16xi32>
          %reshape3A = vector.shape_cast %select_n3A : vector<16xi32> to vector<16x1xi32>
          %gather3A_536 = vector.shape_cast %reshape3A : vector<16x1xi32> to vector<16xi32>
          %gather3A_537 = tpu.dynamic_gather %add3A_116[%gather3A_536] in [0] : vector<16xf32>, vector<16xi32> -> vector<16xf32>
          %lt3A_538 = arith.constant 0 : i32
          %lt3A_539 = vector.broadcast %lt3A_538 : i32 to vector<16xi32>
          %lt3A_540 = arith.cmpi slt, %xor3A_523, %lt3A_539 : vector<16xi32>
          %add3A_541 = arith.constant 16 : i32
          %add3A_542 = vector.broadcast %add3A_541 : i32 to vector<16xi32>
          %add3A_543 = arith.addi %xor3A_523, %add3A_542 : vector<16xi32>
          %select_n3A_544 = arith.select %lt3A_540, %add3A_543, %xor3A_523 : vector<16xi1>, vector<16xi32>
          %reshape3A_545 = vector.shape_cast %select_n3A_544 : vector<16xi32> to vector<16x1xi32>
          %gather3A_546 = vector.shape_cast %reshape3A_545 : vector<16x1xi32> to vector<16xi32>
          %gather3A_547 = tpu.dynamic_gather %add3A_143[%gather3A_546] in [0] : vector<16xf32>, vector<16xi32> -> vector<16xf32>
          %select_n3A_548 = arith.select %eq3A_529, %add3A_116, %gather3A_547 : vector<16xi1>, vector<16xf32>
          %select_n3A_549 = arith.select %eq3A_529, %gather3A_537, %add3A_143 : vector<16xi1>, vector<16xf32>
          %add3A_550 = arith.addf %select_n3A_548, %select_n3A_549 : vector<16xf32>
          %lt3A_551 = arith.constant 0 : i32
          %lt3A_552 = vector.broadcast %lt3A_551 : i32 to vector<16xi32>
          %lt3A_553 = arith.cmpi slt, %xor3A_523, %lt3A_552 : vector<16xi32>
          %add3A_554 = arith.constant 16 : i32
          %add3A_555 = vector.broadcast %add3A_554 : i32 to vector<16xi32>
          %add3A_556 = arith.addi %xor3A_523, %add3A_555 : vector<16xi32>
          %select_n3A_557 = arith.select %lt3A_553, %add3A_556, %xor3A_523 : vector<16xi1>, vector<16xi32>
          %reshape3A_558 = vector.shape_cast %select_n3A_557 : vector<16xi32> to vector<16x1xi32>
          %gather3A_559 = vector.shape_cast %reshape3A_558 : vector<16x1xi32> to vector<16xi32>
          %gather3A_560 = tpu.dynamic_gather %add3A_170[%gather3A_559] in [0] : vector<16xf32>, vector<16xi32> -> vector<16xf32>
          %lt3A_561 = arith.constant 0 : i32
          %lt3A_562 = vector.broadcast %lt3A_561 : i32 to vector<16xi32>
          %lt3A_563 = arith.cmpi slt, %xor3A_523, %lt3A_562 : vector<16xi32>
          %add3A_564 = arith.constant 16 : i32
          %add3A_565 = vector.broadcast %add3A_564 : i32 to vector<16xi32>
          %add3A_566 = arith.addi %xor3A_523, %add3A_565 : vector<16xi32>
          %select_n3A_567 = arith.select %lt3A_563, %add3A_566, %xor3A_523 : vector<16xi1>, vector<16xi32>
          %reshape3A_568 = vector.shape_cast %select_n3A_567 : vector<16xi32> to vector<16x1xi32>
          %gather3A_569 = vector.shape_cast %reshape3A_568 : vector<16x1xi32> to vector<16xi32>
          %gather3A_570 = tpu.dynamic_gather %add3A_197[%gather3A_569] in [0] : vector<16xf32>, vector<16xi32> -> vector<16xf32>
          %select_n3A_571 = arith.select %eq3A_529, %add3A_170, %gather3A_570 : vector<16xi1>, vector<16xf32>
          %select_n3A_572 = arith.select %eq3A_529, %gather3A_560, %add3A_197 : vector<16xi1>, vector<16xf32>
          %add3A_573 = arith.addf %select_n3A_571, %select_n3A_572 : vector<16xf32>
          %lt3A_574 = arith.constant 0 : i32
          %lt3A_575 = vector.broadcast %lt3A_574 : i32 to vector<16xi32>
          %lt3A_576 = arith.cmpi slt, %xor3A_523, %lt3A_575 : vector<16xi32>
          %add3A_577 = arith.constant 16 : i32
          %add3A_578 = vector.broadcast %add3A_577 : i32 to vector<16xi32>
          %add3A_579 = arith.addi %xor3A_523, %add3A_578 : vector<16xi32>
          %select_n3A_580 = arith.select %lt3A_576, %add3A_579, %xor3A_523 : vector<16xi1>, vector<16xi32>
          %reshape3A_581 = vector.shape_cast %select_n3A_580 : vector<16xi32> to vector<16x1xi32>
          %gather3A_582 = vector.shape_cast %reshape3A_581 : vector<16x1xi32> to vector<16xi32>
          %gather3A_583 = tpu.dynamic_gather %add3A_224[%gather3A_582] in [0] : vector<16xf32>, vector<16xi32> -> vector<16xf32>
          %lt3A_584 = arith.constant 0 : i32
          %lt3A_585 = vector.broadcast %lt3A_584 : i32 to vector<16xi32>
          %lt3A_586 = arith.cmpi slt, %xor3A_523, %lt3A_585 : vector<16xi32>
          %add3A_587 = arith.constant 16 : i32
          %add3A_588 = vector.broadcast %add3A_587 : i32 to vector<16xi32>
          %add3A_589 = arith.addi %xor3A_523, %add3A_588 : vector<16xi32>
          %select_n3A_590 = arith.select %lt3A_586, %add3A_589, %xor3A_523 : vector<16xi1>, vector<16xi32>
          %reshape3A_591 = vector.shape_cast %select_n3A_590 : vector<16xi32> to vector<16x1xi32>
          %gather3A_592 = vector.shape_cast %reshape3A_591 : vector<16x1xi32> to vector<16xi32>
          %gather3A_593 = tpu.dynamic_gather %add3A_251[%gather3A_592] in [0] : vector<16xf32>, vector<16xi32> -> vector<16xf32>
          %select_n3A_594 = arith.select %eq3A_529, %add3A_224, %gather3A_593 : vector<16xi1>, vector<16xf32>
          %select_n3A_595 = arith.select %eq3A_529, %gather3A_583, %add3A_251 : vector<16xi1>, vector<16xf32>
          %add3A_596 = arith.addf %select_n3A_594, %select_n3A_595 : vector<16xf32>
          %lt3A_597 = arith.constant 0 : i32
          %lt3A_598 = vector.broadcast %lt3A_597 : i32 to vector<16xi32>
          %lt3A_599 = arith.cmpi slt, %xor3A_523, %lt3A_598 : vector<16xi32>
          %add3A_600 = arith.constant 16 : i32
          %add3A_601 = vector.broadcast %add3A_600 : i32 to vector<16xi32>
          %add3A_602 = arith.addi %xor3A_523, %add3A_601 : vector<16xi32>
          %select_n3A_603 = arith.select %lt3A_599, %add3A_602, %xor3A_523 : vector<16xi1>, vector<16xi32>
          %reshape3A_604 = vector.shape_cast %select_n3A_603 : vector<16xi32> to vector<16x1xi32>
          %gather3A_605 = vector.shape_cast %reshape3A_604 : vector<16x1xi32> to vector<16xi32>
          %gather3A_606 = tpu.dynamic_gather %add3A_278[%gather3A_605] in [0] : vector<16xf32>, vector<16xi32> -> vector<16xf32>
          %lt3A_607 = arith.constant 0 : i32
          %lt3A_608 = vector.broadcast %lt3A_607 : i32 to vector<16xi32>
          %lt3A_609 = arith.cmpi slt, %xor3A_523, %lt3A_608 : vector<16xi32>
          %add3A_610 = arith.constant 16 : i32
          %add3A_611 = vector.broadcast %add3A_610 : i32 to vector<16xi32>
          %add3A_612 = arith.addi %xor3A_523, %add3A_611 : vector<16xi32>
          %select_n3A_613 = arith.select %lt3A_609, %add3A_612, %xor3A_523 : vector<16xi1>, vector<16xi32>
          %reshape3A_614 = vector.shape_cast %select_n3A_613 : vector<16xi32> to vector<16x1xi32>
          %gather3A_615 = vector.shape_cast %reshape3A_614 : vector<16x1xi32> to vector<16xi32>
          %gather3A_616 = tpu.dynamic_gather %add3A_305[%gather3A_615] in [0] : vector<16xf32>, vector<16xi32> -> vector<16xf32>
          %select_n3A_617 = arith.select %eq3A_529, %add3A_278, %gather3A_616 : vector<16xi1>, vector<16xf32>
          %select_n3A_618 = arith.select %eq3A_529, %gather3A_606, %add3A_305 : vector<16xi1>, vector<16xf32>
          %add3A_619 = arith.addf %select_n3A_617, %select_n3A_618 : vector<16xf32>
          %lt3A_620 = arith.constant 0 : i32
          %lt3A_621 = vector.broadcast %lt3A_620 : i32 to vector<16xi32>
          %lt3A_622 = arith.cmpi slt, %xor3A_523, %lt3A_621 : vector<16xi32>
          %add3A_623 = arith.constant 16 : i32
          %add3A_624 = vector.broadcast %add3A_623 : i32 to vector<16xi32>
          %add3A_625 = arith.addi %xor3A_523, %add3A_624 : vector<16xi32>
          %select_n3A_626 = arith.select %lt3A_622, %add3A_625, %xor3A_523 : vector<16xi1>, vector<16xi32>
          %reshape3A_627 = vector.shape_cast %select_n3A_626 : vector<16xi32> to vector<16x1xi32>
          %gather3A_628 = vector.shape_cast %reshape3A_627 : vector<16x1xi32> to vector<16xi32>
          %gather3A_629 = tpu.dynamic_gather %add3A_332[%gather3A_628] in [0] : vector<16xf32>, vector<16xi32> -> vector<16xf32>
          %lt3A_630 = arith.constant 0 : i32
          %lt3A_631 = vector.broadcast %lt3A_630 : i32 to vector<16xi32>
          %lt3A_632 = arith.cmpi slt, %xor3A_523, %lt3A_631 : vector<16xi32>
          %add3A_633 = arith.constant 16 : i32
          %add3A_634 = vector.broadcast %add3A_633 : i32 to vector<16xi32>
          %add3A_635 = arith.addi %xor3A_523, %add3A_634 : vector<16xi32>
          %select_n3A_636 = arith.select %lt3A_632, %add3A_635, %xor3A_523 : vector<16xi1>, vector<16xi32>
          %reshape3A_637 = vector.shape_cast %select_n3A_636 : vector<16xi32> to vector<16x1xi32>
          %gather3A_638 = vector.shape_cast %reshape3A_637 : vector<16x1xi32> to vector<16xi32>
          %gather3A_639 = tpu.dynamic_gather %add3A_359[%gather3A_638] in [0] : vector<16xf32>, vector<16xi32> -> vector<16xf32>
          %select_n3A_640 = arith.select %eq3A_529, %add3A_332, %gather3A_639 : vector<16xi1>, vector<16xf32>
          %select_n3A_641 = arith.select %eq3A_529, %gather3A_629, %add3A_359 : vector<16xi1>, vector<16xf32>
          %add3A_642 = arith.addf %select_n3A_640, %select_n3A_641 : vector<16xf32>
          %lt3A_643 = arith.constant 0 : i32
          %lt3A_644 = vector.broadcast %lt3A_643 : i32 to vector<16xi32>
          %lt3A_645 = arith.cmpi slt, %xor3A_523, %lt3A_644 : vector<16xi32>
          %add3A_646 = arith.constant 16 : i32
          %add3A_647 = vector.broadcast %add3A_646 : i32 to vector<16xi32>
          %add3A_648 = arith.addi %xor3A_523, %add3A_647 : vector<16xi32>
          %select_n3A_649 = arith.select %lt3A_645, %add3A_648, %xor3A_523 : vector<16xi1>, vector<16xi32>
          %reshape3A_650 = vector.shape_cast %select_n3A_649 : vector<16xi32> to vector<16x1xi32>
          %gather3A_651 = vector.shape_cast %reshape3A_650 : vector<16x1xi32> to vector<16xi32>
          %gather3A_652 = tpu.dynamic_gather %add3A_386[%gather3A_651] in [0] : vector<16xf32>, vector<16xi32> -> vector<16xf32>
          %lt3A_653 = arith.constant 0 : i32
          %lt3A_654 = vector.broadcast %lt3A_653 : i32 to vector<16xi32>
          %lt3A_655 = arith.cmpi slt, %xor3A_523, %lt3A_654 : vector<16xi32>
          %add3A_656 = arith.constant 16 : i32
          %add3A_657 = vector.broadcast %add3A_656 : i32 to vector<16xi32>
          %add3A_658 = arith.addi %xor3A_523, %add3A_657 : vector<16xi32>
          %select_n3A_659 = arith.select %lt3A_655, %add3A_658, %xor3A_523 : vector<16xi1>, vector<16xi32>
          %reshape3A_660 = vector.shape_cast %select_n3A_659 : vector<16xi32> to vector<16x1xi32>
          %gather3A_661 = vector.shape_cast %reshape3A_660 : vector<16x1xi32> to vector<16xi32>
          %gather3A_662 = tpu.dynamic_gather %add3A_413[%gather3A_661] in [0] : vector<16xf32>, vector<16xi32> -> vector<16xf32>
          %select_n3A_663 = arith.select %eq3A_529, %add3A_386, %gather3A_662 : vector<16xi1>, vector<16xf32>
          %select_n3A_664 = arith.select %eq3A_529, %gather3A_652, %add3A_413 : vector<16xi1>, vector<16xf32>
          %add3A_665 = arith.addf %select_n3A_663, %select_n3A_664 : vector<16xf32>
          %lt3A_666 = arith.constant 0 : i32
          %lt3A_667 = vector.broadcast %lt3A_666 : i32 to vector<16xi32>
          %lt3A_668 = arith.cmpi slt, %xor3A_523, %lt3A_667 : vector<16xi32>
          %add3A_669 = arith.constant 16 : i32
          %add3A_670 = vector.broadcast %add3A_669 : i32 to vector<16xi32>
          %add3A_671 = arith.addi %xor3A_523, %add3A_670 : vector<16xi32>
          %select_n3A_672 = arith.select %lt3A_668, %add3A_671, %xor3A_523 : vector<16xi1>, vector<16xi32>
          %reshape3A_673 = vector.shape_cast %select_n3A_672 : vector<16xi32> to vector<16x1xi32>
          %gather3A_674 = vector.shape_cast %reshape3A_673 : vector<16x1xi32> to vector<16xi32>
          %gather3A_675 = tpu.dynamic_gather %add3A_440[%gather3A_674] in [0] : vector<16xf32>, vector<16xi32> -> vector<16xf32>
          %lt3A_676 = arith.constant 0 : i32
          %lt3A_677 = vector.broadcast %lt3A_676 : i32 to vector<16xi32>
          %lt3A_678 = arith.cmpi slt, %xor3A_523, %lt3A_677 : vector<16xi32>
          %add3A_679 = arith.constant 16 : i32
          %add3A_680 = vector.broadcast %add3A_679 : i32 to vector<16xi32>
          %add3A_681 = arith.addi %xor3A_523, %add3A_680 : vector<16xi32>
          %select_n3A_682 = arith.select %lt3A_678, %add3A_681, %xor3A_523 : vector<16xi1>, vector<16xi32>
          %reshape3A_683 = vector.shape_cast %select_n3A_682 : vector<16xi32> to vector<16x1xi32>
          %gather3A_684 = vector.shape_cast %reshape3A_683 : vector<16x1xi32> to vector<16xi32>
          %gather3A_685 = tpu.dynamic_gather %add3A_467[%gather3A_684] in [0] : vector<16xf32>, vector<16xi32> -> vector<16xf32>
          %select_n3A_686 = arith.select %eq3A_529, %add3A_440, %gather3A_685 : vector<16xi1>, vector<16xf32>
          %select_n3A_687 = arith.select %eq3A_529, %gather3A_675, %add3A_467 : vector<16xi1>, vector<16xf32>
          %add3A_688 = arith.addf %select_n3A_686, %select_n3A_687 : vector<16xf32>
          %lt3A_689 = arith.constant 0 : i32
          %lt3A_690 = vector.broadcast %lt3A_689 : i32 to vector<16xi32>
          %lt3A_691 = arith.cmpi slt, %xor3A_523, %lt3A_690 : vector<16xi32>
          %add3A_692 = arith.constant 16 : i32
          %add3A_693 = vector.broadcast %add3A_692 : i32 to vector<16xi32>
          %add3A_694 = arith.addi %xor3A_523, %add3A_693 : vector<16xi32>
          %select_n3A_695 = arith.select %lt3A_691, %add3A_694, %xor3A_523 : vector<16xi1>, vector<16xi32>
          %reshape3A_696 = vector.shape_cast %select_n3A_695 : vector<16xi32> to vector<16x1xi32>
          %gather3A_697 = vector.shape_cast %reshape3A_696 : vector<16x1xi32> to vector<16xi32>
          %gather3A_698 = tpu.dynamic_gather %add3A_494[%gather3A_697] in [0] : vector<16xf32>, vector<16xi32> -> vector<16xf32>
          %lt3A_699 = arith.constant 0 : i32
          %lt3A_700 = vector.broadcast %lt3A_699 : i32 to vector<16xi32>
          %lt3A_701 = arith.cmpi slt, %xor3A_523, %lt3A_700 : vector<16xi32>
          %add3A_702 = arith.constant 16 : i32
          %add3A_703 = vector.broadcast %add3A_702 : i32 to vector<16xi32>
          %add3A_704 = arith.addi %xor3A_523, %add3A_703 : vector<16xi32>
          %select_n3A_705 = arith.select %lt3A_701, %add3A_704, %xor3A_523 : vector<16xi1>, vector<16xi32>
          %reshape3A_706 = vector.shape_cast %select_n3A_705 : vector<16xi32> to vector<16x1xi32>
          %gather3A_707 = vector.shape_cast %reshape3A_706 : vector<16x1xi32> to vector<16xi32>
          %gather3A_708 = tpu.dynamic_gather %add3A_521[%gather3A_707] in [0] : vector<16xf32>, vector<16xi32> -> vector<16xf32>
          %select_n3A_709 = arith.select %eq3A_529, %add3A_494, %gather3A_708 : vector<16xi1>, vector<16xf32>
          %select_n3A_710 = arith.select %eq3A_529, %gather3A_698, %add3A_521 : vector<16xi1>, vector<16xf32>
          %add3A_711 = arith.addf %select_n3A_709, %select_n3A_710 : vector<16xf32>
          %xor3A_712 = arith.constant 2 : i32
          %xor3A_713 = vector.broadcast %xor3A_712 : i32 to vector<16xi32>
          %xor3A_714 = arith.xori %iota3A, %xor3A_713 : vector<16xi32>
          %and3A_715 = arith.constant 2 : i32
          %and3A_716 = vector.broadcast %and3A_715 : i32 to vector<16xi32>
          %and3A_717 = arith.andi %iota3A, %and3A_716 : vector<16xi32>
          %eq3A_718 = arith.constant 0 : i32
          %eq3A_719 = vector.broadcast %eq3A_718 : i32 to vector<16xi32>
          %eq3A_720 = arith.cmpi eq, %and3A_717, %eq3A_719 : vector<16xi32>
          %lt3A_721 = arith.constant 0 : i32
          %lt3A_722 = vector.broadcast %lt3A_721 : i32 to vector<16xi32>
          %lt3A_723 = arith.cmpi slt, %xor3A_714, %lt3A_722 : vector<16xi32>
          %add3A_724 = arith.constant 16 : i32
          %add3A_725 = vector.broadcast %add3A_724 : i32 to vector<16xi32>
          %add3A_726 = arith.addi %xor3A_714, %add3A_725 : vector<16xi32>
          %select_n3A_727 = arith.select %lt3A_723, %add3A_726, %xor3A_714 : vector<16xi1>, vector<16xi32>
          %reshape3A_728 = vector.shape_cast %select_n3A_727 : vector<16xi32> to vector<16x1xi32>
          %gather3A_729 = vector.shape_cast %reshape3A_728 : vector<16x1xi32> to vector<16xi32>
          %gather3A_730 = tpu.dynamic_gather %add3A_550[%gather3A_729] in [0] : vector<16xf32>, vector<16xi32> -> vector<16xf32>
          %lt3A_731 = arith.constant 0 : i32
          %lt3A_732 = vector.broadcast %lt3A_731 : i32 to vector<16xi32>
          %lt3A_733 = arith.cmpi slt, %xor3A_714, %lt3A_732 : vector<16xi32>
          %add3A_734 = arith.constant 16 : i32
          %add3A_735 = vector.broadcast %add3A_734 : i32 to vector<16xi32>
          %add3A_736 = arith.addi %xor3A_714, %add3A_735 : vector<16xi32>
          %select_n3A_737 = arith.select %lt3A_733, %add3A_736, %xor3A_714 : vector<16xi1>, vector<16xi32>
          %reshape3A_738 = vector.shape_cast %select_n3A_737 : vector<16xi32> to vector<16x1xi32>
          %gather3A_739 = vector.shape_cast %reshape3A_738 : vector<16x1xi32> to vector<16xi32>
          %gather3A_740 = tpu.dynamic_gather %add3A_573[%gather3A_739] in [0] : vector<16xf32>, vector<16xi32> -> vector<16xf32>
          %select_n3A_741 = arith.select %eq3A_720, %add3A_550, %gather3A_740 : vector<16xi1>, vector<16xf32>
          %select_n3A_742 = arith.select %eq3A_720, %gather3A_730, %add3A_573 : vector<16xi1>, vector<16xf32>
          %add3A_743 = arith.addf %select_n3A_741, %select_n3A_742 : vector<16xf32>
          %lt3A_744 = arith.constant 0 : i32
          %lt3A_745 = vector.broadcast %lt3A_744 : i32 to vector<16xi32>
          %lt3A_746 = arith.cmpi slt, %xor3A_714, %lt3A_745 : vector<16xi32>
          %add3A_747 = arith.constant 16 : i32
          %add3A_748 = vector.broadcast %add3A_747 : i32 to vector<16xi32>
          %add3A_749 = arith.addi %xor3A_714, %add3A_748 : vector<16xi32>
          %select_n3A_750 = arith.select %lt3A_746, %add3A_749, %xor3A_714 : vector<16xi1>, vector<16xi32>
          %reshape3A_751 = vector.shape_cast %select_n3A_750 : vector<16xi32> to vector<16x1xi32>
          %gather3A_752 = vector.shape_cast %reshape3A_751 : vector<16x1xi32> to vector<16xi32>
          %gather3A_753 = tpu.dynamic_gather %add3A_596[%gather3A_752] in [0] : vector<16xf32>, vector<16xi32> -> vector<16xf32>
          %lt3A_754 = arith.constant 0 : i32
          %lt3A_755 = vector.broadcast %lt3A_754 : i32 to vector<16xi32>
          %lt3A_756 = arith.cmpi slt, %xor3A_714, %lt3A_755 : vector<16xi32>
          %add3A_757 = arith.constant 16 : i32
          %add3A_758 = vector.broadcast %add3A_757 : i32 to vector<16xi32>
          %add3A_759 = arith.addi %xor3A_714, %add3A_758 : vector<16xi32>
          %select_n3A_760 = arith.select %lt3A_756, %add3A_759, %xor3A_714 : vector<16xi1>, vector<16xi32>
          %reshape3A_761 = vector.shape_cast %select_n3A_760 : vector<16xi32> to vector<16x1xi32>
          %gather3A_762 = vector.shape_cast %reshape3A_761 : vector<16x1xi32> to vector<16xi32>
          %gather3A_763 = tpu.dynamic_gather %add3A_619[%gather3A_762] in [0] : vector<16xf32>, vector<16xi32> -> vector<16xf32>
          %select_n3A_764 = arith.select %eq3A_720, %add3A_596, %gather3A_763 : vector<16xi1>, vector<16xf32>
          %select_n3A_765 = arith.select %eq3A_720, %gather3A_753, %add3A_619 : vector<16xi1>, vector<16xf32>
          %add3A_766 = arith.addf %select_n3A_764, %select_n3A_765 : vector<16xf32>
          %lt3A_767 = arith.constant 0 : i32
          %lt3A_768 = vector.broadcast %lt3A_767 : i32 to vector<16xi32>
          %lt3A_769 = arith.cmpi slt, %xor3A_714, %lt3A_768 : vector<16xi32>
          %add3A_770 = arith.constant 16 : i32
          %add3A_771 = vector.broadcast %add3A_770 : i32 to vector<16xi32>
          %add3A_772 = arith.addi %xor3A_714, %add3A_771 : vector<16xi32>
          %select_n3A_773 = arith.select %lt3A_769, %add3A_772, %xor3A_714 : vector<16xi1>, vector<16xi32>
          %reshape3A_774 = vector.shape_cast %select_n3A_773 : vector<16xi32> to vector<16x1xi32>
          %gather3A_775 = vector.shape_cast %reshape3A_774 : vector<16x1xi32> to vector<16xi32>
          %gather3A_776 = tpu.dynamic_gather %add3A_642[%gather3A_775] in [0] : vector<16xf32>, vector<16xi32> -> vector<16xf32>
          %lt3A_777 = arith.constant 0 : i32
          %lt3A_778 = vector.broadcast %lt3A_777 : i32 to vector<16xi32>
          %lt3A_779 = arith.cmpi slt, %xor3A_714, %lt3A_778 : vector<16xi32>
          %add3A_780 = arith.constant 16 : i32
          %add3A_781 = vector.broadcast %add3A_780 : i32 to vector<16xi32>
          %add3A_782 = arith.addi %xor3A_714, %add3A_781 : vector<16xi32>
          %select_n3A_783 = arith.select %lt3A_779, %add3A_782, %xor3A_714 : vector<16xi1>, vector<16xi32>
          %reshape3A_784 = vector.shape_cast %select_n3A_783 : vector<16xi32> to vector<16x1xi32>
          %gather3A_785 = vector.shape_cast %reshape3A_784 : vector<16x1xi32> to vector<16xi32>
          %gather3A_786 = tpu.dynamic_gather %add3A_665[%gather3A_785] in [0] : vector<16xf32>, vector<16xi32> -> vector<16xf32>
          %select_n3A_787 = arith.select %eq3A_720, %add3A_642, %gather3A_786 : vector<16xi1>, vector<16xf32>
          %select_n3A_788 = arith.select %eq3A_720, %gather3A_776, %add3A_665 : vector<16xi1>, vector<16xf32>
          %add3A_789 = arith.addf %select_n3A_787, %select_n3A_788 : vector<16xf32>
          %lt3A_790 = arith.constant 0 : i32
          %lt3A_791 = vector.broadcast %lt3A_790 : i32 to vector<16xi32>
          %lt3A_792 = arith.cmpi slt, %xor3A_714, %lt3A_791 : vector<16xi32>
          %add3A_793 = arith.constant 16 : i32
          %add3A_794 = vector.broadcast %add3A_793 : i32 to vector<16xi32>
          %add3A_795 = arith.addi %xor3A_714, %add3A_794 : vector<16xi32>
          %select_n3A_796 = arith.select %lt3A_792, %add3A_795, %xor3A_714 : vector<16xi1>, vector<16xi32>
          %reshape3A_797 = vector.shape_cast %select_n3A_796 : vector<16xi32> to vector<16x1xi32>
          %gather3A_798 = vector.shape_cast %reshape3A_797 : vector<16x1xi32> to vector<16xi32>
          %gather3A_799 = tpu.dynamic_gather %add3A_688[%gather3A_798] in [0] : vector<16xf32>, vector<16xi32> -> vector<16xf32>
          %lt3A_800 = arith.constant 0 : i32
          %lt3A_801 = vector.broadcast %lt3A_800 : i32 to vector<16xi32>
          %lt3A_802 = arith.cmpi slt, %xor3A_714, %lt3A_801 : vector<16xi32>
          %add3A_803 = arith.constant 16 : i32
          %add3A_804 = vector.broadcast %add3A_803 : i32 to vector<16xi32>
          %add3A_805 = arith.addi %xor3A_714, %add3A_804 : vector<16xi32>
          %select_n3A_806 = arith.select %lt3A_802, %add3A_805, %xor3A_714 : vector<16xi1>, vector<16xi32>
          %reshape3A_807 = vector.shape_cast %select_n3A_806 : vector<16xi32> to vector<16x1xi32>
          %gather3A_808 = vector.shape_cast %reshape3A_807 : vector<16x1xi32> to vector<16xi32>
          %gather3A_809 = tpu.dynamic_gather %add3A_711[%gather3A_808] in [0] : vector<16xf32>, vector<16xi32> -> vector<16xf32>
          %select_n3A_810 = arith.select %eq3A_720, %add3A_688, %gather3A_809 : vector<16xi1>, vector<16xf32>
          %select_n3A_811 = arith.select %eq3A_720, %gather3A_799, %add3A_711 : vector<16xi1>, vector<16xf32>
          %add3A_812 = arith.addf %select_n3A_810, %select_n3A_811 : vector<16xf32>
          %xor3A_813 = arith.constant 4 : i32
          %xor3A_814 = vector.broadcast %xor3A_813 : i32 to vector<16xi32>
          %xor3A_815 = arith.xori %iota3A, %xor3A_814 : vector<16xi32>
          %and3A_816 = arith.constant 4 : i32
          %and3A_817 = vector.broadcast %and3A_816 : i32 to vector<16xi32>
          %and3A_818 = arith.andi %iota3A, %and3A_817 : vector<16xi32>
          %eq3A_819 = arith.constant 0 : i32
          %eq3A_820 = vector.broadcast %eq3A_819 : i32 to vector<16xi32>
          %eq3A_821 = arith.cmpi eq, %and3A_818, %eq3A_820 : vector<16xi32>
          %lt3A_822 = arith.constant 0 : i32
          %lt3A_823 = vector.broadcast %lt3A_822 : i32 to vector<16xi32>
          %lt3A_824 = arith.cmpi slt, %xor3A_815, %lt3A_823 : vector<16xi32>
          %add3A_825 = arith.constant 16 : i32
          %add3A_826 = vector.broadcast %add3A_825 : i32 to vector<16xi32>
          %add3A_827 = arith.addi %xor3A_815, %add3A_826 : vector<16xi32>
          %select_n3A_828 = arith.select %lt3A_824, %add3A_827, %xor3A_815 : vector<16xi1>, vector<16xi32>
          %reshape3A_829 = vector.shape_cast %select_n3A_828 : vector<16xi32> to vector<16x1xi32>
          %gather3A_830 = vector.shape_cast %reshape3A_829 : vector<16x1xi32> to vector<16xi32>
          %gather3A_831 = tpu.dynamic_gather %add3A_743[%gather3A_830] in [0] : vector<16xf32>, vector<16xi32> -> vector<16xf32>
          %lt3A_832 = arith.constant 0 : i32
          %lt3A_833 = vector.broadcast %lt3A_832 : i32 to vector<16xi32>
          %lt3A_834 = arith.cmpi slt, %xor3A_815, %lt3A_833 : vector<16xi32>
          %add3A_835 = arith.constant 16 : i32
          %add3A_836 = vector.broadcast %add3A_835 : i32 to vector<16xi32>
          %add3A_837 = arith.addi %xor3A_815, %add3A_836 : vector<16xi32>
          %select_n3A_838 = arith.select %lt3A_834, %add3A_837, %xor3A_815 : vector<16xi1>, vector<16xi32>
          %reshape3A_839 = vector.shape_cast %select_n3A_838 : vector<16xi32> to vector<16x1xi32>
          %gather3A_840 = vector.shape_cast %reshape3A_839 : vector<16x1xi32> to vector<16xi32>
          %gather3A_841 = tpu.dynamic_gather %add3A_766[%gather3A_840] in [0] : vector<16xf32>, vector<16xi32> -> vector<16xf32>
          %select_n3A_842 = arith.select %eq3A_821, %add3A_743, %gather3A_841 : vector<16xi1>, vector<16xf32>
          %select_n3A_843 = arith.select %eq3A_821, %gather3A_831, %add3A_766 : vector<16xi1>, vector<16xf32>
          %add3A_844 = arith.addf %select_n3A_842, %select_n3A_843 : vector<16xf32>
          %lt3A_845 = arith.constant 0 : i32
          %lt3A_846 = vector.broadcast %lt3A_845 : i32 to vector<16xi32>
          %lt3A_847 = arith.cmpi slt, %xor3A_815, %lt3A_846 : vector<16xi32>
          %add3A_848 = arith.constant 16 : i32
          %add3A_849 = vector.broadcast %add3A_848 : i32 to vector<16xi32>
          %add3A_850 = arith.addi %xor3A_815, %add3A_849 : vector<16xi32>
          %select_n3A_851 = arith.select %lt3A_847, %add3A_850, %xor3A_815 : vector<16xi1>, vector<16xi32>
          %reshape3A_852 = vector.shape_cast %select_n3A_851 : vector<16xi32> to vector<16x1xi32>
          %gather3A_853 = vector.shape_cast %reshape3A_852 : vector<16x1xi32> to vector<16xi32>
          %gather3A_854 = tpu.dynamic_gather %add3A_789[%gather3A_853] in [0] : vector<16xf32>, vector<16xi32> -> vector<16xf32>
          %lt3A_855 = arith.constant 0 : i32
          %lt3A_856 = vector.broadcast %lt3A_855 : i32 to vector<16xi32>
          %lt3A_857 = arith.cmpi slt, %xor3A_815, %lt3A_856 : vector<16xi32>
          %add3A_858 = arith.constant 16 : i32
          %add3A_859 = vector.broadcast %add3A_858 : i32 to vector<16xi32>
          %add3A_860 = arith.addi %xor3A_815, %add3A_859 : vector<16xi32>
          %select_n3A_861 = arith.select %lt3A_857, %add3A_860, %xor3A_815 : vector<16xi1>, vector<16xi32>
          %reshape3A_862 = vector.shape_cast %select_n3A_861 : vector<16xi32> to vector<16x1xi32>
          %gather3A_863 = vector.shape_cast %reshape3A_862 : vector<16x1xi32> to vector<16xi32>
          %gather3A_864 = tpu.dynamic_gather %add3A_812[%gather3A_863] in [0] : vector<16xf32>, vector<16xi32> -> vector<16xf32>
          %select_n3A_865 = arith.select %eq3A_821, %add3A_789, %gather3A_864 : vector<16xi1>, vector<16xf32>
          %select_n3A_866 = arith.select %eq3A_821, %gather3A_854, %add3A_812 : vector<16xi1>, vector<16xf32>
          %add3A_867 = arith.addf %select_n3A_865, %select_n3A_866 : vector<16xf32>
          %xor3A_868 = arith.constant 8 : i32
          %xor3A_869 = vector.broadcast %xor3A_868 : i32 to vector<16xi32>
          %xor3A_870 = arith.xori %iota3A, %xor3A_869 : vector<16xi32>
          %and3A_871 = arith.constant 8 : i32
          %and3A_872 = vector.broadcast %and3A_871 : i32 to vector<16xi32>
          %and3A_873 = arith.andi %iota3A, %and3A_872 : vector<16xi32>
          %eq3A_874 = arith.constant 0 : i32
          %eq3A_875 = vector.broadcast %eq3A_874 : i32 to vector<16xi32>
          %eq3A_876 = arith.cmpi eq, %and3A_873, %eq3A_875 : vector<16xi32>
          %lt3A_877 = arith.constant 0 : i32
          %lt3A_878 = vector.broadcast %lt3A_877 : i32 to vector<16xi32>
          %lt3A_879 = arith.cmpi slt, %xor3A_870, %lt3A_878 : vector<16xi32>
          %add3A_880 = arith.constant 16 : i32
          %add3A_881 = vector.broadcast %add3A_880 : i32 to vector<16xi32>
          %add3A_882 = arith.addi %xor3A_870, %add3A_881 : vector<16xi32>
          %select_n3A_883 = arith.select %lt3A_879, %add3A_882, %xor3A_870 : vector<16xi1>, vector<16xi32>
          %reshape3A_884 = vector.shape_cast %select_n3A_883 : vector<16xi32> to vector<16x1xi32>
          %gather3A_885 = vector.shape_cast %reshape3A_884 : vector<16x1xi32> to vector<16xi32>
          %gather3A_886 = tpu.dynamic_gather %add3A_844[%gather3A_885] in [0] : vector<16xf32>, vector<16xi32> -> vector<16xf32>
          %lt3A_887 = arith.constant 0 : i32
          %lt3A_888 = vector.broadcast %lt3A_887 : i32 to vector<16xi32>
          %lt3A_889 = arith.cmpi slt, %xor3A_870, %lt3A_888 : vector<16xi32>
          %add3A_890 = arith.constant 16 : i32
          %add3A_891 = vector.broadcast %add3A_890 : i32 to vector<16xi32>
          %add3A_892 = arith.addi %xor3A_870, %add3A_891 : vector<16xi32>
          %select_n3A_893 = arith.select %lt3A_889, %add3A_892, %xor3A_870 : vector<16xi1>, vector<16xi32>
          %reshape3A_894 = vector.shape_cast %select_n3A_893 : vector<16xi32> to vector<16x1xi32>
          %gather3A_895 = vector.shape_cast %reshape3A_894 : vector<16x1xi32> to vector<16xi32>
          %gather3A_896 = tpu.dynamic_gather %add3A_867[%gather3A_895] in [0] : vector<16xf32>, vector<16xi32> -> vector<16xf32>
          %select_n3A_897 = arith.select %eq3A_876, %add3A_844, %gather3A_896 : vector<16xi1>, vector<16xf32>
          %select_n3A_898 = arith.select %eq3A_876, %gather3A_886, %add3A_867 : vector<16xi1>, vector<16xf32>
          %add3A_899 = arith.addf %select_n3A_897, %select_n3A_898 : vector<16xf32>
          %add3A_900 = arith.addf %add3A_899, %get3A_87 : vector<16xf32>
          %neg3A = arith.constant 0.000000e+00 : f32
          %neg3A_901 = vector.broadcast %neg3A : f32 to vector<16xf32>
          %neg3A_902 = arith.subf %neg3A_901, %add3A_900 : vector<16xf32>
          %exp3A = math.exp %neg3A_902 : vector<16xf32>
          %add3A_903 = arith.constant 1.000000e+00 : f32
          %add3A_904 = vector.broadcast %add3A_903 : f32 to vector<16xf32>
          %add3A_905 = arith.addf %add3A_904, %exp3A : vector<16xf32>
          %div3A = arith.divf %add3A_900, %add3A_905 : vector<16xf32>
          %swap3A = arith.index_cast %mul3A_83 : i32 to index
          %swap3A_906 = tpu.vector_load %arg12[%swap3A] {strides = array<i32>} : memref<256xf32, #tpu.memory_space<vmem>>, vector<16xf32>,
          tpu.vector_store %arg12[%swap3A], %div3A {strides = array<i32>} : memref<256xf32, #tpu.memory_space<vmem>>, vector<16xf32>,
        }
        %scan3A_80 = arith.constant 16 : i32
        "tpu.region"() ({
          %run_scoped3A = tpu.sem_alloc : memref<!tpu.dma_semaphore, #tpu.memory_space<semaphore_mem>>
          %dma_start3A_81 = tpu.memref_slice %arg13[%rem3A_48, %mul3A_2] : memref<2x4096xf32, #tpu.memory_space<vmem_shared>> -> memref<1x256xf32, #tpu.memory_space<vmem_shared>>
          %dma_start3A_82 = tpu.memref_squeeze %dma_start3A_81 : memref<1x256xf32, #tpu.memory_space<vmem_shared>> -> memref<256xf32, #tpu.memory_space<vmem_shared>>
          %dma_start3A_83 = tpu.memref_slice %arg13[%rem3A_48, %mul3A_2] : memref<2x4096xf32, #tpu.memory_space<vmem_shared>> -> memref<1x256xf32, #tpu.memory_space<vmem_shared>>
          %dma_start3A_84 = tpu.memref_squeeze %dma_start3A_83 : memref<1x256xf32, #tpu.memory_space<vmem_shared>> -> memref<256xf32, #tpu.memory_space<vmem_shared>>
          tpu.enqueue_dma source(%arg12 : memref<256xf32, #tpu.memory_space<vmem>>) target(%dma_start3A_84 : memref<256xf32, #tpu.memory_space<vmem_shared>>) target_semaphore(%run_scoped3A : memref<!tpu.dma_semaphore, #tpu.memory_space<semaphore_mem>>)
          %dma_wait3A_85 = tpu.memref_slice %arg13[%rem3A_48, %mul3A_2] : memref<2x4096xf32, #tpu.memory_space<vmem_shared>> -> memref<1x256xf32, #tpu.memory_space<vmem_shared>>
          %dma_wait3A_86 = tpu.memref_squeeze %dma_wait3A_85 : memref<1x256xf32, #tpu.memory_space<vmem_shared>> -> memref<256xf32, #tpu.memory_space<vmem_shared>>
          %dma_wait3A_87 = tpu.memref_slice %arg13[%rem3A_48, %mul3A_2] : memref<2x4096xf32, #tpu.memory_space<vmem_shared>> -> memref<1x256xf32, #tpu.memory_space<vmem_shared>>
          %dma_wait3A_88 = tpu.memref_squeeze %dma_wait3A_87 : memref<1x256xf32, #tpu.memory_space<vmem_shared>> -> memref<256xf32, #tpu.memory_space<vmem_shared>>
          tpu.wait_dma2 semaphore(%run_scoped3A : memref<!tpu.dma_semaphore, #tpu.memory_space<semaphore_mem>>) src(%arg12 : memref<256xf32, #tpu.memory_space<vmem>>) dst(%dma_wait3A_88 : memref<256xf32, #tpu.memory_space<vmem_shared>>)
          tpu.yield
        }) : () -> ()
        %barrier3A = arith.constant 0 : index
        tpu.barrier barrier_id(%barrier3A)
        "tpu.region"() ({
          %run_scoped3A = tpu.sem_alloc : memref<!tpu.dma_semaphore, #tpu.memory_space<semaphore_mem>>
          %dma_start3A_81 = arith.constant 0 : i32
          %dma_start3A_82 = tpu.memref_slice %arg13[%rem3A_48, %dma_start3A_81] : memref<2x4096xf32, #tpu.memory_space<vmem_shared>> -> memref<1x4096xf32, #tpu.memory_space<vmem_shared>>
          %dma_start3A_83 = tpu.memref_squeeze %dma_start3A_82 : memref<1x4096xf32, #tpu.memory_space<vmem_shared>> -> memref<4096xf32, #tpu.memory_space<vmem_shared>>
          %dma_start3A_84 = arith.constant 0 : i32
          %dma_start3A_85 = tpu.memref_slice %arg13[%rem3A_48, %dma_start3A_84] : memref<2x4096xf32, #tpu.memory_space<vmem_shared>> -> memref<1x4096xf32, #tpu.memory_space<vmem_shared>>
          %dma_start3A_86 = tpu.memref_squeeze %dma_start3A_85 : memref<1x4096xf32, #tpu.memory_space<vmem_shared>> -> memref<4096xf32, #tpu.memory_space<vmem_shared>>
          tpu.enqueue_dma source(%dma_start3A_86 : memref<4096xf32, #tpu.memory_space<vmem_shared>>) target(%arg7 : memref<4096xf32, #tpu.memory_space<vmem>>) target_semaphore(%run_scoped3A : memref<!tpu.dma_semaphore, #tpu.memory_space<semaphore_mem>>)
          %dma_wait3A_87 = arith.constant 0 : i32
          %dma_wait3A_88 = tpu.memref_slice %arg13[%rem3A_48, %dma_wait3A_87] : memref<2x4096xf32, #tpu.memory_space<vmem_shared>> -> memref<1x4096xf32, #tpu.memory_space<vmem_shared>>
          %dma_wait3A_89 = tpu.memref_squeeze %dma_wait3A_88 : memref<1x4096xf32, #tpu.memory_space<vmem_shared>> -> memref<4096xf32, #tpu.memory_space<vmem_shared>>
          %dma_wait3A_90 = arith.constant 0 : i32
          %dma_wait3A_91 = tpu.memref_slice %arg13[%rem3A_48, %dma_wait3A_90] : memref<2x4096xf32, #tpu.memory_space<vmem_shared>> -> memref<1x4096xf32, #tpu.memory_space<vmem_shared>>
          %dma_wait3A_92 = tpu.memref_squeeze %dma_wait3A_91 : memref<1x4096xf32, #tpu.memory_space<vmem_shared>> -> memref<4096xf32, #tpu.memory_space<vmem_shared>>
          tpu.wait_dma2 semaphore(%run_scoped3A : memref<!tpu.dma_semaphore, #tpu.memory_space<semaphore_mem>>) src(%dma_wait3A_92 : memref<4096xf32, #tpu.memory_space<vmem_shared>>) dst(%arg7 : memref<4096xf32, #tpu.memory_space<vmem>>)
          tpu.yield
        }) : () -> ()
      }
      %scan3A_33 = arith.constant 23 : i32
      %mul3A_34 = arith.constant 2048 : i32
      %mul3A_35 = arith.muli %arg1, %mul3A_34 : i32
      %dma_wait3A = tpu.memref_slice %arg4[%mul3A_35] : memref<32768xi32, #tpu.memory_space<hbm>> -> memref<2048xi32, #tpu.memory_space<hbm>>
      %dma_wait3A_36 = tpu.memref_slice %arg4[%mul3A_35] : memref<32768xi32, #tpu.memory_space<hbm>> -> memref<2048xi32, #tpu.memory_space<hbm>>
      tpu.wait_dma2 semaphore(%arg16 : memref<!tpu.dma_semaphore, #tpu.memory_space<semaphore_mem>>) src(%dma_wait3A_36 : memref<2048xi32, #tpu.memory_space<hbm>>) dst(%arg9 : memref<2048xi32, #tpu.memory_space<vmem>>)
      %add3A_37 = arith.constant 94208 : i32
      %add3A_38 = arith.addi %add3A_37, %mul3A_4 : i32
      %dma_wait3A_39 = tpu.memref_slice %arg5[%add3A_38] : memref<95232xf32, #tpu.memory_space<hbm>> -> memref<64xf32, #tpu.memory_space<hbm>>
      %dma_wait3A_40 = tpu.memref_slice %arg5[%add3A_38] : memref<95232xf32, #tpu.memory_space<hbm>> -> memref<64xf32, #tpu.memory_space<hbm>>
      tpu.wait_dma2 semaphore(%arg16 : memref<!tpu.dma_semaphore, #tpu.memory_space<semaphore_mem>>) src(%dma_wait3A_40 : memref<64xf32, #tpu.memory_space<hbm>>) dst(%arg11 : memref<64xf32, #tpu.memory_space<vmem>>)
      %scan3A_41 = arith.constant 0 : i32
      %scan3A_42 = arith.constant 0 : i32
      %scan3A_43 = arith.constant 4 : i32
      %scan3A_44 = arith.addi %scan3A_42, %scan3A_43 : i32
      %scan3A_45 = arith.constant 1 : i32
      scf.for %scan3A_47 = %scan3A_42 to %scan3A_44 step %scan3A_45  : i32 {
        %mul3A_48 = arith.constant 16 : i32
        %mul3A_49 = arith.muli %scan3A_47, %mul3A_48 : i32
        %get3A = arith.index_cast %mul3A_49 : i32 to index
        %get3A_50 = tpu.vector_load %arg11[%get3A] {strides = array<i32>} : memref<64xf32, #tpu.memory_space<vmem>>, vector<16xf32>,
        %mul3A_51 = arith.constant 32 : i32
        %mul3A_52 = arith.muli %mul3A_49, %mul3A_51 : i32
        %add3A_53 = arith.constant 0 : i32
        %add3A_54 = arith.addi %mul3A_52, %add3A_53 : i32
        %get3A_55 = arith.index_cast %add3A_54 : i32 to index
        %get3A_56 = tpu.vector_load %arg9[%get3A_55] {strides = array<i32>} : memref<2048xi32, #tpu.memory_space<vmem>>, vector<16xi32>,
        %add3A_57 = arith.constant 16 : i32
        %add3A_58 = arith.addi %add3A_54, %add3A_57 : i32
        %get3A_59 = arith.index_cast %add3A_58 : i32 to index
        %get3A_60 = tpu.vector_load %arg9[%get3A_59] {strides = array<i32>} : memref<2048xi32, #tpu.memory_space<vmem>>, vector<16xi32>,
        %and3A = arith.constant -65536 : i32
        %and3A_61 = vector.broadcast %and3A : i32 to vector<16xi32>
        %and3A_62 = arith.andi %get3A_56, %and3A_61 : vector<16xi32>
        %bitcast3A = vector.bitcast %and3A_62 : vector<16xi32> to vector<16xf32>
        %and3A_63 = arith.constant -65536 : i32
        %and3A_64 = vector.broadcast %and3A_63 : i32 to vector<16xi32>
        %and3A_65 = arith.andi %get3A_60, %and3A_64 : vector<16xi32>
        %bitcast3A_66 = vector.bitcast %and3A_65 : vector<16xi32> to vector<16xf32>
        %and3A_67 = arith.constant 65535 : i32
        %and3A_68 = vector.broadcast %and3A_67 : i32 to vector<16xi32>
        %and3A_69 = arith.andi %get3A_56, %and3A_68 : vector<16xi32>
        %gather3A = tpu.vector_load_idx %arg7[%and3A_69] : memref<4096xf32, #tpu.memory_space<vmem>>[vector<16xi32>], vector<16xf32>,
        %and3A_70 = arith.constant 65535 : i32
        %and3A_71 = vector.broadcast %and3A_70 : i32 to vector<16xi32>
        %and3A_72 = arith.andi %get3A_60, %and3A_71 : vector<16xi32>
        %gather3A_73 = tpu.vector_load_idx %arg7[%and3A_72] : memref<4096xf32, #tpu.memory_space<vmem>>[vector<16xi32>], vector<16xf32>,
        %mul3A_74 = arith.mulf %bitcast3A, %gather3A : vector<16xf32>
        %mul3A_75 = arith.mulf %bitcast3A_66, %gather3A_73 : vector<16xf32>
        %add3A_76 = arith.addf %mul3A_74, %mul3A_75 : vector<16xf32>
        %add3A_77 = arith.constant 32 : i32
        %add3A_78 = arith.addi %mul3A_52, %add3A_77 : i32
        %get3A_79 = arith.index_cast %add3A_78 : i32 to index
        %get3A_80 = tpu.vector_load %arg9[%get3A_79] {strides = array<i32>} : memref<2048xi32, #tpu.memory_space<vmem>>, vector<16xi32>,
        %add3A_81 = arith.constant 16 : i32
        %add3A_82 = arith.addi %add3A_78, %add3A_81 : i32
        %get3A_83 = arith.index_cast %add3A_82 : i32 to index
        %get3A_84 = tpu.vector_load %arg9[%get3A_83] {strides = array<i32>} : memref<2048xi32, #tpu.memory_space<vmem>>, vector<16xi32>,
        %and3A_85 = arith.constant -65536 : i32
        %and3A_86 = vector.broadcast %and3A_85 : i32 to vector<16xi32>
        %and3A_87 = arith.andi %get3A_80, %and3A_86 : vector<16xi32>
        %bitcast3A_88 = vector.bitcast %and3A_87 : vector<16xi32> to vector<16xf32>
        %and3A_89 = arith.constant -65536 : i32
        %and3A_90 = vector.broadcast %and3A_89 : i32 to vector<16xi32>
        %and3A_91 = arith.andi %get3A_84, %and3A_90 : vector<16xi32>
        %bitcast3A_92 = vector.bitcast %and3A_91 : vector<16xi32> to vector<16xf32>
        %and3A_93 = arith.constant 65535 : i32
        %and3A_94 = vector.broadcast %and3A_93 : i32 to vector<16xi32>
        %and3A_95 = arith.andi %get3A_80, %and3A_94 : vector<16xi32>
        %gather3A_96 = tpu.vector_load_idx %arg7[%and3A_95] : memref<4096xf32, #tpu.memory_space<vmem>>[vector<16xi32>], vector<16xf32>,
        %and3A_97 = arith.constant 65535 : i32
        %and3A_98 = vector.broadcast %and3A_97 : i32 to vector<16xi32>
        %and3A_99 = arith.andi %get3A_84, %and3A_98 : vector<16xi32>
        %gather3A_100 = tpu.vector_load_idx %arg7[%and3A_99] : memref<4096xf32, #tpu.memory_space<vmem>>[vector<16xi32>], vector<16xf32>,
        %mul3A_101 = arith.mulf %bitcast3A_88, %gather3A_96 : vector<16xf32>
        %mul3A_102 = arith.mulf %bitcast3A_92, %gather3A_100 : vector<16xf32>
        %add3A_103 = arith.addf %mul3A_101, %mul3A_102 : vector<16xf32>
        %add3A_104 = arith.constant 64 : i32
        %add3A_105 = arith.addi %mul3A_52, %add3A_104 : i32
        %get3A_106 = arith.index_cast %add3A_105 : i32 to index
        %get3A_107 = tpu.vector_load %arg9[%get3A_106] {strides = array<i32>} : memref<2048xi32, #tpu.memory_space<vmem>>, vector<16xi32>,
        %add3A_108 = arith.constant 16 : i32
        %add3A_109 = arith.addi %add3A_105, %add3A_108 : i32
        %get3A_110 = arith.index_cast %add3A_109 : i32 to index
        %get3A_111 = tpu.vector_load %arg9[%get3A_110] {strides = array<i32>} : memref<2048xi32, #tpu.memory_space<vmem>>, vector<16xi32>,
        %and3A_112 = arith.constant -65536 : i32
        %and3A_113 = vector.broadcast %and3A_112 : i32 to vector<16xi32>
        %and3A_114 = arith.andi %get3A_107, %and3A_113 : vector<16xi32>
        %bitcast3A_115 = vector.bitcast %and3A_114 : vector<16xi32> to vector<16xf32>
        %and3A_116 = arith.constant -65536 : i32
        %and3A_117 = vector.broadcast %and3A_116 : i32 to vector<16xi32>
        %and3A_118 = arith.andi %get3A_111, %and3A_117 : vector<16xi32>
        %bitcast3A_119 = vector.bitcast %and3A_118 : vector<16xi32> to vector<16xf32>
        %and3A_120 = arith.constant 65535 : i32
        %and3A_121 = vector.broadcast %and3A_120 : i32 to vector<16xi32>
        %and3A_122 = arith.andi %get3A_107, %and3A_121 : vector<16xi32>
        %gather3A_123 = tpu.vector_load_idx %arg7[%and3A_122] : memref<4096xf32, #tpu.memory_space<vmem>>[vector<16xi32>], vector<16xf32>,
        %and3A_124 = arith.constant 65535 : i32
        %and3A_125 = vector.broadcast %and3A_124 : i32 to vector<16xi32>
        %and3A_126 = arith.andi %get3A_111, %and3A_125 : vector<16xi32>
        %gather3A_127 = tpu.vector_load_idx %arg7[%and3A_126] : memref<4096xf32, #tpu.memory_space<vmem>>[vector<16xi32>], vector<16xf32>,
        %mul3A_128 = arith.mulf %bitcast3A_115, %gather3A_123 : vector<16xf32>
        %mul3A_129 = arith.mulf %bitcast3A_119, %gather3A_127 : vector<16xf32>
        %add3A_130 = arith.addf %mul3A_128, %mul3A_129 : vector<16xf32>
        %add3A_131 = arith.constant 96 : i32
        %add3A_132 = arith.addi %mul3A_52, %add3A_131 : i32
        %get3A_133 = arith.index_cast %add3A_132 : i32 to index
        %get3A_134 = tpu.vector_load %arg9[%get3A_133] {strides = array<i32>} : memref<2048xi32, #tpu.memory_space<vmem>>, vector<16xi32>,
        %add3A_135 = arith.constant 16 : i32
        %add3A_136 = arith.addi %add3A_132, %add3A_135 : i32
        %get3A_137 = arith.index_cast %add3A_136 : i32 to index
        %get3A_138 = tpu.vector_load %arg9[%get3A_137] {strides = array<i32>} : memref<2048xi32, #tpu.memory_space<vmem>>, vector<16xi32>,
        %and3A_139 = arith.constant -65536 : i32
        %and3A_140 = vector.broadcast %and3A_139 : i32 to vector<16xi32>
        %and3A_141 = arith.andi %get3A_134, %and3A_140 : vector<16xi32>
        %bitcast3A_142 = vector.bitcast %and3A_141 : vector<16xi32> to vector<16xf32>
        %and3A_143 = arith.constant -65536 : i32
        %and3A_144 = vector.broadcast %and3A_143 : i32 to vector<16xi32>
        %and3A_145 = arith.andi %get3A_138, %and3A_144 : vector<16xi32>
        %bitcast3A_146 = vector.bitcast %and3A_145 : vector<16xi32> to vector<16xf32>
        %and3A_147 = arith.constant 65535 : i32
        %and3A_148 = vector.broadcast %and3A_147 : i32 to vector<16xi32>
        %and3A_149 = arith.andi %get3A_134, %and3A_148 : vector<16xi32>
        %gather3A_150 = tpu.vector_load_idx %arg7[%and3A_149] : memref<4096xf32, #tpu.memory_space<vmem>>[vector<16xi32>], vector<16xf32>,
        %and3A_151 = arith.constant 65535 : i32
        %and3A_152 = vector.broadcast %and3A_151 : i32 to vector<16xi32>
        %and3A_153 = arith.andi %get3A_138, %and3A_152 : vector<16xi32>
        %gather3A_154 = tpu.vector_load_idx %arg7[%and3A_153] : memref<4096xf32, #tpu.memory_space<vmem>>[vector<16xi32>], vector<16xf32>,
        %mul3A_155 = arith.mulf %bitcast3A_142, %gather3A_150 : vector<16xf32>
        %mul3A_156 = arith.mulf %bitcast3A_146, %gather3A_154 : vector<16xf32>
        %add3A_157 = arith.addf %mul3A_155, %mul3A_156 : vector<16xf32>
        %add3A_158 = arith.constant 128 : i32
        %add3A_159 = arith.addi %mul3A_52, %add3A_158 : i32
        %get3A_160 = arith.index_cast %add3A_159 : i32 to index
        %get3A_161 = tpu.vector_load %arg9[%get3A_160] {strides = array<i32>} : memref<2048xi32, #tpu.memory_space<vmem>>, vector<16xi32>,
        %add3A_162 = arith.constant 16 : i32
        %add3A_163 = arith.addi %add3A_159, %add3A_162 : i32
        %get3A_164 = arith.index_cast %add3A_163 : i32 to index
        %get3A_165 = tpu.vector_load %arg9[%get3A_164] {strides = array<i32>} : memref<2048xi32, #tpu.memory_space<vmem>>, vector<16xi32>,
        %and3A_166 = arith.constant -65536 : i32
        %and3A_167 = vector.broadcast %and3A_166 : i32 to vector<16xi32>
        %and3A_168 = arith.andi %get3A_161, %and3A_167 : vector<16xi32>
        %bitcast3A_169 = vector.bitcast %and3A_168 : vector<16xi32> to vector<16xf32>
        %and3A_170 = arith.constant -65536 : i32
        %and3A_171 = vector.broadcast %and3A_170 : i32 to vector<16xi32>
        %and3A_172 = arith.andi %get3A_165, %and3A_171 : vector<16xi32>
        %bitcast3A_173 = vector.bitcast %and3A_172 : vector<16xi32> to vector<16xf32>
        %and3A_174 = arith.constant 65535 : i32
        %and3A_175 = vector.broadcast %and3A_174 : i32 to vector<16xi32>
        %and3A_176 = arith.andi %get3A_161, %and3A_175 : vector<16xi32>
        %gather3A_177 = tpu.vector_load_idx %arg7[%and3A_176] : memref<4096xf32, #tpu.memory_space<vmem>>[vector<16xi32>], vector<16xf32>,
        %and3A_178 = arith.constant 65535 : i32
        %and3A_179 = vector.broadcast %and3A_178 : i32 to vector<16xi32>
        %and3A_180 = arith.andi %get3A_165, %and3A_179 : vector<16xi32>
        %gather3A_181 = tpu.vector_load_idx %arg7[%and3A_180] : memref<4096xf32, #tpu.memory_space<vmem>>[vector<16xi32>], vector<16xf32>,
        %mul3A_182 = arith.mulf %bitcast3A_169, %gather3A_177 : vector<16xf32>
        %mul3A_183 = arith.mulf %bitcast3A_173, %gather3A_181 : vector<16xf32>
        %add3A_184 = arith.addf %mul3A_182, %mul3A_183 : vector<16xf32>
        %add3A_185 = arith.constant 160 : i32
        %add3A_186 = arith.addi %mul3A_52, %add3A_185 : i32
        %get3A_187 = arith.index_cast %add3A_186 : i32 to index
        %get3A_188 = tpu.vector_load %arg9[%get3A_187] {strides = array<i32>} : memref<2048xi32, #tpu.memory_space<vmem>>, vector<16xi32>,
        %add3A_189 = arith.constant 16 : i32
        %add3A_190 = arith.addi %add3A_186, %add3A_189 : i32
        %get3A_191 = arith.index_cast %add3A_190 : i32 to index
        %get3A_192 = tpu.vector_load %arg9[%get3A_191] {strides = array<i32>} : memref<2048xi32, #tpu.memory_space<vmem>>, vector<16xi32>,
        %and3A_193 = arith.constant -65536 : i32
        %and3A_194 = vector.broadcast %and3A_193 : i32 to vector<16xi32>
        %and3A_195 = arith.andi %get3A_188, %and3A_194 : vector<16xi32>
        %bitcast3A_196 = vector.bitcast %and3A_195 : vector<16xi32> to vector<16xf32>
        %and3A_197 = arith.constant -65536 : i32
        %and3A_198 = vector.broadcast %and3A_197 : i32 to vector<16xi32>
        %and3A_199 = arith.andi %get3A_192, %and3A_198 : vector<16xi32>
        %bitcast3A_200 = vector.bitcast %and3A_199 : vector<16xi32> to vector<16xf32>
        %and3A_201 = arith.constant 65535 : i32
        %and3A_202 = vector.broadcast %and3A_201 : i32 to vector<16xi32>
        %and3A_203 = arith.andi %get3A_188, %and3A_202 : vector<16xi32>
        %gather3A_204 = tpu.vector_load_idx %arg7[%and3A_203] : memref<4096xf32, #tpu.memory_space<vmem>>[vector<16xi32>], vector<16xf32>,
        %and3A_205 = arith.constant 65535 : i32
        %and3A_206 = vector.broadcast %and3A_205 : i32 to vector<16xi32>
        %and3A_207 = arith.andi %get3A_192, %and3A_206 : vector<16xi32>
        %gather3A_208 = tpu.vector_load_idx %arg7[%and3A_207] : memref<4096xf32, #tpu.memory_space<vmem>>[vector<16xi32>], vector<16xf32>,
        %mul3A_209 = arith.mulf %bitcast3A_196, %gather3A_204 : vector<16xf32>
        %mul3A_210 = arith.mulf %bitcast3A_200, %gather3A_208 : vector<16xf32>
        %add3A_211 = arith.addf %mul3A_209, %mul3A_210 : vector<16xf32>
        %add3A_212 = arith.constant 192 : i32
        %add3A_213 = arith.addi %mul3A_52, %add3A_212 : i32
        %get3A_214 = arith.index_cast %add3A_213 : i32 to index
        %get3A_215 = tpu.vector_load %arg9[%get3A_214] {strides = array<i32>} : memref<2048xi32, #tpu.memory_space<vmem>>, vector<16xi32>,
        %add3A_216 = arith.constant 16 : i32
        %add3A_217 = arith.addi %add3A_213, %add3A_216 : i32
        %get3A_218 = arith.index_cast %add3A_217 : i32 to index
        %get3A_219 = tpu.vector_load %arg9[%get3A_218] {strides = array<i32>} : memref<2048xi32, #tpu.memory_space<vmem>>, vector<16xi32>,
        %and3A_220 = arith.constant -65536 : i32
        %and3A_221 = vector.broadcast %and3A_220 : i32 to vector<16xi32>
        %and3A_222 = arith.andi %get3A_215, %and3A_221 : vector<16xi32>
        %bitcast3A_223 = vector.bitcast %and3A_222 : vector<16xi32> to vector<16xf32>
        %and3A_224 = arith.constant -65536 : i32
        %and3A_225 = vector.broadcast %and3A_224 : i32 to vector<16xi32>
        %and3A_226 = arith.andi %get3A_219, %and3A_225 : vector<16xi32>
        %bitcast3A_227 = vector.bitcast %and3A_226 : vector<16xi32> to vector<16xf32>
        %and3A_228 = arith.constant 65535 : i32
        %and3A_229 = vector.broadcast %and3A_228 : i32 to vector<16xi32>
        %and3A_230 = arith.andi %get3A_215, %and3A_229 : vector<16xi32>
        %gather3A_231 = tpu.vector_load_idx %arg7[%and3A_230] : memref<4096xf32, #tpu.memory_space<vmem>>[vector<16xi32>], vector<16xf32>,
        %and3A_232 = arith.constant 65535 : i32
        %and3A_233 = vector.broadcast %and3A_232 : i32 to vector<16xi32>
        %and3A_234 = arith.andi %get3A_219, %and3A_233 : vector<16xi32>
        %gather3A_235 = tpu.vector_load_idx %arg7[%and3A_234] : memref<4096xf32, #tpu.memory_space<vmem>>[vector<16xi32>], vector<16xf32>,
        %mul3A_236 = arith.mulf %bitcast3A_223, %gather3A_231 : vector<16xf32>
        %mul3A_237 = arith.mulf %bitcast3A_227, %gather3A_235 : vector<16xf32>
        %add3A_238 = arith.addf %mul3A_236, %mul3A_237 : vector<16xf32>
        %add3A_239 = arith.constant 224 : i32
        %add3A_240 = arith.addi %mul3A_52, %add3A_239 : i32
        %get3A_241 = arith.index_cast %add3A_240 : i32 to index
        %get3A_242 = tpu.vector_load %arg9[%get3A_241] {strides = array<i32>} : memref<2048xi32, #tpu.memory_space<vmem>>, vector<16xi32>,
        %add3A_243 = arith.constant 16 : i32
        %add3A_244 = arith.addi %add3A_240, %add3A_243 : i32
        %get3A_245 = arith.index_cast %add3A_244 : i32 to index
        %get3A_246 = tpu.vector_load %arg9[%get3A_245] {strides = array<i32>} : memref<2048xi32, #tpu.memory_space<vmem>>, vector<16xi32>,
        %and3A_247 = arith.constant -65536 : i32
        %and3A_248 = vector.broadcast %and3A_247 : i32 to vector<16xi32>
        %and3A_249 = arith.andi %get3A_242, %and3A_248 : vector<16xi32>
        %bitcast3A_250 = vector.bitcast %and3A_249 : vector<16xi32> to vector<16xf32>
        %and3A_251 = arith.constant -65536 : i32
        %and3A_252 = vector.broadcast %and3A_251 : i32 to vector<16xi32>
        %and3A_253 = arith.andi %get3A_246, %and3A_252 : vector<16xi32>
        %bitcast3A_254 = vector.bitcast %and3A_253 : vector<16xi32> to vector<16xf32>
        %and3A_255 = arith.constant 65535 : i32
        %and3A_256 = vector.broadcast %and3A_255 : i32 to vector<16xi32>
        %and3A_257 = arith.andi %get3A_242, %and3A_256 : vector<16xi32>
        %gather3A_258 = tpu.vector_load_idx %arg7[%and3A_257] : memref<4096xf32, #tpu.memory_space<vmem>>[vector<16xi32>], vector<16xf32>,
        %and3A_259 = arith.constant 65535 : i32
        %and3A_260 = vector.broadcast %and3A_259 : i32 to vector<16xi32>
        %and3A_261 = arith.andi %get3A_246, %and3A_260 : vector<16xi32>
        %gather3A_262 = tpu.vector_load_idx %arg7[%and3A_261] : memref<4096xf32, #tpu.memory_space<vmem>>[vector<16xi32>], vector<16xf32>,
        %mul3A_263 = arith.mulf %bitcast3A_250, %gather3A_258 : vector<16xf32>
        %mul3A_264 = arith.mulf %bitcast3A_254, %gather3A_262 : vector<16xf32>
        %add3A_265 = arith.addf %mul3A_263, %mul3A_264 : vector<16xf32>
        %add3A_266 = arith.constant 256 : i32
        %add3A_267 = arith.addi %mul3A_52, %add3A_266 : i32
        %get3A_268 = arith.index_cast %add3A_267 : i32 to index
        %get3A_269 = tpu.vector_load %arg9[%get3A_268] {strides = array<i32>} : memref<2048xi32, #tpu.memory_space<vmem>>, vector<16xi32>,
        %add3A_270 = arith.constant 16 : i32
        %add3A_271 = arith.addi %add3A_267, %add3A_270 : i32
        %get3A_272 = arith.index_cast %add3A_271 : i32 to index
        %get3A_273 = tpu.vector_load %arg9[%get3A_272] {strides = array<i32>} : memref<2048xi32, #tpu.memory_space<vmem>>, vector<16xi32>,
        %and3A_274 = arith.constant -65536 : i32
        %and3A_275 = vector.broadcast %and3A_274 : i32 to vector<16xi32>
        %and3A_276 = arith.andi %get3A_269, %and3A_275 : vector<16xi32>
        %bitcast3A_277 = vector.bitcast %and3A_276 : vector<16xi32> to vector<16xf32>
        %and3A_278 = arith.constant -65536 : i32
        %and3A_279 = vector.broadcast %and3A_278 : i32 to vector<16xi32>
        %and3A_280 = arith.andi %get3A_273, %and3A_279 : vector<16xi32>
        %bitcast3A_281 = vector.bitcast %and3A_280 : vector<16xi32> to vector<16xf32>
        %and3A_282 = arith.constant 65535 : i32
        %and3A_283 = vector.broadcast %and3A_282 : i32 to vector<16xi32>
        %and3A_284 = arith.andi %get3A_269, %and3A_283 : vector<16xi32>
        %gather3A_285 = tpu.vector_load_idx %arg7[%and3A_284] : memref<4096xf32, #tpu.memory_space<vmem>>[vector<16xi32>], vector<16xf32>,
        %and3A_286 = arith.constant 65535 : i32
        %and3A_287 = vector.broadcast %and3A_286 : i32 to vector<16xi32>
        %and3A_288 = arith.andi %get3A_273, %and3A_287 : vector<16xi32>
        %gather3A_289 = tpu.vector_load_idx %arg7[%and3A_288] : memref<4096xf32, #tpu.memory_space<vmem>>[vector<16xi32>], vector<16xf32>,
        %mul3A_290 = arith.mulf %bitcast3A_277, %gather3A_285 : vector<16xf32>
        %mul3A_291 = arith.mulf %bitcast3A_281, %gather3A_289 : vector<16xf32>
        %add3A_292 = arith.addf %mul3A_290, %mul3A_291 : vector<16xf32>
        %add3A_293 = arith.constant 288 : i32
        %add3A_294 = arith.addi %mul3A_52, %add3A_293 : i32
        %get3A_295 = arith.index_cast %add3A_294 : i32 to index
        %get3A_296 = tpu.vector_load %arg9[%get3A_295] {strides = array<i32>} : memref<2048xi32, #tpu.memory_space<vmem>>, vector<16xi32>,
        %add3A_297 = arith.constant 16 : i32
        %add3A_298 = arith.addi %add3A_294, %add3A_297 : i32
        %get3A_299 = arith.index_cast %add3A_298 : i32 to index
        %get3A_300 = tpu.vector_load %arg9[%get3A_299] {strides = array<i32>} : memref<2048xi32, #tpu.memory_space<vmem>>, vector<16xi32>,
        %and3A_301 = arith.constant -65536 : i32
        %and3A_302 = vector.broadcast %and3A_301 : i32 to vector<16xi32>
        %and3A_303 = arith.andi %get3A_296, %and3A_302 : vector<16xi32>
        %bitcast3A_304 = vector.bitcast %and3A_303 : vector<16xi32> to vector<16xf32>
        %and3A_305 = arith.constant -65536 : i32
        %and3A_306 = vector.broadcast %and3A_305 : i32 to vector<16xi32>
        %and3A_307 = arith.andi %get3A_300, %and3A_306 : vector<16xi32>
        %bitcast3A_308 = vector.bitcast %and3A_307 : vector<16xi32> to vector<16xf32>
        %and3A_309 = arith.constant 65535 : i32
        %and3A_310 = vector.broadcast %and3A_309 : i32 to vector<16xi32>
        %and3A_311 = arith.andi %get3A_296, %and3A_310 : vector<16xi32>
        %gather3A_312 = tpu.vector_load_idx %arg7[%and3A_311] : memref<4096xf32, #tpu.memory_space<vmem>>[vector<16xi32>], vector<16xf32>,
        %and3A_313 = arith.constant 65535 : i32
        %and3A_314 = vector.broadcast %and3A_313 : i32 to vector<16xi32>
        %and3A_315 = arith.andi %get3A_300, %and3A_314 : vector<16xi32>
        %gather3A_316 = tpu.vector_load_idx %arg7[%and3A_315] : memref<4096xf32, #tpu.memory_space<vmem>>[vector<16xi32>], vector<16xf32>,
        %mul3A_317 = arith.mulf %bitcast3A_304, %gather3A_312 : vector<16xf32>
        %mul3A_318 = arith.mulf %bitcast3A_308, %gather3A_316 : vector<16xf32>
        %add3A_319 = arith.addf %mul3A_317, %mul3A_318 : vector<16xf32>
        %add3A_320 = arith.constant 320 : i32
        %add3A_321 = arith.addi %mul3A_52, %add3A_320 : i32
        %get3A_322 = arith.index_cast %add3A_321 : i32 to index
        %get3A_323 = tpu.vector_load %arg9[%get3A_322] {strides = array<i32>} : memref<2048xi32, #tpu.memory_space<vmem>>, vector<16xi32>,
        %add3A_324 = arith.constant 16 : i32
        %add3A_325 = arith.addi %add3A_321, %add3A_324 : i32
        %get3A_326 = arith.index_cast %add3A_325 : i32 to index
        %get3A_327 = tpu.vector_load %arg9[%get3A_326] {strides = array<i32>} : memref<2048xi32, #tpu.memory_space<vmem>>, vector<16xi32>,
        %and3A_328 = arith.constant -65536 : i32
        %and3A_329 = vector.broadcast %and3A_328 : i32 to vector<16xi32>
        %and3A_330 = arith.andi %get3A_323, %and3A_329 : vector<16xi32>
        %bitcast3A_331 = vector.bitcast %and3A_330 : vector<16xi32> to vector<16xf32>
        %and3A_332 = arith.constant -65536 : i32
        %and3A_333 = vector.broadcast %and3A_332 : i32 to vector<16xi32>
        %and3A_334 = arith.andi %get3A_327, %and3A_333 : vector<16xi32>
        %bitcast3A_335 = vector.bitcast %and3A_334 : vector<16xi32> to vector<16xf32>
        %and3A_336 = arith.constant 65535 : i32
        %and3A_337 = vector.broadcast %and3A_336 : i32 to vector<16xi32>
        %and3A_338 = arith.andi %get3A_323, %and3A_337 : vector<16xi32>
        %gather3A_339 = tpu.vector_load_idx %arg7[%and3A_338] : memref<4096xf32, #tpu.memory_space<vmem>>[vector<16xi32>], vector<16xf32>,
        %and3A_340 = arith.constant 65535 : i32
        %and3A_341 = vector.broadcast %and3A_340 : i32 to vector<16xi32>
        %and3A_342 = arith.andi %get3A_327, %and3A_341 : vector<16xi32>
        %gather3A_343 = tpu.vector_load_idx %arg7[%and3A_342] : memref<4096xf32, #tpu.memory_space<vmem>>[vector<16xi32>], vector<16xf32>,
        %mul3A_344 = arith.mulf %bitcast3A_331, %gather3A_339 : vector<16xf32>
        %mul3A_345 = arith.mulf %bitcast3A_335, %gather3A_343 : vector<16xf32>
        %add3A_346 = arith.addf %mul3A_344, %mul3A_345 : vector<16xf32>
        %add3A_347 = arith.constant 352 : i32
        %add3A_348 = arith.addi %mul3A_52, %add3A_347 : i32
        %get3A_349 = arith.index_cast %add3A_348 : i32 to index
        %get3A_350 = tpu.vector_load %arg9[%get3A_349] {strides = array<i32>} : memref<2048xi32, #tpu.memory_space<vmem>>, vector<16xi32>,
        %add3A_351 = arith.constant 16 : i32
        %add3A_352 = arith.addi %add3A_348, %add3A_351 : i32
        %get3A_353 = arith.index_cast %add3A_352 : i32 to index
        %get3A_354 = tpu.vector_load %arg9[%get3A_353] {strides = array<i32>} : memref<2048xi32, #tpu.memory_space<vmem>>, vector<16xi32>,
        %and3A_355 = arith.constant -65536 : i32
        %and3A_356 = vector.broadcast %and3A_355 : i32 to vector<16xi32>
        %and3A_357 = arith.andi %get3A_350, %and3A_356 : vector<16xi32>
        %bitcast3A_358 = vector.bitcast %and3A_357 : vector<16xi32> to vector<16xf32>
        %and3A_359 = arith.constant -65536 : i32
        %and3A_360 = vector.broadcast %and3A_359 : i32 to vector<16xi32>
        %and3A_361 = arith.andi %get3A_354, %and3A_360 : vector<16xi32>
        %bitcast3A_362 = vector.bitcast %and3A_361 : vector<16xi32> to vector<16xf32>
        %and3A_363 = arith.constant 65535 : i32
        %and3A_364 = vector.broadcast %and3A_363 : i32 to vector<16xi32>
        %and3A_365 = arith.andi %get3A_350, %and3A_364 : vector<16xi32>
        %gather3A_366 = tpu.vector_load_idx %arg7[%and3A_365] : memref<4096xf32, #tpu.memory_space<vmem>>[vector<16xi32>], vector<16xf32>,
        %and3A_367 = arith.constant 65535 : i32
        %and3A_368 = vector.broadcast %and3A_367 : i32 to vector<16xi32>
        %and3A_369 = arith.andi %get3A_354, %and3A_368 : vector<16xi32>
        %gather3A_370 = tpu.vector_load_idx %arg7[%and3A_369] : memref<4096xf32, #tpu.memory_space<vmem>>[vector<16xi32>], vector<16xf32>,
        %mul3A_371 = arith.mulf %bitcast3A_358, %gather3A_366 : vector<16xf32>
        %mul3A_372 = arith.mulf %bitcast3A_362, %gather3A_370 : vector<16xf32>
        %add3A_373 = arith.addf %mul3A_371, %mul3A_372 : vector<16xf32>
        %add3A_374 = arith.constant 384 : i32
        %add3A_375 = arith.addi %mul3A_52, %add3A_374 : i32
        %get3A_376 = arith.index_cast %add3A_375 : i32 to index
        %get3A_377 = tpu.vector_load %arg9[%get3A_376] {strides = array<i32>} : memref<2048xi32, #tpu.memory_space<vmem>>, vector<16xi32>,
        %add3A_378 = arith.constant 16 : i32
        %add3A_379 = arith.addi %add3A_375, %add3A_378 : i32
        %get3A_380 = arith.index_cast %add3A_379 : i32 to index
        %get3A_381 = tpu.vector_load %arg9[%get3A_380] {strides = array<i32>} : memref<2048xi32, #tpu.memory_space<vmem>>, vector<16xi32>,
        %and3A_382 = arith.constant -65536 : i32
        %and3A_383 = vector.broadcast %and3A_382 : i32 to vector<16xi32>
        %and3A_384 = arith.andi %get3A_377, %and3A_383 : vector<16xi32>
        %bitcast3A_385 = vector.bitcast %and3A_384 : vector<16xi32> to vector<16xf32>
        %and3A_386 = arith.constant -65536 : i32
        %and3A_387 = vector.broadcast %and3A_386 : i32 to vector<16xi32>
        %and3A_388 = arith.andi %get3A_381, %and3A_387 : vector<16xi32>
        %bitcast3A_389 = vector.bitcast %and3A_388 : vector<16xi32> to vector<16xf32>
        %and3A_390 = arith.constant 65535 : i32
        %and3A_391 = vector.broadcast %and3A_390 : i32 to vector<16xi32>
        %and3A_392 = arith.andi %get3A_377, %and3A_391 : vector<16xi32>
        %gather3A_393 = tpu.vector_load_idx %arg7[%and3A_392] : memref<4096xf32, #tpu.memory_space<vmem>>[vector<16xi32>], vector<16xf32>,
        %and3A_394 = arith.constant 65535 : i32
        %and3A_395 = vector.broadcast %and3A_394 : i32 to vector<16xi32>
        %and3A_396 = arith.andi %get3A_381, %and3A_395 : vector<16xi32>
        %gather3A_397 = tpu.vector_load_idx %arg7[%and3A_396] : memref<4096xf32, #tpu.memory_space<vmem>>[vector<16xi32>], vector<16xf32>,
        %mul3A_398 = arith.mulf %bitcast3A_385, %gather3A_393 : vector<16xf32>
        %mul3A_399 = arith.mulf %bitcast3A_389, %gather3A_397 : vector<16xf32>
        %add3A_400 = arith.addf %mul3A_398, %mul3A_399 : vector<16xf32>
        %add3A_401 = arith.constant 416 : i32
        %add3A_402 = arith.addi %mul3A_52, %add3A_401 : i32
        %get3A_403 = arith.index_cast %add3A_402 : i32 to index
        %get3A_404 = tpu.vector_load %arg9[%get3A_403] {strides = array<i32>} : memref<2048xi32, #tpu.memory_space<vmem>>, vector<16xi32>,
        %add3A_405 = arith.constant 16 : i32
        %add3A_406 = arith.addi %add3A_402, %add3A_405 : i32
        %get3A_407 = arith.index_cast %add3A_406 : i32 to index
        %get3A_408 = tpu.vector_load %arg9[%get3A_407] {strides = array<i32>} : memref<2048xi32, #tpu.memory_space<vmem>>, vector<16xi32>,
        %and3A_409 = arith.constant -65536 : i32
        %and3A_410 = vector.broadcast %and3A_409 : i32 to vector<16xi32>
        %and3A_411 = arith.andi %get3A_404, %and3A_410 : vector<16xi32>
        %bitcast3A_412 = vector.bitcast %and3A_411 : vector<16xi32> to vector<16xf32>
        %and3A_413 = arith.constant -65536 : i32
        %and3A_414 = vector.broadcast %and3A_413 : i32 to vector<16xi32>
        %and3A_415 = arith.andi %get3A_408, %and3A_414 : vector<16xi32>
        %bitcast3A_416 = vector.bitcast %and3A_415 : vector<16xi32> to vector<16xf32>
        %and3A_417 = arith.constant 65535 : i32
        %and3A_418 = vector.broadcast %and3A_417 : i32 to vector<16xi32>
        %and3A_419 = arith.andi %get3A_404, %and3A_418 : vector<16xi32>
        %gather3A_420 = tpu.vector_load_idx %arg7[%and3A_419] : memref<4096xf32, #tpu.memory_space<vmem>>[vector<16xi32>], vector<16xf32>,
        %and3A_421 = arith.constant 65535 : i32
        %and3A_422 = vector.broadcast %and3A_421 : i32 to vector<16xi32>
        %and3A_423 = arith.andi %get3A_408, %and3A_422 : vector<16xi32>
        %gather3A_424 = tpu.vector_load_idx %arg7[%and3A_423] : memref<4096xf32, #tpu.memory_space<vmem>>[vector<16xi32>], vector<16xf32>,
        %mul3A_425 = arith.mulf %bitcast3A_412, %gather3A_420 : vector<16xf32>
        %mul3A_426 = arith.mulf %bitcast3A_416, %gather3A_424 : vector<16xf32>
        %add3A_427 = arith.addf %mul3A_425, %mul3A_426 : vector<16xf32>
        %add3A_428 = arith.constant 448 : i32
        %add3A_429 = arith.addi %mul3A_52, %add3A_428 : i32
        %get3A_430 = arith.index_cast %add3A_429 : i32 to index
        %get3A_431 = tpu.vector_load %arg9[%get3A_430] {strides = array<i32>} : memref<2048xi32, #tpu.memory_space<vmem>>, vector<16xi32>,
        %add3A_432 = arith.constant 16 : i32
        %add3A_433 = arith.addi %add3A_429, %add3A_432 : i32
        %get3A_434 = arith.index_cast %add3A_433 : i32 to index
        %get3A_435 = tpu.vector_load %arg9[%get3A_434] {strides = array<i32>} : memref<2048xi32, #tpu.memory_space<vmem>>, vector<16xi32>,
        %and3A_436 = arith.constant -65536 : i32
        %and3A_437 = vector.broadcast %and3A_436 : i32 to vector<16xi32>
        %and3A_438 = arith.andi %get3A_431, %and3A_437 : vector<16xi32>
        %bitcast3A_439 = vector.bitcast %and3A_438 : vector<16xi32> to vector<16xf32>
        %and3A_440 = arith.constant -65536 : i32
        %and3A_441 = vector.broadcast %and3A_440 : i32 to vector<16xi32>
        %and3A_442 = arith.andi %get3A_435, %and3A_441 : vector<16xi32>
        %bitcast3A_443 = vector.bitcast %and3A_442 : vector<16xi32> to vector<16xf32>
        %and3A_444 = arith.constant 65535 : i32
        %and3A_445 = vector.broadcast %and3A_444 : i32 to vector<16xi32>
        %and3A_446 = arith.andi %get3A_431, %and3A_445 : vector<16xi32>
        %gather3A_447 = tpu.vector_load_idx %arg7[%and3A_446] : memref<4096xf32, #tpu.memory_space<vmem>>[vector<16xi32>], vector<16xf32>,
        %and3A_448 = arith.constant 65535 : i32
        %and3A_449 = vector.broadcast %and3A_448 : i32 to vector<16xi32>
        %and3A_450 = arith.andi %get3A_435, %and3A_449 : vector<16xi32>
        %gather3A_451 = tpu.vector_load_idx %arg7[%and3A_450] : memref<4096xf32, #tpu.memory_space<vmem>>[vector<16xi32>], vector<16xf32>,
        %mul3A_452 = arith.mulf %bitcast3A_439, %gather3A_447 : vector<16xf32>
        %mul3A_453 = arith.mulf %bitcast3A_443, %gather3A_451 : vector<16xf32>
        %add3A_454 = arith.addf %mul3A_452, %mul3A_453 : vector<16xf32>
        %add3A_455 = arith.constant 480 : i32
        %add3A_456 = arith.addi %mul3A_52, %add3A_455 : i32
        %get3A_457 = arith.index_cast %add3A_456 : i32 to index
        %get3A_458 = tpu.vector_load %arg9[%get3A_457] {strides = array<i32>} : memref<2048xi32, #tpu.memory_space<vmem>>, vector<16xi32>,
        %add3A_459 = arith.constant 16 : i32
        %add3A_460 = arith.addi %add3A_456, %add3A_459 : i32
        %get3A_461 = arith.index_cast %add3A_460 : i32 to index
        %get3A_462 = tpu.vector_load %arg9[%get3A_461] {strides = array<i32>} : memref<2048xi32, #tpu.memory_space<vmem>>, vector<16xi32>,
        %and3A_463 = arith.constant -65536 : i32
        %and3A_464 = vector.broadcast %and3A_463 : i32 to vector<16xi32>
        %and3A_465 = arith.andi %get3A_458, %and3A_464 : vector<16xi32>
        %bitcast3A_466 = vector.bitcast %and3A_465 : vector<16xi32> to vector<16xf32>
        %and3A_467 = arith.constant -65536 : i32
        %and3A_468 = vector.broadcast %and3A_467 : i32 to vector<16xi32>
        %and3A_469 = arith.andi %get3A_462, %and3A_468 : vector<16xi32>
        %bitcast3A_470 = vector.bitcast %and3A_469 : vector<16xi32> to vector<16xf32>
        %and3A_471 = arith.constant 65535 : i32
        %and3A_472 = vector.broadcast %and3A_471 : i32 to vector<16xi32>
        %and3A_473 = arith.andi %get3A_458, %and3A_472 : vector<16xi32>
        %gather3A_474 = tpu.vector_load_idx %arg7[%and3A_473] : memref<4096xf32, #tpu.memory_space<vmem>>[vector<16xi32>], vector<16xf32>,
        %and3A_475 = arith.constant 65535 : i32
        %and3A_476 = vector.broadcast %and3A_475 : i32 to vector<16xi32>
        %and3A_477 = arith.andi %get3A_462, %and3A_476 : vector<16xi32>
        %gather3A_478 = tpu.vector_load_idx %arg7[%and3A_477] : memref<4096xf32, #tpu.memory_space<vmem>>[vector<16xi32>], vector<16xf32>,
        %mul3A_479 = arith.mulf %bitcast3A_466, %gather3A_474 : vector<16xf32>
        %mul3A_480 = arith.mulf %bitcast3A_470, %gather3A_478 : vector<16xf32>
        %add3A_481 = arith.addf %mul3A_479, %mul3A_480 : vector<16xf32>
        %iota3A = tpu.iota {dimensions = array<i32: 0>} : vector<16xi32>
        %xor3A = arith.constant 1 : i32
        %xor3A_482 = vector.broadcast %xor3A : i32 to vector<16xi32>
        %xor3A_483 = arith.xori %iota3A, %xor3A_482 : vector<16xi32>
        %and3A_484 = arith.constant 1 : i32
        %and3A_485 = vector.broadcast %and3A_484 : i32 to vector<16xi32>
        %and3A_486 = arith.andi %iota3A, %and3A_485 : vector<16xi32>
        %eq3A_487 = arith.constant 0 : i32
        %eq3A_488 = vector.broadcast %eq3A_487 : i32 to vector<16xi32>
        %eq3A_489 = arith.cmpi eq, %and3A_486, %eq3A_488 : vector<16xi32>
        %lt3A = arith.constant 0 : i32
        %lt3A_490 = vector.broadcast %lt3A : i32 to vector<16xi32>
        %lt3A_491 = arith.cmpi slt, %xor3A_483, %lt3A_490 : vector<16xi32>
        %add3A_492 = arith.constant 16 : i32
        %add3A_493 = vector.broadcast %add3A_492 : i32 to vector<16xi32>
        %add3A_494 = arith.addi %xor3A_483, %add3A_493 : vector<16xi32>
        %select_n3A = arith.select %lt3A_491, %add3A_494, %xor3A_483 : vector<16xi1>, vector<16xi32>
        %reshape3A = vector.shape_cast %select_n3A : vector<16xi32> to vector<16x1xi32>
        %gather3A_495 = vector.shape_cast %reshape3A : vector<16x1xi32> to vector<16xi32>
        %gather3A_496 = tpu.dynamic_gather %add3A_76[%gather3A_495] in [0] : vector<16xf32>, vector<16xi32> -> vector<16xf32>
        %lt3A_497 = arith.constant 0 : i32
        %lt3A_498 = vector.broadcast %lt3A_497 : i32 to vector<16xi32>
        %lt3A_499 = arith.cmpi slt, %xor3A_483, %lt3A_498 : vector<16xi32>
        %add3A_500 = arith.constant 16 : i32
        %add3A_501 = vector.broadcast %add3A_500 : i32 to vector<16xi32>
        %add3A_502 = arith.addi %xor3A_483, %add3A_501 : vector<16xi32>
        %select_n3A_503 = arith.select %lt3A_499, %add3A_502, %xor3A_483 : vector<16xi1>, vector<16xi32>
        %reshape3A_504 = vector.shape_cast %select_n3A_503 : vector<16xi32> to vector<16x1xi32>
        %gather3A_505 = vector.shape_cast %reshape3A_504 : vector<16x1xi32> to vector<16xi32>
        %gather3A_506 = tpu.dynamic_gather %add3A_103[%gather3A_505] in [0] : vector<16xf32>, vector<16xi32> -> vector<16xf32>
        %select_n3A_507 = arith.select %eq3A_489, %add3A_76, %gather3A_506 : vector<16xi1>, vector<16xf32>
        %select_n3A_508 = arith.select %eq3A_489, %gather3A_496, %add3A_103 : vector<16xi1>, vector<16xf32>
        %add3A_509 = arith.addf %select_n3A_507, %select_n3A_508 : vector<16xf32>
        %lt3A_510 = arith.constant 0 : i32
        %lt3A_511 = vector.broadcast %lt3A_510 : i32 to vector<16xi32>
        %lt3A_512 = arith.cmpi slt, %xor3A_483, %lt3A_511 : vector<16xi32>
        %add3A_513 = arith.constant 16 : i32
        %add3A_514 = vector.broadcast %add3A_513 : i32 to vector<16xi32>
        %add3A_515 = arith.addi %xor3A_483, %add3A_514 : vector<16xi32>
        %select_n3A_516 = arith.select %lt3A_512, %add3A_515, %xor3A_483 : vector<16xi1>, vector<16xi32>
        %reshape3A_517 = vector.shape_cast %select_n3A_516 : vector<16xi32> to vector<16x1xi32>
        %gather3A_518 = vector.shape_cast %reshape3A_517 : vector<16x1xi32> to vector<16xi32>
        %gather3A_519 = tpu.dynamic_gather %add3A_130[%gather3A_518] in [0] : vector<16xf32>, vector<16xi32> -> vector<16xf32>
        %lt3A_520 = arith.constant 0 : i32
        %lt3A_521 = vector.broadcast %lt3A_520 : i32 to vector<16xi32>
        %lt3A_522 = arith.cmpi slt, %xor3A_483, %lt3A_521 : vector<16xi32>
        %add3A_523 = arith.constant 16 : i32
        %add3A_524 = vector.broadcast %add3A_523 : i32 to vector<16xi32>
        %add3A_525 = arith.addi %xor3A_483, %add3A_524 : vector<16xi32>
        %select_n3A_526 = arith.select %lt3A_522, %add3A_525, %xor3A_483 : vector<16xi1>, vector<16xi32>
        %reshape3A_527 = vector.shape_cast %select_n3A_526 : vector<16xi32> to vector<16x1xi32>
        %gather3A_528 = vector.shape_cast %reshape3A_527 : vector<16x1xi32> to vector<16xi32>
        %gather3A_529 = tpu.dynamic_gather %add3A_157[%gather3A_528] in [0] : vector<16xf32>, vector<16xi32> -> vector<16xf32>
        %select_n3A_530 = arith.select %eq3A_489, %add3A_130, %gather3A_529 : vector<16xi1>, vector<16xf32>
        %select_n3A_531 = arith.select %eq3A_489, %gather3A_519, %add3A_157 : vector<16xi1>, vector<16xf32>
        %add3A_532 = arith.addf %select_n3A_530, %select_n3A_531 : vector<16xf32>
        %lt3A_533 = arith.constant 0 : i32
        %lt3A_534 = vector.broadcast %lt3A_533 : i32 to vector<16xi32>
        %lt3A_535 = arith.cmpi slt, %xor3A_483, %lt3A_534 : vector<16xi32>
        %add3A_536 = arith.constant 16 : i32
        %add3A_537 = vector.broadcast %add3A_536 : i32 to vector<16xi32>
        %add3A_538 = arith.addi %xor3A_483, %add3A_537 : vector<16xi32>
        %select_n3A_539 = arith.select %lt3A_535, %add3A_538, %xor3A_483 : vector<16xi1>, vector<16xi32>
        %reshape3A_540 = vector.shape_cast %select_n3A_539 : vector<16xi32> to vector<16x1xi32>
        %gather3A_541 = vector.shape_cast %reshape3A_540 : vector<16x1xi32> to vector<16xi32>
        %gather3A_542 = tpu.dynamic_gather %add3A_184[%gather3A_541] in [0] : vector<16xf32>, vector<16xi32> -> vector<16xf32>
        %lt3A_543 = arith.constant 0 : i32
        %lt3A_544 = vector.broadcast %lt3A_543 : i32 to vector<16xi32>
        %lt3A_545 = arith.cmpi slt, %xor3A_483, %lt3A_544 : vector<16xi32>
        %add3A_546 = arith.constant 16 : i32
        %add3A_547 = vector.broadcast %add3A_546 : i32 to vector<16xi32>
        %add3A_548 = arith.addi %xor3A_483, %add3A_547 : vector<16xi32>
        %select_n3A_549 = arith.select %lt3A_545, %add3A_548, %xor3A_483 : vector<16xi1>, vector<16xi32>
        %reshape3A_550 = vector.shape_cast %select_n3A_549 : vector<16xi32> to vector<16x1xi32>
        %gather3A_551 = vector.shape_cast %reshape3A_550 : vector<16x1xi32> to vector<16xi32>
        %gather3A_552 = tpu.dynamic_gather %add3A_211[%gather3A_551] in [0] : vector<16xf32>, vector<16xi32> -> vector<16xf32>
        %select_n3A_553 = arith.select %eq3A_489, %add3A_184, %gather3A_552 : vector<16xi1>, vector<16xf32>
        %select_n3A_554 = arith.select %eq3A_489, %gather3A_542, %add3A_211 : vector<16xi1>, vector<16xf32>
        %add3A_555 = arith.addf %select_n3A_553, %select_n3A_554 : vector<16xf32>
        %lt3A_556 = arith.constant 0 : i32
        %lt3A_557 = vector.broadcast %lt3A_556 : i32 to vector<16xi32>
        %lt3A_558 = arith.cmpi slt, %xor3A_483, %lt3A_557 : vector<16xi32>
        %add3A_559 = arith.constant 16 : i32
        %add3A_560 = vector.broadcast %add3A_559 : i32 to vector<16xi32>
        %add3A_561 = arith.addi %xor3A_483, %add3A_560 : vector<16xi32>
        %select_n3A_562 = arith.select %lt3A_558, %add3A_561, %xor3A_483 : vector<16xi1>, vector<16xi32>
        %reshape3A_563 = vector.shape_cast %select_n3A_562 : vector<16xi32> to vector<16x1xi32>
        %gather3A_564 = vector.shape_cast %reshape3A_563 : vector<16x1xi32> to vector<16xi32>
        %gather3A_565 = tpu.dynamic_gather %add3A_238[%gather3A_564] in [0] : vector<16xf32>, vector<16xi32> -> vector<16xf32>
        %lt3A_566 = arith.constant 0 : i32
        %lt3A_567 = vector.broadcast %lt3A_566 : i32 to vector<16xi32>
        %lt3A_568 = arith.cmpi slt, %xor3A_483, %lt3A_567 : vector<16xi32>
        %add3A_569 = arith.constant 16 : i32
        %add3A_570 = vector.broadcast %add3A_569 : i32 to vector<16xi32>
        %add3A_571 = arith.addi %xor3A_483, %add3A_570 : vector<16xi32>
        %select_n3A_572 = arith.select %lt3A_568, %add3A_571, %xor3A_483 : vector<16xi1>, vector<16xi32>
        %reshape3A_573 = vector.shape_cast %select_n3A_572 : vector<16xi32> to vector<16x1xi32>
        %gather3A_574 = vector.shape_cast %reshape3A_573 : vector<16x1xi32> to vector<16xi32>
        %gather3A_575 = tpu.dynamic_gather %add3A_265[%gather3A_574] in [0] : vector<16xf32>, vector<16xi32> -> vector<16xf32>
        %select_n3A_576 = arith.select %eq3A_489, %add3A_238, %gather3A_575 : vector<16xi1>, vector<16xf32>
        %select_n3A_577 = arith.select %eq3A_489, %gather3A_565, %add3A_265 : vector<16xi1>, vector<16xf32>
        %add3A_578 = arith.addf %select_n3A_576, %select_n3A_577 : vector<16xf32>
        %lt3A_579 = arith.constant 0 : i32
        %lt3A_580 = vector.broadcast %lt3A_579 : i32 to vector<16xi32>
        %lt3A_581 = arith.cmpi slt, %xor3A_483, %lt3A_580 : vector<16xi32>
        %add3A_582 = arith.constant 16 : i32
        %add3A_583 = vector.broadcast %add3A_582 : i32 to vector<16xi32>
        %add3A_584 = arith.addi %xor3A_483, %add3A_583 : vector<16xi32>
        %select_n3A_585 = arith.select %lt3A_581, %add3A_584, %xor3A_483 : vector<16xi1>, vector<16xi32>
        %reshape3A_586 = vector.shape_cast %select_n3A_585 : vector<16xi32> to vector<16x1xi32>
        %gather3A_587 = vector.shape_cast %reshape3A_586 : vector<16x1xi32> to vector<16xi32>
        %gather3A_588 = tpu.dynamic_gather %add3A_292[%gather3A_587] in [0] : vector<16xf32>, vector<16xi32> -> vector<16xf32>
        %lt3A_589 = arith.constant 0 : i32
        %lt3A_590 = vector.broadcast %lt3A_589 : i32 to vector<16xi32>
        %lt3A_591 = arith.cmpi slt, %xor3A_483, %lt3A_590 : vector<16xi32>
        %add3A_592 = arith.constant 16 : i32
        %add3A_593 = vector.broadcast %add3A_592 : i32 to vector<16xi32>
        %add3A_594 = arith.addi %xor3A_483, %add3A_593 : vector<16xi32>
        %select_n3A_595 = arith.select %lt3A_591, %add3A_594, %xor3A_483 : vector<16xi1>, vector<16xi32>
        %reshape3A_596 = vector.shape_cast %select_n3A_595 : vector<16xi32> to vector<16x1xi32>
        %gather3A_597 = vector.shape_cast %reshape3A_596 : vector<16x1xi32> to vector<16xi32>
        %gather3A_598 = tpu.dynamic_gather %add3A_319[%gather3A_597] in [0] : vector<16xf32>, vector<16xi32> -> vector<16xf32>
        %select_n3A_599 = arith.select %eq3A_489, %add3A_292, %gather3A_598 : vector<16xi1>, vector<16xf32>
        %select_n3A_600 = arith.select %eq3A_489, %gather3A_588, %add3A_319 : vector<16xi1>, vector<16xf32>
        %add3A_601 = arith.addf %select_n3A_599, %select_n3A_600 : vector<16xf32>
        %lt3A_602 = arith.constant 0 : i32
        %lt3A_603 = vector.broadcast %lt3A_602 : i32 to vector<16xi32>
        %lt3A_604 = arith.cmpi slt, %xor3A_483, %lt3A_603 : vector<16xi32>
        %add3A_605 = arith.constant 16 : i32
        %add3A_606 = vector.broadcast %add3A_605 : i32 to vector<16xi32>
        %add3A_607 = arith.addi %xor3A_483, %add3A_606 : vector<16xi32>
        %select_n3A_608 = arith.select %lt3A_604, %add3A_607, %xor3A_483 : vector<16xi1>, vector<16xi32>
        %reshape3A_609 = vector.shape_cast %select_n3A_608 : vector<16xi32> to vector<16x1xi32>
        %gather3A_610 = vector.shape_cast %reshape3A_609 : vector<16x1xi32> to vector<16xi32>
        %gather3A_611 = tpu.dynamic_gather %add3A_346[%gather3A_610] in [0] : vector<16xf32>, vector<16xi32> -> vector<16xf32>
        %lt3A_612 = arith.constant 0 : i32
        %lt3A_613 = vector.broadcast %lt3A_612 : i32 to vector<16xi32>
        %lt3A_614 = arith.cmpi slt, %xor3A_483, %lt3A_613 : vector<16xi32>
        %add3A_615 = arith.constant 16 : i32
        %add3A_616 = vector.broadcast %add3A_615 : i32 to vector<16xi32>
        %add3A_617 = arith.addi %xor3A_483, %add3A_616 : vector<16xi32>
        %select_n3A_618 = arith.select %lt3A_614, %add3A_617, %xor3A_483 : vector<16xi1>, vector<16xi32>
        %reshape3A_619 = vector.shape_cast %select_n3A_618 : vector<16xi32> to vector<16x1xi32>
        %gather3A_620 = vector.shape_cast %reshape3A_619 : vector<16x1xi32> to vector<16xi32>
        %gather3A_621 = tpu.dynamic_gather %add3A_373[%gather3A_620] in [0] : vector<16xf32>, vector<16xi32> -> vector<16xf32>
        %select_n3A_622 = arith.select %eq3A_489, %add3A_346, %gather3A_621 : vector<16xi1>, vector<16xf32>
        %select_n3A_623 = arith.select %eq3A_489, %gather3A_611, %add3A_373 : vector<16xi1>, vector<16xf32>
        %add3A_624 = arith.addf %select_n3A_622, %select_n3A_623 : vector<16xf32>
        %lt3A_625 = arith.constant 0 : i32
        %lt3A_626 = vector.broadcast %lt3A_625 : i32 to vector<16xi32>
        %lt3A_627 = arith.cmpi slt, %xor3A_483, %lt3A_626 : vector<16xi32>
        %add3A_628 = arith.constant 16 : i32
        %add3A_629 = vector.broadcast %add3A_628 : i32 to vector<16xi32>
        %add3A_630 = arith.addi %xor3A_483, %add3A_629 : vector<16xi32>
        %select_n3A_631 = arith.select %lt3A_627, %add3A_630, %xor3A_483 : vector<16xi1>, vector<16xi32>
        %reshape3A_632 = vector.shape_cast %select_n3A_631 : vector<16xi32> to vector<16x1xi32>
        %gather3A_633 = vector.shape_cast %reshape3A_632 : vector<16x1xi32> to vector<16xi32>
        %gather3A_634 = tpu.dynamic_gather %add3A_400[%gather3A_633] in [0] : vector<16xf32>, vector<16xi32> -> vector<16xf32>
        %lt3A_635 = arith.constant 0 : i32
        %lt3A_636 = vector.broadcast %lt3A_635 : i32 to vector<16xi32>
        %lt3A_637 = arith.cmpi slt, %xor3A_483, %lt3A_636 : vector<16xi32>
        %add3A_638 = arith.constant 16 : i32
        %add3A_639 = vector.broadcast %add3A_638 : i32 to vector<16xi32>
        %add3A_640 = arith.addi %xor3A_483, %add3A_639 : vector<16xi32>
        %select_n3A_641 = arith.select %lt3A_637, %add3A_640, %xor3A_483 : vector<16xi1>, vector<16xi32>
        %reshape3A_642 = vector.shape_cast %select_n3A_641 : vector<16xi32> to vector<16x1xi32>
        %gather3A_643 = vector.shape_cast %reshape3A_642 : vector<16x1xi32> to vector<16xi32>
        %gather3A_644 = tpu.dynamic_gather %add3A_427[%gather3A_643] in [0] : vector<16xf32>, vector<16xi32> -> vector<16xf32>
        %select_n3A_645 = arith.select %eq3A_489, %add3A_400, %gather3A_644 : vector<16xi1>, vector<16xf32>
        %select_n3A_646 = arith.select %eq3A_489, %gather3A_634, %add3A_427 : vector<16xi1>, vector<16xf32>
        %add3A_647 = arith.addf %select_n3A_645, %select_n3A_646 : vector<16xf32>
        %lt3A_648 = arith.constant 0 : i32
        %lt3A_649 = vector.broadcast %lt3A_648 : i32 to vector<16xi32>
        %lt3A_650 = arith.cmpi slt, %xor3A_483, %lt3A_649 : vector<16xi32>
        %add3A_651 = arith.constant 16 : i32
        %add3A_652 = vector.broadcast %add3A_651 : i32 to vector<16xi32>
        %add3A_653 = arith.addi %xor3A_483, %add3A_652 : vector<16xi32>
        %select_n3A_654 = arith.select %lt3A_650, %add3A_653, %xor3A_483 : vector<16xi1>, vector<16xi32>
        %reshape3A_655 = vector.shape_cast %select_n3A_654 : vector<16xi32> to vector<16x1xi32>
        %gather3A_656 = vector.shape_cast %reshape3A_655 : vector<16x1xi32> to vector<16xi32>
        %gather3A_657 = tpu.dynamic_gather %add3A_454[%gather3A_656] in [0] : vector<16xf32>, vector<16xi32> -> vector<16xf32>
        %lt3A_658 = arith.constant 0 : i32
        %lt3A_659 = vector.broadcast %lt3A_658 : i32 to vector<16xi32>
        %lt3A_660 = arith.cmpi slt, %xor3A_483, %lt3A_659 : vector<16xi32>
        %add3A_661 = arith.constant 16 : i32
        %add3A_662 = vector.broadcast %add3A_661 : i32 to vector<16xi32>
        %add3A_663 = arith.addi %xor3A_483, %add3A_662 : vector<16xi32>
        %select_n3A_664 = arith.select %lt3A_660, %add3A_663, %xor3A_483 : vector<16xi1>, vector<16xi32>
        %reshape3A_665 = vector.shape_cast %select_n3A_664 : vector<16xi32> to vector<16x1xi32>
        %gather3A_666 = vector.shape_cast %reshape3A_665 : vector<16x1xi32> to vector<16xi32>
        %gather3A_667 = tpu.dynamic_gather %add3A_481[%gather3A_666] in [0] : vector<16xf32>, vector<16xi32> -> vector<16xf32>
        %select_n3A_668 = arith.select %eq3A_489, %add3A_454, %gather3A_667 : vector<16xi1>, vector<16xf32>
        %select_n3A_669 = arith.select %eq3A_489, %gather3A_657, %add3A_481 : vector<16xi1>, vector<16xf32>
        %add3A_670 = arith.addf %select_n3A_668, %select_n3A_669 : vector<16xf32>
        %xor3A_671 = arith.constant 2 : i32
        %xor3A_672 = vector.broadcast %xor3A_671 : i32 to vector<16xi32>
        %xor3A_673 = arith.xori %iota3A, %xor3A_672 : vector<16xi32>
        %and3A_674 = arith.constant 2 : i32
        %and3A_675 = vector.broadcast %and3A_674 : i32 to vector<16xi32>
        %and3A_676 = arith.andi %iota3A, %and3A_675 : vector<16xi32>
        %eq3A_677 = arith.constant 0 : i32
        %eq3A_678 = vector.broadcast %eq3A_677 : i32 to vector<16xi32>
        %eq3A_679 = arith.cmpi eq, %and3A_676, %eq3A_678 : vector<16xi32>
        %lt3A_680 = arith.constant 0 : i32
        %lt3A_681 = vector.broadcast %lt3A_680 : i32 to vector<16xi32>
        %lt3A_682 = arith.cmpi slt, %xor3A_673, %lt3A_681 : vector<16xi32>
        %add3A_683 = arith.constant 16 : i32
        %add3A_684 = vector.broadcast %add3A_683 : i32 to vector<16xi32>
        %add3A_685 = arith.addi %xor3A_673, %add3A_684 : vector<16xi32>
        %select_n3A_686 = arith.select %lt3A_682, %add3A_685, %xor3A_673 : vector<16xi1>, vector<16xi32>
        %reshape3A_687 = vector.shape_cast %select_n3A_686 : vector<16xi32> to vector<16x1xi32>
        %gather3A_688 = vector.shape_cast %reshape3A_687 : vector<16x1xi32> to vector<16xi32>
        %gather3A_689 = tpu.dynamic_gather %add3A_509[%gather3A_688] in [0] : vector<16xf32>, vector<16xi32> -> vector<16xf32>
        %lt3A_690 = arith.constant 0 : i32
        %lt3A_691 = vector.broadcast %lt3A_690 : i32 to vector<16xi32>
        %lt3A_692 = arith.cmpi slt, %xor3A_673, %lt3A_691 : vector<16xi32>
        %add3A_693 = arith.constant 16 : i32
        %add3A_694 = vector.broadcast %add3A_693 : i32 to vector<16xi32>
        %add3A_695 = arith.addi %xor3A_673, %add3A_694 : vector<16xi32>
        %select_n3A_696 = arith.select %lt3A_692, %add3A_695, %xor3A_673 : vector<16xi1>, vector<16xi32>
        %reshape3A_697 = vector.shape_cast %select_n3A_696 : vector<16xi32> to vector<16x1xi32>
        %gather3A_698 = vector.shape_cast %reshape3A_697 : vector<16x1xi32> to vector<16xi32>
        %gather3A_699 = tpu.dynamic_gather %add3A_532[%gather3A_698] in [0] : vector<16xf32>, vector<16xi32> -> vector<16xf32>
        %select_n3A_700 = arith.select %eq3A_679, %add3A_509, %gather3A_699 : vector<16xi1>, vector<16xf32>
        %select_n3A_701 = arith.select %eq3A_679, %gather3A_689, %add3A_532 : vector<16xi1>, vector<16xf32>
        %add3A_702 = arith.addf %select_n3A_700, %select_n3A_701 : vector<16xf32>
        %lt3A_703 = arith.constant 0 : i32
        %lt3A_704 = vector.broadcast %lt3A_703 : i32 to vector<16xi32>
        %lt3A_705 = arith.cmpi slt, %xor3A_673, %lt3A_704 : vector<16xi32>
        %add3A_706 = arith.constant 16 : i32
        %add3A_707 = vector.broadcast %add3A_706 : i32 to vector<16xi32>
        %add3A_708 = arith.addi %xor3A_673, %add3A_707 : vector<16xi32>
        %select_n3A_709 = arith.select %lt3A_705, %add3A_708, %xor3A_673 : vector<16xi1>, vector<16xi32>
        %reshape3A_710 = vector.shape_cast %select_n3A_709 : vector<16xi32> to vector<16x1xi32>
        %gather3A_711 = vector.shape_cast %reshape3A_710 : vector<16x1xi32> to vector<16xi32>
        %gather3A_712 = tpu.dynamic_gather %add3A_555[%gather3A_711] in [0] : vector<16xf32>, vector<16xi32> -> vector<16xf32>
        %lt3A_713 = arith.constant 0 : i32
        %lt3A_714 = vector.broadcast %lt3A_713 : i32 to vector<16xi32>
        %lt3A_715 = arith.cmpi slt, %xor3A_673, %lt3A_714 : vector<16xi32>
        %add3A_716 = arith.constant 16 : i32
        %add3A_717 = vector.broadcast %add3A_716 : i32 to vector<16xi32>
        %add3A_718 = arith.addi %xor3A_673, %add3A_717 : vector<16xi32>
        %select_n3A_719 = arith.select %lt3A_715, %add3A_718, %xor3A_673 : vector<16xi1>, vector<16xi32>
        %reshape3A_720 = vector.shape_cast %select_n3A_719 : vector<16xi32> to vector<16x1xi32>
        %gather3A_721 = vector.shape_cast %reshape3A_720 : vector<16x1xi32> to vector<16xi32>
        %gather3A_722 = tpu.dynamic_gather %add3A_578[%gather3A_721] in [0] : vector<16xf32>, vector<16xi32> -> vector<16xf32>
        %select_n3A_723 = arith.select %eq3A_679, %add3A_555, %gather3A_722 : vector<16xi1>, vector<16xf32>
        %select_n3A_724 = arith.select %eq3A_679, %gather3A_712, %add3A_578 : vector<16xi1>, vector<16xf32>
        %add3A_725 = arith.addf %select_n3A_723, %select_n3A_724 : vector<16xf32>
        %lt3A_726 = arith.constant 0 : i32
        %lt3A_727 = vector.broadcast %lt3A_726 : i32 to vector<16xi32>
        %lt3A_728 = arith.cmpi slt, %xor3A_673, %lt3A_727 : vector<16xi32>
        %add3A_729 = arith.constant 16 : i32
        %add3A_730 = vector.broadcast %add3A_729 : i32 to vector<16xi32>
        %add3A_731 = arith.addi %xor3A_673, %add3A_730 : vector<16xi32>
        %select_n3A_732 = arith.select %lt3A_728, %add3A_731, %xor3A_673 : vector<16xi1>, vector<16xi32>
        %reshape3A_733 = vector.shape_cast %select_n3A_732 : vector<16xi32> to vector<16x1xi32>
        %gather3A_734 = vector.shape_cast %reshape3A_733 : vector<16x1xi32> to vector<16xi32>
        %gather3A_735 = tpu.dynamic_gather %add3A_601[%gather3A_734] in [0] : vector<16xf32>, vector<16xi32> -> vector<16xf32>
        %lt3A_736 = arith.constant 0 : i32
        %lt3A_737 = vector.broadcast %lt3A_736 : i32 to vector<16xi32>
        %lt3A_738 = arith.cmpi slt, %xor3A_673, %lt3A_737 : vector<16xi32>
        %add3A_739 = arith.constant 16 : i32
        %add3A_740 = vector.broadcast %add3A_739 : i32 to vector<16xi32>
        %add3A_741 = arith.addi %xor3A_673, %add3A_740 : vector<16xi32>
        %select_n3A_742 = arith.select %lt3A_738, %add3A_741, %xor3A_673 : vector<16xi1>, vector<16xi32>
        %reshape3A_743 = vector.shape_cast %select_n3A_742 : vector<16xi32> to vector<16x1xi32>
        %gather3A_744 = vector.shape_cast %reshape3A_743 : vector<16x1xi32> to vector<16xi32>
        %gather3A_745 = tpu.dynamic_gather %add3A_624[%gather3A_744] in [0] : vector<16xf32>, vector<16xi32> -> vector<16xf32>
        %select_n3A_746 = arith.select %eq3A_679, %add3A_601, %gather3A_745 : vector<16xi1>, vector<16xf32>
        %select_n3A_747 = arith.select %eq3A_679, %gather3A_735, %add3A_624 : vector<16xi1>, vector<16xf32>
        %add3A_748 = arith.addf %select_n3A_746, %select_n3A_747 : vector<16xf32>
        %lt3A_749 = arith.constant 0 : i32
        %lt3A_750 = vector.broadcast %lt3A_749 : i32 to vector<16xi32>
        %lt3A_751 = arith.cmpi slt, %xor3A_673, %lt3A_750 : vector<16xi32>
        %add3A_752 = arith.constant 16 : i32
        %add3A_753 = vector.broadcast %add3A_752 : i32 to vector<16xi32>
        %add3A_754 = arith.addi %xor3A_673, %add3A_753 : vector<16xi32>
        %select_n3A_755 = arith.select %lt3A_751, %add3A_754, %xor3A_673 : vector<16xi1>, vector<16xi32>
        %reshape3A_756 = vector.shape_cast %select_n3A_755 : vector<16xi32> to vector<16x1xi32>
        %gather3A_757 = vector.shape_cast %reshape3A_756 : vector<16x1xi32> to vector<16xi32>
        %gather3A_758 = tpu.dynamic_gather %add3A_647[%gather3A_757] in [0] : vector<16xf32>, vector<16xi32> -> vector<16xf32>
        %lt3A_759 = arith.constant 0 : i32
        %lt3A_760 = vector.broadcast %lt3A_759 : i32 to vector<16xi32>
        %lt3A_761 = arith.cmpi slt, %xor3A_673, %lt3A_760 : vector<16xi32>
        %add3A_762 = arith.constant 16 : i32
        %add3A_763 = vector.broadcast %add3A_762 : i32 to vector<16xi32>
        %add3A_764 = arith.addi %xor3A_673, %add3A_763 : vector<16xi32>
        %select_n3A_765 = arith.select %lt3A_761, %add3A_764, %xor3A_673 : vector<16xi1>, vector<16xi32>
        %reshape3A_766 = vector.shape_cast %select_n3A_765 : vector<16xi32> to vector<16x1xi32>
        %gather3A_767 = vector.shape_cast %reshape3A_766 : vector<16x1xi32> to vector<16xi32>
        %gather3A_768 = tpu.dynamic_gather %add3A_670[%gather3A_767] in [0] : vector<16xf32>, vector<16xi32> -> vector<16xf32>
        %select_n3A_769 = arith.select %eq3A_679, %add3A_647, %gather3A_768 : vector<16xi1>, vector<16xf32>
        %select_n3A_770 = arith.select %eq3A_679, %gather3A_758, %add3A_670 : vector<16xi1>, vector<16xf32>
        %add3A_771 = arith.addf %select_n3A_769, %select_n3A_770 : vector<16xf32>
        %xor3A_772 = arith.constant 4 : i32
        %xor3A_773 = vector.broadcast %xor3A_772 : i32 to vector<16xi32>
        %xor3A_774 = arith.xori %iota3A, %xor3A_773 : vector<16xi32>
        %and3A_775 = arith.constant 4 : i32
        %and3A_776 = vector.broadcast %and3A_775 : i32 to vector<16xi32>
        %and3A_777 = arith.andi %iota3A, %and3A_776 : vector<16xi32>
        %eq3A_778 = arith.constant 0 : i32
        %eq3A_779 = vector.broadcast %eq3A_778 : i32 to vector<16xi32>
        %eq3A_780 = arith.cmpi eq, %and3A_777, %eq3A_779 : vector<16xi32>
        %lt3A_781 = arith.constant 0 : i32
        %lt3A_782 = vector.broadcast %lt3A_781 : i32 to vector<16xi32>
        %lt3A_783 = arith.cmpi slt, %xor3A_774, %lt3A_782 : vector<16xi32>
        %add3A_784 = arith.constant 16 : i32
        %add3A_785 = vector.broadcast %add3A_784 : i32 to vector<16xi32>
        %add3A_786 = arith.addi %xor3A_774, %add3A_785 : vector<16xi32>
        %select_n3A_787 = arith.select %lt3A_783, %add3A_786, %xor3A_774 : vector<16xi1>, vector<16xi32>
        %reshape3A_788 = vector.shape_cast %select_n3A_787 : vector<16xi32> to vector<16x1xi32>
        %gather3A_789 = vector.shape_cast %reshape3A_788 : vector<16x1xi32> to vector<16xi32>
        %gather3A_790 = tpu.dynamic_gather %add3A_702[%gather3A_789] in [0] : vector<16xf32>, vector<16xi32> -> vector<16xf32>
        %lt3A_791 = arith.constant 0 : i32
        %lt3A_792 = vector.broadcast %lt3A_791 : i32 to vector<16xi32>
        %lt3A_793 = arith.cmpi slt, %xor3A_774, %lt3A_792 : vector<16xi32>
        %add3A_794 = arith.constant 16 : i32
        %add3A_795 = vector.broadcast %add3A_794 : i32 to vector<16xi32>
        %add3A_796 = arith.addi %xor3A_774, %add3A_795 : vector<16xi32>
        %select_n3A_797 = arith.select %lt3A_793, %add3A_796, %xor3A_774 : vector<16xi1>, vector<16xi32>
        %reshape3A_798 = vector.shape_cast %select_n3A_797 : vector<16xi32> to vector<16x1xi32>
        %gather3A_799 = vector.shape_cast %reshape3A_798 : vector<16x1xi32> to vector<16xi32>
        %gather3A_800 = tpu.dynamic_gather %add3A_725[%gather3A_799] in [0] : vector<16xf32>, vector<16xi32> -> vector<16xf32>
        %select_n3A_801 = arith.select %eq3A_780, %add3A_702, %gather3A_800 : vector<16xi1>, vector<16xf32>
        %select_n3A_802 = arith.select %eq3A_780, %gather3A_790, %add3A_725 : vector<16xi1>, vector<16xf32>
        %add3A_803 = arith.addf %select_n3A_801, %select_n3A_802 : vector<16xf32>
        %lt3A_804 = arith.constant 0 : i32
        %lt3A_805 = vector.broadcast %lt3A_804 : i32 to vector<16xi32>
        %lt3A_806 = arith.cmpi slt, %xor3A_774, %lt3A_805 : vector<16xi32>
        %add3A_807 = arith.constant 16 : i32
        %add3A_808 = vector.broadcast %add3A_807 : i32 to vector<16xi32>
        %add3A_809 = arith.addi %xor3A_774, %add3A_808 : vector<16xi32>
        %select_n3A_810 = arith.select %lt3A_806, %add3A_809, %xor3A_774 : vector<16xi1>, vector<16xi32>
        %reshape3A_811 = vector.shape_cast %select_n3A_810 : vector<16xi32> to vector<16x1xi32>
        %gather3A_812 = vector.shape_cast %reshape3A_811 : vector<16x1xi32> to vector<16xi32>
        %gather3A_813 = tpu.dynamic_gather %add3A_748[%gather3A_812] in [0] : vector<16xf32>, vector<16xi32> -> vector<16xf32>
        %lt3A_814 = arith.constant 0 : i32
        %lt3A_815 = vector.broadcast %lt3A_814 : i32 to vector<16xi32>
        %lt3A_816 = arith.cmpi slt, %xor3A_774, %lt3A_815 : vector<16xi32>
        %add3A_817 = arith.constant 16 : i32
        %add3A_818 = vector.broadcast %add3A_817 : i32 to vector<16xi32>
        %add3A_819 = arith.addi %xor3A_774, %add3A_818 : vector<16xi32>
        %select_n3A_820 = arith.select %lt3A_816, %add3A_819, %xor3A_774 : vector<16xi1>, vector<16xi32>
        %reshape3A_821 = vector.shape_cast %select_n3A_820 : vector<16xi32> to vector<16x1xi32>
        %gather3A_822 = vector.shape_cast %reshape3A_821 : vector<16x1xi32> to vector<16xi32>
        %gather3A_823 = tpu.dynamic_gather %add3A_771[%gather3A_822] in [0] : vector<16xf32>, vector<16xi32> -> vector<16xf32>
        %select_n3A_824 = arith.select %eq3A_780, %add3A_748, %gather3A_823 : vector<16xi1>, vector<16xf32>
        %select_n3A_825 = arith.select %eq3A_780, %gather3A_813, %add3A_771 : vector<16xi1>, vector<16xf32>
        %add3A_826 = arith.addf %select_n3A_824, %select_n3A_825 : vector<16xf32>
        %xor3A_827 = arith.constant 8 : i32
        %xor3A_828 = vector.broadcast %xor3A_827 : i32 to vector<16xi32>
        %xor3A_829 = arith.xori %iota3A, %xor3A_828 : vector<16xi32>
        %and3A_830 = arith.constant 8 : i32
        %and3A_831 = vector.broadcast %and3A_830 : i32 to vector<16xi32>
        %and3A_832 = arith.andi %iota3A, %and3A_831 : vector<16xi32>
        %eq3A_833 = arith.constant 0 : i32
        %eq3A_834 = vector.broadcast %eq3A_833 : i32 to vector<16xi32>
        %eq3A_835 = arith.cmpi eq, %and3A_832, %eq3A_834 : vector<16xi32>
        %lt3A_836 = arith.constant 0 : i32
        %lt3A_837 = vector.broadcast %lt3A_836 : i32 to vector<16xi32>
        %lt3A_838 = arith.cmpi slt, %xor3A_829, %lt3A_837 : vector<16xi32>
        %add3A_839 = arith.constant 16 : i32
        %add3A_840 = vector.broadcast %add3A_839 : i32 to vector<16xi32>
        %add3A_841 = arith.addi %xor3A_829, %add3A_840 : vector<16xi32>
        %select_n3A_842 = arith.select %lt3A_838, %add3A_841, %xor3A_829 : vector<16xi1>, vector<16xi32>
        %reshape3A_843 = vector.shape_cast %select_n3A_842 : vector<16xi32> to vector<16x1xi32>
        %gather3A_844 = vector.shape_cast %reshape3A_843 : vector<16x1xi32> to vector<16xi32>
        %gather3A_845 = tpu.dynamic_gather %add3A_803[%gather3A_844] in [0] : vector<16xf32>, vector<16xi32> -> vector<16xf32>
        %lt3A_846 = arith.constant 0 : i32
        %lt3A_847 = vector.broadcast %lt3A_846 : i32 to vector<16xi32>
        %lt3A_848 = arith.cmpi slt, %xor3A_829, %lt3A_847 : vector<16xi32>
        %add3A_849 = arith.constant 16 : i32
        %add3A_850 = vector.broadcast %add3A_849 : i32 to vector<16xi32>
        %add3A_851 = arith.addi %xor3A_829, %add3A_850 : vector<16xi32>
        %select_n3A_852 = arith.select %lt3A_848, %add3A_851, %xor3A_829 : vector<16xi1>, vector<16xi32>
        %reshape3A_853 = vector.shape_cast %select_n3A_852 : vector<16xi32> to vector<16x1xi32>
        %gather3A_854 = vector.shape_cast %reshape3A_853 : vector<16x1xi32> to vector<16xi32>
        %gather3A_855 = tpu.dynamic_gather %add3A_826[%gather3A_854] in [0] : vector<16xf32>, vector<16xi32> -> vector<16xf32>
        %select_n3A_856 = arith.select %eq3A_835, %add3A_803, %gather3A_855 : vector<16xi1>, vector<16xf32>
        %select_n3A_857 = arith.select %eq3A_835, %gather3A_845, %add3A_826 : vector<16xi1>, vector<16xf32>
        %add3A_858 = arith.addf %select_n3A_856, %select_n3A_857 : vector<16xf32>
        %add3A_859 = arith.addf %add3A_858, %get3A_50 : vector<16xf32>
        %swap3A = arith.index_cast %mul3A_49 : i32 to index
        %swap3A_860 = tpu.vector_load %arg12[%swap3A] {strides = array<i32>} : memref<256xf32, #tpu.memory_space<vmem>>, vector<16xf32>,
        tpu.vector_store %arg12[%swap3A], %add3A_859 {strides = array<i32>} : memref<256xf32, #tpu.memory_space<vmem>>, vector<16xf32>,
      }
      %scan3A_46 = arith.constant 4 : i32
      "tpu.region"() ({
        %run_scoped3A = tpu.sem_alloc : memref<!tpu.dma_semaphore, #tpu.memory_space<semaphore_mem>>
        %dma_start3A_47 = arith.constant 0 : i32
        %dma_start3A_48 = tpu.memref_slice %arg12[%dma_start3A_47] : memref<256xf32, #tpu.memory_space<vmem>> -> memref<64xf32, #tpu.memory_space<vmem>>
        %dma_start3A_49 = tpu.memref_slice %arg6[%mul3A_4] : memref<1024xf32, #tpu.memory_space<hbm>> -> memref<64xf32, #tpu.memory_space<hbm>>
        %dma_start3A_50 = tpu.memref_slice %arg6[%mul3A_4] : memref<1024xf32, #tpu.memory_space<hbm>> -> memref<64xf32, #tpu.memory_space<hbm>>
        %dma_start3A_51 = arith.constant 0 : i32
        %dma_start3A_52 = tpu.memref_slice %arg12[%dma_start3A_51] : memref<256xf32, #tpu.memory_space<vmem>> -> memref<64xf32, #tpu.memory_space<vmem>>
        tpu.enqueue_dma source(%dma_start3A_52 : memref<64xf32, #tpu.memory_space<vmem>>) target(%dma_start3A_50 : memref<64xf32, #tpu.memory_space<hbm>>) target_semaphore(%run_scoped3A : memref<!tpu.dma_semaphore, #tpu.memory_space<semaphore_mem>>)
        %dma_wait3A_53 = arith.constant 0 : i32
        %dma_wait3A_54 = tpu.memref_slice %arg12[%dma_wait3A_53] : memref<256xf32, #tpu.memory_space<vmem>> -> memref<64xf32, #tpu.memory_space<vmem>>
        %dma_wait3A_55 = tpu.memref_slice %arg6[%mul3A_4] : memref<1024xf32, #tpu.memory_space<hbm>> -> memref<64xf32, #tpu.memory_space<hbm>>
        %dma_wait3A_56 = tpu.memref_slice %arg6[%mul3A_4] : memref<1024xf32, #tpu.memory_space<hbm>> -> memref<64xf32, #tpu.memory_space<hbm>>
        %dma_wait3A_57 = arith.constant 0 : i32
        %dma_wait3A_58 = tpu.memref_slice %arg12[%dma_wait3A_57] : memref<256xf32, #tpu.memory_space<vmem>> -> memref<64xf32, #tpu.memory_space<vmem>>
        tpu.wait_dma2 semaphore(%run_scoped3A : memref<!tpu.dma_semaphore, #tpu.memory_space<semaphore_mem>>) src(%dma_wait3A_58 : memref<64xf32, #tpu.memory_space<vmem>>) dst(%dma_wait3A_56 : memref<64xf32, #tpu.memory_space<hbm>>)
        tpu.yield
      }) : () -> ()
    } else {
    }
    return
  }
}

</mosaic_0001>

<sc_bundles>
// kernel: kernel.3.cloned.1.call-start
scs
__scs_entry_jumppad:
0x0: {  	(pc) =	sbr.rel $0x88, $3  }
0x1: {  	(tag) =	ssettag $0x0;
	lr =	simm.s32 $0x1  }
0x2: {  	[smem:$0x3F9B] =	sst lr;
	_ =	strace $0xD0000000  }
0x3: {  	_ = 	snop  }
0x4: {  	_ = 	snop  }
0x5: {  	_ = 	snop  }
0x6: {  	_ = 	snop  }
0x7: {  	_ = 	snop  }
__scs_overlays_trampoline_lowered:
0x8: {  	[smem:$0x3FAA] =	sst s0  }
0x9: {  	[smem:$0x3FAB] =	sst s1  }
0xa: {  	[smem:$0x3FAC] =	sst s2  }
0xb: {  	[smem:$0x3FAD] =	sst s3  }
0xc: {  	[smem:$0x3FAE] =	sst s4  }
0xd: {  	[smem:$0x3FAF] =	sst s5  }
0xe: {  	[smem:$0x3FB0] =	sst s6  }
0xf: {  	[smem:$0x3FB1] =	sst s7  }
0x10: {  	[smem:$0x3FB2] =	sst s8  }
0x11: {  	[smem:$0x3FB3] =	sst s9;
	s0 =	simm.s32 @!p0 $0x0  }
0x12: {  	s1 =	sld [smem:$0x3F99];
	s0 =	simm.s32 @p0 $0x1  }
0x13: {  	[smem:$0x3FB4] =	sst s0;
	s0 =	simm.s32 @!p1 $0x0  }
0x14: {  	s2 =	sld [smem:$0x3F98];
	s0 =	simm.s32 @p1 $0x1  }
0x15: {  	[smem:$0x3FB5] =	sst s0;
	s0 =	simm.s32 @!p2 $0x0  }
0x16: {  	s3 =	sld [smem:$0x3FDB];
	s0 =	simm.s32 @p2 $0x1  }
0x17: {  	s4 =	simm.s32 $0x1BF5;
	[smem:$0x3FB7] =	sst s0  }
0x18: {  	s0 =	sld [smem:$0x3F9A];
	_ =	swait.ge [sflag:s4], $0x0  }
0x19: {  	s7 =	sld [smem:$0x3F9B]  }
0x1a: {  	s8 =	sadd.s32 $0xFFFFE003, lr  }
0x1b: {  	s9 =	sadd.s32 $0xFFFFFEF7, lr;
	s5 =	simm.s32 $0xFFFFFFFF;
	p2 =	slt.u32 s8, $0xFFFFF086  }
0x1c: {  	p1 =	slt.u32 s9, $0xF7A;
	s5 =	simm.s32 @!p2 $0x0  }
0x1d: {  	s5 =	simm.s32 @p1 $0x1;
	p0 =	seq.s32 s7, s2  }
0x1e: {  	s7 =	smul.u32 @!p0 $0xF7A, s2;
	p2 =	seq.s32 @!p0 s5, $0x0  }
0x1f: {  	s9 =	smul.u32 $0xF7A, s1;
	s8 =	simm.s32 @!p0 $0x1BF5;
	p2 =	por !p2, p0  }
0x20: {  	[sflag:s8] =	ssyncset.s32 @!p0 $0xFFFFF086;
	s6 =	sadd.s32 @!p0 s3, s7;
	s7 =	simm.s32 @!p0 $0x108  }
0x21: {  	s3 =	sadd.s32 s3, s9;
	s6 =	sadd.s32 @!p0 $0x88, s6;
	s7 =	simm.s32 @p2 $0x1082  }
0x22: {  	[simem:s7], [sflag:s8] =	dma.local @!p0 [hbm:s6], $0xF7A  }
0x23: {  	s9 =	sor.u32 $0xD0000000, s2;
	s6 =	simm.s32 $0x108;
	_ =	swait.ge @!p0 [sflag:s8], $0x0  }
0x24: {  	s3 =	sadd.s32 $0x88, s3;
	s6 =	simm.s32 @!p1 $0x1082;
	[sflag:s4] =	ssyncset.s32 $0xFFFFF086  }
0x25: {  	[simem:s6], [sflag:s4] =	dma.local [hbm:s3], $0xF7A  }
0x26: {  	[smem:$0x3F9B] =	sst s1;
	(tag) =	ssettag s2;
	_ =	strace s9  }
0x27: {  	s1 =	sld [smem:$0x3FAB]  }
0x28: {  	s2 =	sld [smem:$0x3FAC]  }
0x29: {  	s4 =	sld [smem:$0x3FAE]  }
0x2a: {  	p0 =	seq.s32 s5, $0x0;
	s5 =	sld [smem:$0x3FAF]  }
0x2b: {  	s6 =	sld [smem:$0x3FB0]  }
0x2c: {  	s7 =	sld [smem:$0x3FB1]  }
0x2d: {  	s3 =	simm.s32 $0x108;
	s8 =	sld [smem:$0x3FB2]  }
0x2e: {  	s3 =	simm.s32 @!p0 $0x1082;
	s9 =	sld [smem:$0x3FB3]  }
0x2f: {  	lr =	sadd.s32 s0, s3;
	s0 =	sld [smem:$0x3FAA]  }
0x30: {  	s3 =	sld [smem:$0x3FAD]  }
0x31: {  	[smem:$0x3FB6] =	sst s10  }
0x32: {  	s10 =	sld [smem:$0x3FB4];
	_ =	sdelay $0x3  }
0x33: {  	p0 =	seq.s32 s10, $0x1;
	s10 =	sld [smem:$0x3FB6];
	_ =	sdelay $0x3  }
0x34: {  	[smem:$0x3FB6] =	sst s10  }
0x35: {  	s10 =	sld [smem:$0x3FB5];
	_ =	sdelay $0x3  }
0x36: {  	p1 =	seq.s32 s10, $0x1;
	s10 =	sld [smem:$0x3FB6];
	_ =	sdelay $0x3  }
0x37: {  	[smem:$0x3FB6] =	sst s10  }
0x38: {  	s10 =	sld [smem:$0x3FB7]  }
0x39: {  	_ = 	snop;
	(pc) =	sbr.ind lr, $3  }
0x3a: {  	_ = 	snop  }
0x3b: {  	_ = 	snop  }
0x3c: {  	p2 =	seq.s32 s10, $0x1;
	s10 =	sld [smem:$0x3FB6]  }
0x3d: {  	_ =	shalt  }
0x3e: {  	_ =	shalt  }
0x3f: {  	_ =	shalt  }
0x40: {  	_ =	shalt  }
0x41: {  	_ =	shalt  }
0x42: {  	_ =	shalt  }
0x43: {  	_ =	shalt  }
0x44: {  	_ =	shalt  }
0x45: {  	_ =	shalt  }
0x46: {  	_ =	shalt  }
0x47: {  	_ =	shalt  }
0x48: {  	_ =	shalt  }
0x49: {  	_ =	shalt  }
0x4a: {  	_ =	shalt  }
0x4b: {  	_ =	shalt  }
0x4c: {  	_ =	shalt  }
0x4d: {  	_ =	shalt  }
0x4e: {  	_ =	shalt  }
0x4f: {  	_ =	shalt  }
0x50: {  	_ =	shalt  }
0x51: {  	_ =	shalt  }
0x52: {  	_ =	shalt  }
0x53: {  	_ =	shalt  }
0x54: {  	_ =	shalt  }
0x55: {  	_ =	shalt  }
0x56: {  	_ =	shalt  }
0x57: {  	_ =	shalt  }
0x58: {  	_ =	shalt  }
0x59: {  	_ =	shalt  }
0x5a: {  	_ =	shalt  }
0x5b: {  	_ =	shalt  }
0x5c: {  	_ =	shalt  }
0x5d: {  	_ =	shalt  }
0x5e: {  	_ =	shalt  }
0x5f: {  	_ =	shalt  }
0x60: {  	_ =	shalt  }
0x61: {  	_ =	shalt  }
0x62: {  	_ =	shalt  }
0x63: {  	_ =	shalt  }
0x64: {  	_ =	shalt  }
0x65: {  	_ =	shalt  }
0x66: {  	_ =	shalt  }
0x67: {  	_ =	shalt  }
0x68: {  	_ =	shalt  }
0x69: {  	_ =	shalt  }
0x6a: {  	_ =	shalt  }
0x6b: {  	_ =	shalt  }
0x6c: {  	_ =	shalt  }
0x6d: {  	_ =	shalt  }
0x6e: {  	_ =	shalt  }
0x6f: {  	_ =	shalt  }
0x70: {  	_ =	shalt  }
0x71: {  	_ =	shalt  }
0x72: {  	_ =	shalt  }
0x73: {  	_ =	shalt  }
0x74: {  	_ =	shalt  }
0x75: {  	_ =	shalt  }
0x76: {  	_ =	shalt  }
0x77: {  	_ =	shalt  }
0x78: {  	_ =	shalt  }
0x79: {  	_ =	shalt  }
0x7a: {  	_ =	shalt  }
0x7b: {  	_ =	shalt  }
0x7c: {  	_ =	shalt  }
0x7d: {  	_ =	shalt  }
0x7e: {  	_ =	shalt  }
0x7f: {  	_ =	shalt  }
0x80: {  	_ =	shalt  }
0x81: {  	_ =	shalt  }
0x82: {  	_ =	shalt  }
0x83: {  	_ =	shalt  }
0x84: {  	_ =	shalt  }
0x85: {  	_ =	shalt  }
0x86: {  	_ =	shalt  }
0x87: {  	_ =	shalt  }
.Lfunc_end0:
.L_simem_size_0:
called_computation_lowered:
.L_overlay_start_0:
0x88: {  	s2 =	sld [smem:$0x3FD9]  }
0x89: {  	s3 =	sld [smem:$0x3FFE];
	_ =	sdelay $0x1  }
0x8a: {  	s1 =	srdreg.scid  }
0x8b: {  	s0 =	sand.u32 $0x1, s1  }
0x8c: {  	s17 =	sshll.u32 s0, $0xA;
	s2 =	sadd.s32 s3, s2  }
0x8d: {  	s2 =	sadd.s32 s2, s17  }
0x8e: {  	[smem:$0x3FC2] =	sst s2  }
0x8f: {  	_ = 	snop  }
0x90: {  	s2 =	sld [smem:$0x3FC9]  }
0x91: {  	s18 =	sld [smem:$0x3FC6]  }
0x92: {  	s4 =	sld [smem:$0x3FD0];
	(tm) =	ssettm $0x1  }
0x93: {  	s5 =	sld [smem:$0x3FFB];
	_ =	sdelay $0x3  }
0x94: {  	_ =	strace s5  }
0x95: {  	s5 =	sld [smem:$0x3FFC];
	_ =	sdelay $0x3  }
0x96: {  	_ =	strace s5  }
0x97: {  	s5 =	sld [smem:$0x3FFD];
	_ =	sdelay $0x3  }
0x98: {  	_ =	strace s5  }
0x99: {  	_ =	strace $0x8FFFFFFF  }
0x9a: {  	s19 =	sld [smem:$0x3FDB];
	_ =	sdelay $0x1  }
0x9b: {  	s6 =	simm.s32 $_scs_section_size  }
0x9c: {  	s7 =	simm.s32 $_size__tile_overlayer_lowered;
	s8 =	simm.s32 $_tile_overlayer_lowered  }
0x9d: {  	s22 =	simm.s32 $0x1BFF;
	s21 =	sshll.u32 s8, $0x1;
	s5 =	sadd.s32 s6, s19  }
0x9e: {  	s9 =	simm.s32 $0x0;
	s20 =	sshll.u32 s7, $0x1;
	s7 =	sadd.s32 s21, s5  }
0x9f: {  	[timem:s9], [sflag:s22] =	dma.local [hbm:s7], s20  }
0xa0: {  	_ =	swait.ge [sflag:s22], s20  }
0xa1: {  	s6 =	ssub.s32 $0x0, s20;
	[sflag:s22] =	ssyncset.done $0x0  }
0xa2: {  	[sflag:s22] =	ssyncadd.s32 s6;
	_ =	sdelay $0x1  }
0xa3: {  	s23 =	simm.s32 $0x1B8B  }
0xa4: {  	_ =	swait.ge [sflag:s23], $0x1  }
0xa5: {  	[sflag:s23] =	ssyncset.done $0x0  }
0xa6: {  	s25 =	simm.s32 $0x1B8E;
	s24 =	sld [smem:$0x3FFE];
	[sflag:s23] =	ssyncadd.s32 $0xFFFFFFFF  }
0xa7: {  	s26 =	simm.s32 $execute0_lowered;
	[smem:$0x3FD2] =	sst s25  }
0xa8: {  	s7 =	sshll.u32 s26, $0x1;
	_ =	strace $0x80000046;
	[dreg:$0x1] =	wrdreg $0xFFFFFFFF  }
0xa9: {  	s28 =	simm.s32 $_size_execute0_lowered;
	s5 =	sadd.s32 s5, s7;
	[dreg:$0x0] =	wrdreg $0x0  }
0xaa: {  	s7 =	sshll.u32 s28, $0x1;
	[dreg:$0x2] =	wrdreg s5  }
0xab: {  	[dreg:$0x3] =	wrdreg s7  }
0xac: {  	[dreg:$0x4] =	wrdreg $0xC0  }
0xad: {  	_ =	task [dreg:s9], $0x5FFFF  }
0xae: {  	[dreg:$0x1] =	wrdreg $0xFFFFFFFF  }
0xaf: {  	[dreg:$0x0] =	wrdreg $0x60  }
0xb0: {  	[dreg:$0x2] =	wrdreg s2  }
0xb1: {  	[dreg:$0x3] =	wrdreg s24  }
0xb2: {  	[dreg:$0x4] =	wrdreg s18  }
0xb3: {  	[dreg:$0x5] =	wrdreg s4  }
0xb4: {  	[dreg:$0x6] =	wrdreg $0x5B800  }
0xb5: {  	[dreg:$0x7] =	wrdreg $0x9  }
0xb6: {  	_ =	task.clear_ibuf [dreg:s9], $0x8FFFF;
	_ =	strace $0x90000046  }
0xb7: {  	s29 =	simm.s32 $0x9;
	_ =	strace $0x80000048  }
0xb8: {  	_ =	swait.ge [sflag:s29], $0x1  }
0xb9: {  	[sflag:s29] =	ssyncadd.s32 $0xFFFFFFFF  }
0xba: {  	_ =	strace $0x90000048  }
0xbb: {  	_ =	sfence  }
0xbc: {  	s30 =	sld [smem:$0x0];
	_ =	sdelay $0x2  }
0xbd: {  	s31 =	sshll.u32 s1, $0xD;
	s1 =	sshrl.u32 s1, $0x2  }
0xbe: {  	s3 =	sand.u32 $0x4000, s31;
	s1 =	sadd.s32 s1, s30  }
0xbf: {  	s0 =	sor.u32 s3, s0;
	s1 =	sshll.u32 s1, $0x11  }
0xc0: {  	s0 =	sor.u32 s1, s0  }
0xc1: {  	s0 =	sadd.s32 $0x8F2B, s0  }
0xc2: {  	[sflag:s0] =	ssyncadd.remote.s32 $0x1  }
0xc3: {  	_ =	sfence.sel $0xFFFF  }
0xc4: {  	[dreg:$0x0] =	wrdreg $0xFFFFFFFF;
	(pc) =	sbr.abs _section_cstart, $3  }
0xc5: {  	[dreg:$0x1] =	wrdreg $0xFFFFFFFF  }
0xc6: {  	_ =	task.clear_ibuf [dreg:s9], $0x2FFFF;
	_ =	strace $0x9FFFFFFF  }
0xc7: {  	(tm) =	ssettm $0x7FFFFFFF  }
tec
execute0_lowered:
.L_overlay_start_1:
0x0: {  	(tag) =	ssettag $0x1  }
0x1: {  	s1 =	srdreg.scid  }
0x2: {  	s7 =	rddreg [dreg:$0x0];
	s1 =	sand.u32 $0x1, s1  }
0x3: {  	s5 =	rddreg [dreg:$0x1];
	p0 =	seq.s32 s1, $0x1  }
.Ltmp0:
0x4: {  	s8 =	rddreg [dreg:$0x2];
	(pc) =	sbr.rel @p0 .LBB2_8-.Ltmp0, $4  }
0x5: {  	s2 =	rddreg [dreg:$0x3]  }
0x6: {  	s3 =	rddreg [dreg:$0x4];
	s4 =	simm.s32 $0x0  }
0x7: {  	[smem:$0x7FF] =	sst s4  }
0x8: {  	s0 =	rddreg [dreg:$0x5];
	_ =	strace $0x80000047;
	s1 =	stileid.u32  }
0x9: {  	v0 =	vimm.s32 $0xEFCDAB89  }
0xa: {  	vm0 =	vcmask $0xB08;
	vm1 =	vcmask $0x300;
	v1 =	vimm.s32 $0x67452301  }
0xb: {  	v2 =	vimm.s32 $0xDCFE98BA;
	v3 =	vimm.s32 $0x54761032;
	vm2 =	vcmask $0x700  }
0xc: {  	vm3 =	vcmask $0x3B38;
	v4 =	vimm.s32 $0xFEDCBA98;
	v5 =	vimm.s32 $0x76543210  }
0xd: {  	s6 =	sshll.u32 s1, $0xA;
	v0 =	vunpack.c.l.s4.s8 v0;
	vm0 =	vmor vm1, vm0;
	vm1 =	vcmask $0x1310  }
0xe: {  	s9 =	sadd.s32 $0x800, s5;
	s10 =	sshll.u32 s1, $0x5;
	s6 =	sadd.s32 s6, s5;
	v1 =	vunpack.c.l.s4.s8 v1;
	v2 =	vunpack.c.l.s4.s8 v2;
	v3 =	vunpack.c.l.s4.s8 v3  }
0xf: {  	s25 =	simm.s32 $0x1000;
	s26 =	sshll.u32 s1, $0x3;
	v4 =	vunpack.c.l.s4.s8 v4;
	vm0 =	vmor vm0, vm1;
	vm1 =	vcmask $0x1B18;
	s5 =	sadd.s32 $0x170800, s6  }
0x10: {  	v0 =	vunpack.c.0.s8.s32 v0;
	vm0 =	vmor vm0, vm1;
	vm1 =	vcmask $0x2320;
	[tilespmem:s25], [sflag:$0x1] =	stream.linear.gather [hbm4b:s5+s4], $0x2000, $0x38;
	[tilespmem:$0x5D80] =	vst v63  }
0x11: {  	s11 =	sshll.u32 s1, $0x8;
	s12 =	simm.s32 $0x5800;
	s6 =	sadd.s32 s8, s10;
	v1 =	vunpack.c.0.s8.s32 v1;
	vm0 =	vmor vm0, vm1;
	vm1 =	vcmask $0x2B28  }
0x12: {  	v4 =	vunpack.c.0.s8.s32 v4;
	[tilespmem:s12], [sflag:$0x2] =	stream.linear.gather [hbm4b:s6+s4], $0x100, $0x38;
	vm0 =	vmor vm0, vm1;
	vm1 =	vcmask $0x3330;
	[tilespmem:$0x5D80] =	vst v63  }
0x13: {  	s29 =	simm.s32 $0x5000;
	s28 =	sadd.s32 s26, s8;
	s9 =	sadd.s32 s9, s11;
	v0 =	vcombine.low v1, v0;
	v1 =	vunpack.c.0.s8.s32 v2;
	v2 =	vunpack.c.0.s8.s32 v3  }
0x14: {  	v3 =	vimm.s32 $0x32107654;
	vm0 =	vmor vm0, vm1;
	vm1 =	vcmask $0x1710;
	[tilespmem:s29], [sflag:$0x3] =	stream.linear.gather [hbm4b:s9+s4], $0x800, $0x38;
	[tilespmem:$0x5D80] =	vst v63  }
0x15: {  	s30 =	simm.s32 $0x5A00;
	s8 =	sadd.s32 $0x2E00, s28;
	v3 =	vunpack.c.l.s4.s8 v3;
	v1 =	vcombine.low v2, v1;
	v2 =	vimm.s32 $0xBA98FEDC  }
0x16: {  	vm1 =	vmor vm2, vm1;
	vm2 =	vcmask $0x2720;
	v2 =	vunpack.c.l.s4.s8 v2;
	[tilespmem:s30], [sflag:$0x3] =	stream.linear.gather [hbm4b:s8+s4], $0x40, $0x38;
	[tilespmem:$0x5D80] =	vst v63  }
0x17: {  	s31 =	sshll.u32 s1, $0x9;
	p0 =	por $0x0, $0x0;
	s13 =	simm.s32 $0x5A80;
	v5 =	vunpack.c.l.s4.s8 v5;
	v4 =	vand.u32 $0xF, v4;
	vm1 =	vmor vm1, vm2  }
0x18: {  	vm2 =	vcmask $0x3730;
	v3 =	vunpack.c.0.s8.s32 v3;
	v2 =	vunpack.c.0.s8.s32 v2;
	[tilespmem:s4], [sflag:$0x4] =	stream.linear.gather [hbm4b:s7+s4], $0x1000, $0x38;
	[tilespmem:$0x5D80] =	vst v63  }
0x19: {  	s14 =	simm.s32 $0x0;
	s16 =	simm.s32 $0x0;
	vm0 =	vmor vm0, vm3;
	vm3 =	vcmask $0xF00;
	vm1 =	vmor vm1, vm2;
	s7 =	simm.s32 $0x4  }
0x1a: {  	s2 =	sadd.s32 s2, s26;
	s11 =	simm.s32 $0x80;
	vm2 =	vcmask $0x2F20;
	_ =	swait.ge [sflag:s7], $0x1000;
	v2 =	vcombine.low v3, v2;
	v3 =	vunpack.c.0.s8.s32 v5  }
0x1b: {  	s10 =	simm.s32 $0x2;
	s12 =	simm.s32 $0x100;
	v0 =	vand.u32 $0xF, v0;
	v1 =	vand.u32 $0xF, v1;
	vm2 =	vmor vm3, vm2;
	[sflag:s7] =	ssyncset.done $0x0  }
0x1c: {  	s9 =	simm.s32 $0x1;
	s8 =	sadd.s32 s31, s3;
	vm3 =	vmmov $0xff;
	[sflag:s7] =	ssyncadd.s32 $0xFFFFF000;
	v2 =	vand.u32 $0xF, v2;
	v3 =	vcombine.low v4, v3  }
.LBB2_2:
0x1d: {  	_ =	swait.ge [sflag:s9], $0x2000  }
0x1e: {  	s17 =	simm.s32 $0x1;
	s15 =	sadd.s32 $0x1, s16;
	[sflag:s9] =	ssyncset.done $0x0  }
0x1f: {  	p1 =	seq.s32 s16, $0x16;
	s17 =	simm.s32 @!p0 $0x0;
	[sflag:s9] =	ssyncadd.s32 $0xFFFFE000  }
0x20: {  	s18 =	sand.u32 @!p1 $0x1, s15;
	s20 =	sshll.u32 @!p1 s15, $0xE;
	_ =	swait.ge [sflag:s10], $0x100  }
0x21: {  	s21 =	simm.s32 @!p1 $0x0;
	s19 =	sshll.u32 @!p1 s18, $0xD;
	[sflag:s10] =	ssyncset.done $0x0  }
0x22: {  	s20 =	sadd.s32 @!p1 s20, s5;
	s19 =	sor.u32 @!p1 $0x1000, s19;
	[sflag:s10] =	ssyncadd.s32 $0xFFFFFF00  }
0x23: {  	[tilespmem:s19], [sflag:$0x1] =	stream.linear.gather @!p1 [hbm4b:s20+s21], $0x2000, $0x38;
	[tilespmem:$0x5D80] =	vst v63  }
0x24: {  	s17 =	sshll.u32 s17, $0xD;
	s18 =	sshll.u32 @!p1 s18, $0x8;
	s19 =	sshll.u32 @!p1 s15, $0x9  }
0x25: {  	s17 =	sor.u32 $0x1100, s17;
	s18 =	sor.u32 @!p1 $0x5800, s18;
	s19 =	sadd.s32 @!p1 s19, s6  }
0x26: {  	[tilespmem:s18], [sflag:$0x2] =	stream.linear.gather @!p1 [hbm4b:s19+s21], $0x100, $0x38;
	[tilespmem:$0x5D80] =	vst v63  }
0x27: {  	v6 =	vld [tilespmem:s17+$0xE0]  }
0x28: {  	v7 =	vld [tilespmem:s17+$0x40]  }
0x29: {  	v8 =	vld [tilespmem:s17+$0xFFFFFF30]  }
0x2a: {  	v9 =	vld [tilespmem:s17+$0xB0]  }
0x2b: {  	v10 =	vld [tilespmem:s17+$0xF0]  }
0x2c: {  	v12 =	vld [tilespmem:s17+$0x80]  }
0x2d: {  	v13 =	vld [tilespmem:s17+$0xFFFFFF10]  }
0x2e: {  	v14 =	vld [tilespmem:s17+$0xD0]  }
0x2f: {  	v15 =	vld [tilespmem:s17+$0xC0]  }
0x30: {  	v5 =	vld [tilespmem:s17+$0xFFFFFFB0]  }
0x31: {  	v11 =	vld [tilespmem:s17+$0x50]  }
0x32: {  	v17 =	vld [tilespmem:s17+$0xFFFFFF20]  }
0x33: {  	v19 =	vld [tilespmem:s17+$0xFFFFFFF0]  }
0x34: {  	v21 =	vld [tilespmem:s17+$0xA0]  }
0x35: {  	v22 =	vld [tilespmem:s17+$0x90]  }
0x36: {  	v25 =	vld [tilespmem:s17+$0xFFFFFF50]  }
0x37: {  	v28 =	vld [tilespmem:s17+$0xFFFFFF90]  }
0x38: {  	v30 =	vld [tilespmem:s17+$0x70]  }
0x39: {  	v43 =	vld [tilespmem:s17+$0xFFFFFFE0]  }
0x3a: {  	v44 =	vld [tilespmem:s17+$0xFFFFFFD0]  }
0x3b: {  	v32 =	vld [tilespmem:s17+$0xFFFFFFC0]  }
0x3c: {  	v33 =	vld [tilespmem:s17+$0xFFFFFF40]  }
0x3d: {  	v53 =	vld [tilespmem:s17+$0x60]  }
0x3e: {  	v56 =	vld [tilespmem:s17+$0xFFFFFFA0];
	v4 =	vand.u32 $0xFFFF, v6  }
0x3f: {  	v58 =	vld [tilespmem:s17+$0x10];
	v18 =	vand.u32 $0xFFFF, v14  }
0x40: {  	v37 =	vld [tilespmem:s17+$0x0];
	v20 =	vand.u32 $0xFFFF, v15  }
0x41: {  	v39 =	vld [tilespmem:s17+$0x20];
	v24 =	vand.u32 $0xFFFF, v9  }
0x42: {  	v40 =	vld [tilespmem:s17+$0xFFFFFF00];
	v26 =	vand.u32 $0xFFFF, v21  }
0x43: {  	v27 =	vand.u32 $0xFFFF, v22;
	v29 =	vand.u32 $0xFFFF, v12;
	v31 =	vand.u32 $0xFFFF, v13;
	v16 =	vld.idx.msk [tilespmem:v4+s4+$0x0], $0xffff  }
0x44: {  	v15 =	vand.u32 $0xFFFF0000, v15;
	v14 =	vand.u32 $0xFFFF0000, v14;
	v42 =	vand.u32 $0xFFFF, v30;
	v18 =	vld.idx.msk [tilespmem:v18+s4+$0x0], $0xffff  }
0x45: {  	v6 =	vand.u32 $0xFFFF0000, v6;
	v45 =	vand.u32 $0xFFFF, v8;
	v46 =	vand.u32 $0xFFFF0000, v21;
	v20 =	vld.idx.msk [tilespmem:v20+s4+$0x0], $0xffff  }
0x46: {  	v12 =	vand.u32 $0xFFFF0000, v12;
	v22 =	vand.u32 $0xFFFF0000, v22;
	v48 =	vand.u32 $0xFFFF, v19;
	v24 =	vld.idx.msk [tilespmem:v24+s4+$0x0], $0xffff  }
0x47: {  	v9 =	vand.u32 $0xFFFF0000, v9;
	v49 =	vand.u32 $0xFFFF, v43;
	v51 =	vand.u32 $0xFFFF, v32;
	v26 =	vld.idx.msk [tilespmem:v26+s4+$0x0], $0xffff  }
0x48: {  	v50 =	vand.u32 $0xFFFF, v44;
	v54 =	vand.u32 $0xFFFF, v17;
	v57 =	vand.u32 $0xFFFF, v53;
	v27 =	vld.idx.msk [tilespmem:v27+s4+$0x0], $0xffff  }
0x49: {  	v13 =	vand.u32 $0xFFFF0000, v13;
	v8 =	vand.u32 $0xFFFF0000, v8;
	v38 =	vand.u32 $0xFFFF, v7;
	v29 =	vld.idx.msk [tilespmem:v29+s4+$0x0], $0xffff  }
0x4a: {  	v36 =	vand.u32 $0xFFFF, v11;
	v59 =	vand.u32 $0xFFFF, v33;
	v60 =	vand.u32 $0xFFFF, v5;
	v47 =	vld.idx.msk [tilespmem:v31+s4+$0x0], $0xffff  }
0x4b: {  	v32 =	vand.u32 $0xFFFF0000, v32;
	v19 =	vand.u32 $0xFFFF0000, v19;
	v4 =	vand.u32 $0xFFFF, v10;
	v31 =	vld.idx.msk [tilespmem:v48+s4+$0x0], $0xffff  }
0x4c: {  	v61 =	vand.u32 $0xFFFF, v56;
	v63 =	vand.u32 $0xFFFF, v58;
	v30 =	vand.u32 $0xFFFF0000, v30;
	v55 =	vld.idx.msk [tilespmem:v51+s4+$0x0], $0xffff  }
0x4d: {  	v17 =	vand.u32 $0xFFFF0000, v17;
	v7 =	vand.u32 $0xFFFF0000, v7;
	v62 =	vld.idx.msk [tilespmem:v57+s4+$0x0], $0xffff;
	v15 =	vmul.f32 v15, v20  }
0x4e: {  	v11 =	vand.u32 $0xFFFF0000, v11;
	v38 =	vld.idx.msk [tilespmem:v38+s4+$0x0], $0xffff;
	v14 =	vmul.f32 v14, v18;
	v6 =	vmul.f32 v6, v16  }
0x4f: {  	v5 =	vand.u32 $0xFFFF0000, v5;
	v21 =	vld.idx.msk [tilespmem:v59+s4+$0x0], $0xffff;
	v12 =	vmul.f32 v12, v29;
	v22 =	vmul.f32 v22, v27  }
0x50: {  	v10 =	vand.u32 $0xFFFF0000, v10;
	v23 =	vld.idx.msk [tilespmem:v4+s4+$0x0], $0xffff;
	v16 =	vmul.f32 v46, v26;
	v9 =	vmul.f32 v9, v24  }
0x51: {  	v4 =	vld [tilespmem:s17+$0xFFFFFF70];
	v20 =	vand.u32 $0xFFFF0000, v43;
	v13 =	vmul.f32 v13, v47;
	v19 =	vmul.f32 v19, v31  }
0x52: {  	v27 =	vld.idx.msk [tilespmem:v49+s4+$0x0], $0xffff;
	v46 =	vand.u32 $0xFFFF, v37;
	v49 =	vand.u32 $0xFFFF0000, v39;
	v39 =	vand.u32 $0xFFFF, v39  }
0x53: {  	v18 =	vld.idx.msk [tilespmem:v42+s4+$0x0], $0xffff;
	v42 =	vand.u32 $0xFFFF0000, v28;
	v29 =	vand.u32 $0xFFFF0000, v53;
	v28 =	vand.u32 $0xFFFF, v28  }
0x54: {  	v26 =	vld [tilespmem:s17+$0xFFFFFF80];
	v7 =	vmul.f32 v7, v38;
	v53 =	vand.u32 $0xFFFF0000, v25;
	v25 =	vand.u32 $0xFFFF, v25  }
0x55: {  	v47 =	vld [tilespmem:s17+$0xFFFFFF60];
	v29 =	vmul.f32 v29, v62;
	v14 =	vadd.f32 v14, v15;
	v12 =	vadd.f32 v22, v12  }
0x56: {  	v9 =	vadd.f32 v9, v16;
	v16 =	vld.idx.msk [tilespmem:v54+s4+$0x0], $0xffff;
	v54 =	vand.u32 $0xFFFF, v40;
	v22 =	vand.u32 $0xFFFF0000, v56  }
0x57: {  	v24 =	vld.idx.msk [tilespmem:v50+s4+$0x0], $0xffff;
	v56 =	vand.u32 $0xFFFF0000, v58;
	v52 =	vperm.xlane v14, v0;
	v34 =	vperm.xlane v12, v0  }
0x58: {  	v15 =	vld.idx.msk [tilespmem:v45+s4+$0x0], $0xffff;
	v58 =	vand.u32 $0xFFFF0000, v37;
	v35 =	vperm.xlane v9, v0;
	v10 =	vmul.f32 v10, v23  }
0x59: {  	v45 =	vld.idx.msk [tilespmem:v36+s4+$0x0], $0xffff;
	v23 =	vand.u32 $0xFFFF0000, v44;
	v20 =	vmul.f32 v20, v27;
	v18 =	vmul.f32 v30, v18  }
0x5a: {  	v31 =	vld.idx.msk [tilespmem:v63+s4+$0x0], $0xffff;
	v43 =	vand.u32 $0xFFFF0000, v26;
	v51 =	vand.u32 $0xFFFF, v4;
	v26 =	vand.u32 $0xFFFF, v26  }
0x5b: {  	v27 =	vld.idx.msk [tilespmem:v60+s4+$0x0], $0xffff;
	v37 =	vand.u32 $0xFFFF0000, v47;
	v4 =	vand.u32 $0xFFFF0000, v4;
	v9 =	vsel vm0, v34, v9  }
0x5c: {  	v28 =	vld.idx.msk [tilespmem:v28+s4+$0x0], $0xffff;
	v12 =	vsel vm0, v12, v35;
	v23 =	vmul.f32 v23, v24;
	v6 =	vadd.f32 v10, v6  }
0x5d: {  	v57 =	vld.idx.msk [tilespmem:v39+s4+$0x0], $0xffff;
	v15 =	vmul.f32 v8, v15;
	v8 =	vadd.f32 v12, v9;
	v12 =	vand.u32 $0xFFFF0000, v33  }
0x5e: {  	v24 =	vld.idx.msk [tilespmem:v61+s4+$0x0], $0xffff;
	v19 =	vadd.f32 v19, v20;
	v16 =	vmul.f32 v17, v16;
	v11 =	vmul.f32 v11, v45  }
0x5f: {  	v33 =	vld [tilespmem:s17+$0x30];
	v18 =	vadd.f32 v18, v29;
	v12 =	vmul.f32 v12, v21;
	v10 =	vsel vm0, v52, v6  }
0x60: {  	v61 =	vld.idx.msk [tilespmem:v25+s4+$0x0], $0xffff;
	v6 =	vperm.xlane v6, v0;
	v15 =	vadd.f32 v15, v16;
	v16 =	vmul.f32 v56, v31  }
0x61: {  	v52 =	vand.u32 $0xFFFF, v47;
	v62 =	vperm.xlane v18, v0;
	v5 =	vmul.f32 v5, v27  }
0x62: {  	v7 =	vadd.f32 v11, v7;
	v31 =	vmul.f32 v42, v28;
	v20 =	vmul.f32 v49, v57  }
0x63: {  	v63 =	vld.idx.msk [tilespmem:v26+s4+$0x0], $0xffff;
	v6 =	vsel vm0, v14, v6;
	v14 =	vmul.f32 v32, v55;
	v22 =	vmul.f32 v22, v24  }
0x64: {  	v17 =	vld.idx.msk [tilespmem:v51+s4+$0x0], $0xffff;
	v60 =	vperm.xlane v7, v0;
	v7 =	vsel vm0, v7, v62;
	v48 =	vand.u32 $0xFFFF, v33  }
0x65: {  	v39 =	vperm.xlane v15, v0;
	v24 =	vmul.f32 v53, v61;
	v6 =	vadd.f32 v6, v10  }
0x66: {  	v34 =	vld.idx.msk [tilespmem:v54+s4+$0x0], $0xffff;
	v10 =	vperm.xlane v8, v1;
	v35 =	vand.u32 $0xFFFF0000, v33;
	v14 =	vadd.f32 v23, v14  }
0x67: {  	v23 =	vld.idx.msk [tilespmem:v46+s4+$0x0], $0xffff;
	v18 =	vsel vm0, v60, v18;
	v12 =	vadd.f32 v24, v12;
	v9 =	vperm.xlane v6, v1  }
0x68: {  	v59 =	vld.idx.msk [tilespmem:v52+s4+$0x0], $0xffff;
	v7 =	vadd.f32 v7, v18;
	v41 =	vperm.xlane v14, v0;
	v42 =	vmul.f32 v43, v63  }
0x69: {  	v5 =	vadd.f32 v5, v22;
	v47 =	vperm.xlane v12, v0;
	v4 =	vmul.f32 v4, v17;
	v55 =	vld.idx.msk [tilespmem:v48+s4+$0x0], $0xffff  }
0x6a: {  	v53 =	vperm.xlane v7, v1;
	v50 =	vsel vm0, v41, v19;
	v19 =	vperm.xlane v19, v0  }
0x6b: {  	v41 =	vand.u32 $0xFFFF0000, v40;
	v44 =	vadd.f32 v31, v42;
	v48 =	vperm.xlane v5, v0  }
0x6c: {  	v6 =	vsel vm1, v10, v6;
	v23 =	vmul.f32 v58, v23;
	v43 =	vmul.f32 v41, v34  }
0x6d: {  	v14 =	vsel vm0, v14, v19;
	v19 =	vmul.f32 v37, v59;
	v49 =	vperm.xlane v44, v0  }
0x6e: {  	v16 =	vadd.f32 v16, v23;
	v13 =	vadd.f32 v13, v43;
	v11 =	vmul.f32 v35, v55  }
0x6f: {  	v17 =	vsel vm0, v44, v48;
	v14 =	vadd.f32 v14, v50;
	v4 =	vadd.f32 v4, v19  }
0x70: {  	v5 =	vsel vm0, v49, v5;
	v50 =	vperm.xlane v13, v0;
	v11 =	vadd.f32 v11, v20  }
0x71: {  	v45 =	vperm.xlane v16, v0;
	v13 =	vsel vm0, v13, v39;
	v52 =	vperm.xlane v14, v1  }
0x72: {  	v51 =	vperm.xlane v4, v0;
	v15 =	vsel vm0, v50, v15;
	v46 =	vperm.xlane v11, v0  }
0x73: {  	v5 =	vadd.f32 v17, v5;
	v4 =	vsel vm0, v47, v4;
	v13 =	vadd.f32 v13, v15  }
0x74: {  	v12 =	vsel vm0, v12, v51;
	v11 =	vsel vm0, v45, v11;
	v16 =	vsel vm0, v16, v46  }
0x75: {  	v54 =	vperm.xlane v5, v1;
	v4 =	vadd.f32 v12, v4;
	v11 =	vadd.f32 v16, v11  }
0x76: {  	v8 =	vsel vm1, v8, v9;
	v5 =	vsel vm1, v5, v52;
	v56 =	vperm.xlane v13, v1  }
0x77: {  	v14 =	vsel vm1, v54, v14;
	v57 =	vperm.xlane v4, v1;
	v55 =	vperm.xlane v11, v1  }
0x78: {  	v6 =	vadd.f32 v8, v6;
	v5 =	vadd.f32 v5, v14;
	v4 =	vsel vm1, v56, v4  }
0x79: {  	v58 =	vsel vm1, v13, v57;
	v11 =	vsel vm1, v11, v53;
	v7 =	vsel vm1, v55, v7  }
0x7a: {  	v4 =	vadd.f32 v58, v4;
	v7 =	vadd.f32 v11, v7  }
0x7b: {  	v60 =	vperm.xlane v6, v2;
	v62 =	vperm.xlane v5, v2  }
0x7c: {  	v61 =	vperm.xlane v4, v2;
	v59 =	vperm.xlane v7, v2  }
0x7d: {  	v4 =	vsel vm2, v4, v62  }
0x7e: {  	s30 =	simm.s32 $0x0;
	s31 =	sadd.s32 $0x0, s14;
	v5 =	vsel vm2, v61, v5;
	v7 =	vsel vm2, v7, v60;
	v6 =	vsel vm2, v59, v6  }
0x7f: {  	s19 =	sand.u32 $0x180, s31;
	s18 =	sand.u32 $0x70, s30;
	v4 =	vadd.f32 v4, v5;
	v6 =	vadd.f32 v7, v6  }
0x80: {  	s18 =	sor.u32 s18, s19  }
0x81: {  	v63 =	vperm.xlane v4, v3;
	v7 =	vld [tilespmem:s18+$0x5800];
	v5 =	vperm.xlane v6, v3;
	_ =	sdelay $0x1  }
0x82: {  	v4 =	vsel vm3, v4, v5;
	v5 =	vsel vm3, v63, v6  }
0x83: {  	v4 =	vadd.f32 v5, v4;
	_ =	sdelay $0x1  }
0x84: {  	v4 =	vadd.f32 v4, v7;
	_ =	sdelay $0x1  }
0x85: {  	v5 =	vsub.f32 $0.0e+00, v4;
	_ =	sdelay $0x1  }
0x86: {  	v5 =	vmul.f32 $1.442695020e+00, v5;
	_ =	sdelay $0x1  }
0x87: {  	(erf) = vpow2.f32 v5;
	_ =	sdelay $0x8  }
0x88: {  	v5 =	vpop (erf)  }
0x89: {  	v5 =	vadd.f32 $1.000000000e+00, v5;
	_ =	sdelay $0x1  }
0x8a: {  	s20 =	simm.s32 $0x5A80;
	s19 =	simm.s32 $0x10;
	s18 =	simm.s32 $0x5A80;
	(erf) = vrcp.f32 v5  }
.LBB2_3:
0x8b: {  	_ =	sdelay $0x6  }
0x8c: {  	p1 =	sne.s32 s19, $0xF0;
	s20 =	sadd.s32 $0x10, s20;
	s17 =	sadd.s32 $0x200, s17  }
0x8d: {  	s21 =	smov.u32 s19;
	s19 =	sadd.s32 $0x10, s19;
	v5 =	vpop (erf)  }
0x8e: {  	v4 =	vmul.f32 v5, v4;
	_ =	sdelay $0x1  }
0x8f: {  	[tilespmem:s18+$0x0] =	vst v4;
	s18 =	smov.u32 s20  }
0x90: {  	v7 =	vld [tilespmem:s17+$0xE0]  }
0x91: {  	v6 =	vld [tilespmem:s17+$0x40]  }
0x92: {  	v9 =	vld [tilespmem:s17+$0xFFFFFF30]  }
0x93: {  	v10 =	vld [tilespmem:s17+$0xB0]  }
0x94: {  	v5 =	vld [tilespmem:s17+$0xF0]  }
0x95: {  	v12 =	vld [tilespmem:s17+$0x80];
	v8 =	vand.u32 $0xFFFF, v7  }
0x96: {  	v17 =	vld [tilespmem:s17+$0xFFFFFF10]  }
0x97: {  	v11 =	vld [tilespmem:s17+$0xD0]  }
0x98: {  	v18 =	vld [tilespmem:s17+$0xC0]  }
0x99: {  	v4 =	vld [tilespmem:s17+$0xFFFFFFB0];
	v13 =	vand.u32 $0xFFFF, v5  }
0x9a: {  	v19 =	vld.idx.msk [tilespmem:v8+s4+$0x0], $0xffff  }
0x9b: {  	v8 =	vld [tilespmem:s17+$0x50]  }
0x9c: {  	v14 =	vld [tilespmem:s17+$0xFFFFFF20];
	v15 =	vand.u32 $0xFFFF, v11  }
0x9d: {  	v16 =	vld [tilespmem:s17+$0xFFFFFFF0];
	v20 =	vand.u32 $0xFFFF, v18  }
0x9e: {  	v21 =	vld.idx.msk [tilespmem:v13+s4+$0x0], $0xffff  }
0x9f: {  	v22 =	vld [tilespmem:s17+$0xA0]  }
0xa0: {  	v23 =	vld [tilespmem:s17+$0x90]  }
0xa1: {  	v24 =	vld.idx.msk [tilespmem:v15+s4+$0x0], $0xffff  }
0xa2: {  	v20 =	vld.idx.msk [tilespmem:v20+s4+$0x0], $0xffff  }
0xa3: {  	v25 =	vand.u32 $0xFFFF, v10;
	v15 =	vand.u32 $0xFFFF0000, v5;
	v13 =	vld [tilespmem:s17+$0xFFFFFF50]  }
0xa4: {  	v21 =	vmul.f32 v15, v21;
	v5 =	vld [tilespmem:s17+$0xFFFFFF70];
	v26 =	vand.u32 $0xFFFF, v22  }
0xa5: {  	v15 =	vld [tilespmem:s17+$0xFFFFFF90];
	v27 =	vand.u32 $0xFFFF, v23  }
0xa6: {  	v29 =	vand.u32 $0xFFFF, v12;
	v28 =	vld [tilespmem:s17+$0xFFFFFF40]  }
0xa7: {  	v30 =	vand.u32 $0xFFFF, v17;
	v11 =	vand.u32 $0xFFFF0000, v11;
	v18 =	vand.u32 $0xFFFF0000, v18;
	v31 =	vld [tilespmem:s17+$0x70]  }
0xa8: {  	v11 =	vmul.f32 v11, v24;
	v18 =	vmul.f32 v18, v20;
	v25 =	vld.idx.msk [tilespmem:v25+s4+$0x0], $0xffff  }
0xa9: {  	v7 =	vand.u32 $0xFFFF0000, v7;
	v20 =	vld.idx.msk [tilespmem:v26+s4+$0x0], $0xffff  }
0xaa: {  	v7 =	vmul.f32 v7, v19;
	v18 =	vadd.f32 v11, v18;
	v24 =	vld.idx.msk [tilespmem:v27+s4+$0x0], $0xffff  }
0xab: {  	v19 =	vld.idx.msk [tilespmem:v29+s4+$0x0], $0xffff  }
0xac: {  	v7 =	vadd.f32 v21, v7;
	v11 =	vperm.xlane v18, v0;
	v26 =	vld.idx.msk [tilespmem:v30+s4+$0x0], $0xffff;
	v27 =	vand.u32 $0xFFFF, v31  }
0xad: {  	v21 =	vld [tilespmem:s17+$0xFFFFFFE0]  }
0xae: {  	v22 =	vand.u32 $0xFFFF0000, v22;
	v29 =	vand.u32 $0xFFFF, v14;
	v32 =	vsel vm0, v11, v7;
	v30 =	vld [tilespmem:s17+$0xFFFFFFD0]  }
0xaf: {  	v33 =	vand.u32 $0xFFFF, v9;
	v20 =	vmul.f32 v22, v20;
	v34 =	vld [tilespmem:s17+$0xFFFFFFC0]  }
0xb0: {  	v10 =	vand.u32 $0xFFFF0000, v10;
	v12 =	vand.u32 $0xFFFF0000, v12;
	v22 =	vand.u32 $0xFFFF0000, v23;
	v11 =	vld [tilespmem:s17+$0xFFFFFF00]  }
0xb1: {  	v23 =	vand.u32 $0xFFFF, v16;
	v12 =	vmul.f32 v12, v19;
	v19 =	vmul.f32 v22, v24;
	v27 =	vld.idx.msk [tilespmem:v27+s4+$0x0], $0xffff  }
0xb2: {  	v10 =	vmul.f32 v10, v25;
	v22 =	vld [tilespmem:s17+$0xFFFFFF80];
	v24 =	vand.u32 $0xFFFF, v21  }
0xb3: {  	v12 =	vadd.f32 v19, v12;
	v25 =	vld.idx.msk [tilespmem:v29+s4+$0x0], $0xffff;
	v29 =	vand.u32 $0xFFFF0000, v30;
	v30 =	vand.u32 $0xFFFF, v30  }
0xb4: {  	v19 =	vld.idx.msk [tilespmem:v33+s4+$0x0], $0xffff;
	v33 =	vand.u32 $0xFFFF, v34  }
0xb5: {  	v10 =	vadd.f32 v10, v20;
	v20 =	vperm.xlane v12, v0;
	v35 =	vld [tilespmem:s17+$0x60]  }
0xb6: {  	v7 =	vperm.xlane v7, v0;
	v23 =	vld.idx.msk [tilespmem:v23+s4+$0x0], $0xffff  }
0xb7: {  	v36 =	vperm.xlane v10, v0;
	v10 =	vsel vm0, v20, v10;
	v24 =	vld.idx.msk [tilespmem:v24+s4+$0x0], $0xffff  }
0xb8: {  	v17 =	vand.u32 $0xFFFF0000, v17;
	v7 =	vsel vm0, v18, v7;
	v20 =	vld.idx.msk [tilespmem:v30+s4+$0x0], $0xffff  }
0xb9: {  	v9 =	vand.u32 $0xFFFF0000, v9;
	v7 =	vadd.f32 v7, v32;
	v12 =	vsel vm0, v12, v36;
	v18 =	vld.idx.msk [tilespmem:v33+s4+$0x0], $0xffff  }
0xba: {  	v19 =	vmul.f32 v9, v19;
	v9 =	vadd.f32 v12, v10;
	v30 =	vld [tilespmem:s17+$0xFFFFFFA0];
	v32 =	vand.u32 $0xFFFF, v35  }
0xbb: {  	v37 =	vand.u32 $0xFFFF, v8;
	v33 =	vand.u32 $0xFFFF0000, v28;
	v10 =	vperm.xlane v7, v1;
	v36 =	vld [tilespmem:s17+$0x10]  }
0xbc: {  	v39 =	vand.u32 $0xFFFF, v6;
	v21 =	vand.u32 $0xFFFF0000, v21;
	v12 =	vperm.xlane v9, v1;
	v38 =	vld [tilespmem:s17+$0x0]  }
0xbd: {  	v17 =	vmul.f32 v17, v26;
	v26 =	vand.u32 $0xFFFF, v28;
	v21 =	vmul.f32 v21, v24;
	v24 =	vld [tilespmem:s17+$0x30]  }
0xbe: {  	v34 =	vand.u32 $0xFFFF0000, v34;
	v28 =	vand.u32 $0xFFFF, v4;
	v20 =	vmul.f32 v29, v20;
	v29 =	vld [tilespmem:s17+$0x20]  }
0xbf: {  	v16 =	vand.u32 $0xFFFF0000, v16;
	v18 =	vmul.f32 v34, v18;
	v40 =	vand.u32 $0xFFFF, v30;
	v32 =	vld.idx.msk [tilespmem:v32+s4+$0x0], $0xffff  }
0xc0: {  	v31 =	vand.u32 $0xFFFF0000, v31;
	v16 =	vmul.f32 v16, v23;
	v23 =	vand.u32 $0xFFFF, v36;
	v34 =	vld.idx.msk [tilespmem:v37+s4+$0x0], $0xffff  }
0xc1: {  	v14 =	vand.u32 $0xFFFF0000, v14;
	v18 =	vadd.f32 v20, v18;
	v20 =	vand.u32 $0xFFFF, v38;
	v37 =	vld.idx.msk [tilespmem:v39+s4+$0x0], $0xffff  }
0xc2: {  	v27 =	vmul.f32 v31, v27;
	v16 =	vadd.f32 v16, v21;
	v39 =	vld [tilespmem:s17+$0xFFFFFF60];
	v21 =	vand.u32 $0xFFFF, v24  }
0xc3: {  	v41 =	vperm.xlane v18, v0;
	v28 =	vld.idx.msk [tilespmem:v28+s4+$0x0], $0xffff;
	v31 =	vand.u32 $0xFFFF0000, v29;
	v29 =	vand.u32 $0xFFFF, v29  }
0xc4: {  	v42 =	vand.u32 $0xFFFF0000, v15;
	v15 =	vand.u32 $0xFFFF, v15;
	v35 =	vand.u32 $0xFFFF0000, v35;
	v40 =	vld.idx.msk [tilespmem:v40+s4+$0x0], $0xffff  }
0xc5: {  	v43 =	vand.u32 $0xFFFF0000, v22;
	v32 =	vmul.f32 v35, v32;
	v35 =	vsel vm0, v41, v16;
	v26 =	vld.idx.msk [tilespmem:v26+s4+$0x0], $0xffff  }
0xc6: {  	v6 =	vand.u32 $0xFFFF0000, v6;
	v14 =	vmul.f32 v14, v25;
	v25 =	vand.u32 $0xFFFF, v5;
	v23 =	vld.idx.msk [tilespmem:v23+s4+$0x0], $0xffff  }
0xc7: {  	v8 =	vand.u32 $0xFFFF0000, v8;
	v6 =	vmul.f32 v6, v37;
	v41 =	vand.u32 $0xFFFF, v39;
	v20 =	vld.idx.msk [tilespmem:v20+s4+$0x0], $0xffff  }
0xc8: {  	v8 =	vmul.f32 v8, v34;
	v37 =	vand.u32 $0xFFFF0000, v13;
	v13 =	vand.u32 $0xFFFF, v13;
	v21 =	vld.idx.msk [tilespmem:v21+s4+$0x0], $0xffff  }
0xc9: {  	v22 =	vand.u32 $0xFFFF, v22;
	v30 =	vand.u32 $0xFFFF0000, v30;
	v34 =	vand.u32 $0xFFFF, v11;
	v15 =	vld.idx.msk [tilespmem:v15+s4+$0x0], $0xffff  }
0xca: {  	v6 =	vadd.f32 v8, v6;
	v8 =	vperm.xlane v16, v0;
	v30 =	vmul.f32 v30, v40;
	v29 =	vld.idx.msk [tilespmem:v29+s4+$0x0], $0xffff  }
0xcb: {  	v14 =	vadd.f32 v19, v14;
	v19 =	vand.u32 $0xFFFF0000, v36;
	v16 =	vld.idx.msk [tilespmem:v25+s4+$0x0], $0xffff;
	v25 =	vadd.f32 v27, v32  }
0xcc: {  	v32 =	vand.u32 $0xFFFF0000, v38;
	v19 =	vmul.f32 v19, v23;
	v23 =	vperm.xlane v6, v0;
	v27 =	vld.idx.msk [tilespmem:v41+s4+$0x0], $0xffff  }
0xcd: {  	v4 =	vand.u32 $0xFFFF0000, v4;
	v8 =	vsel vm0, v18, v8;
	v20 =	vmul.f32 v32, v20;
	v13 =	vld.idx.msk [tilespmem:v13+s4+$0x0], $0xffff  }
0xce: {  	v4 =	vmul.f32 v4, v28;
	v23 =	vsel vm0, v23, v25;
	v18 =	vld.idx.msk [tilespmem:v22+s4+$0x0], $0xffff;
	v22 =	vperm.xlane v25, v0  }
0xcf: {  	v8 =	vadd.f32 v8, v35;
	v15 =	vmul.f32 v42, v15;
	v19 =	vadd.f32 v19, v20;
	v25 =	vld.idx.msk [tilespmem:v34+s4+$0x0], $0xffff  }
0xd0: {  	v24 =	vand.u32 $0xFFFF0000, v24;
	v20 =	vmul.f32 v33, v26;
	v6 =	vsel vm0, v6, v22  }
0xd1: {  	v21 =	vmul.f32 v24, v21;
	v24 =	vperm.xlane v14, v0;
	v22 =	vand.u32 $0xFFFF0000, v39  }
0xd2: {  	v5 =	vand.u32 $0xFFFF0000, v5;
	v28 =	vperm.xlane v8, v1;
	v26 =	vmul.f32 v31, v29  }
0xd3: {  	v11 =	vand.u32 $0xFFFF0000, v11;
	v4 =	vadd.f32 v4, v30;
	v13 =	vmul.f32 v37, v13  }
0xd4: {  	v21 =	vadd.f32 v21, v26;
	v6 =	vadd.f32 v6, v23;
	v18 =	vmul.f32 v43, v18  }
0xd5: {  	v11 =	vmul.f32 v11, v25;
	v13 =	vadd.f32 v13, v20;
	v20 =	vmul.f32 v22, v27  }
0xd6: {  	v22 =	vperm.xlane v21, v0;
	v15 =	vadd.f32 v15, v18;
	v18 =	vperm.xlane v19, v0  }
0xd7: {  	v23 =	vperm.xlane v4, v0;
	v11 =	vadd.f32 v17, v11;
	v17 =	vperm.xlane v13, v0  }
0xd8: {  	v5 =	vmul.f32 v5, v16;
	v16 =	vperm.xlane v15, v0;
	v18 =	vsel vm0, v18, v21  }
0xd9: {  	v19 =	vsel vm0, v19, v22;
	v15 =	vsel vm0, v15, v23;
	v21 =	vperm.xlane v11, v0  }
0xda: {  	v5 =	vadd.f32 v5, v20;
	v4 =	vsel vm0, v16, v4;
	v16 =	vadd.f32 v19, v18  }
0xdb: {  	v11 =	vsel vm0, v11, v24;
	v14 =	vsel vm0, v21, v14;
	v4 =	vadd.f32 v15, v4  }
0xdc: {  	v15 =	vperm.xlane v6, v1;
	v11 =	vadd.f32 v11, v14;
	v14 =	vperm.xlane v5, v0  }
0xdd: {  	v5 =	vsel vm0, v17, v5;
	v18 =	vperm.xlane v16, v1;
	v17 =	vperm.xlane v4, v1  }
0xde: {  	v15 =	vsel vm1, v16, v15;
	v13 =	vsel vm0, v13, v14;
	v14 =	vperm.xlane v11, v1  }
0xdf: {  	v4 =	vsel vm1, v4, v28;
	v5 =	vadd.f32 v13, v5;
	v8 =	vsel vm1, v17, v8  }
0xe0: {  	v9 =	vsel vm1, v9, v10;
	v7 =	vsel vm1, v12, v7;
	v6 =	vsel vm1, v18, v6  }
0xe1: {  	v7 =	vadd.f32 v9, v7;
	v6 =	vadd.f32 v15, v6;
	v10 =	vperm.xlane v5, v1  }
0xe2: {  	v5 =	vsel vm1, v14, v5  }
0xe3: {  	v4 =	vadd.f32 v4, v8;
	v8 =	vperm.xlane v6, v2;
	v9 =	vsel vm1, v11, v10  }
0xe4: {  	v5 =	vadd.f32 v9, v5;
	v9 =	vperm.xlane v7, v2  }
0xe5: {  	v7 =	vsel vm2, v8, v7  }
0xe6: {  	v10 =	vperm.xlane v4, v2;
	v8 =	vperm.xlane v5, v2;
	v6 =	vsel vm2, v6, v9  }
0xe7: {  	v6 =	vadd.f32 v6, v7  }
0xe8: {  	s22 =	sadd.s32 s21, s14;
	v5 =	vsel vm2, v5, v10;
	v4 =	vsel vm2, v8, v4  }
0xe9: {  	s21 =	sand.u32 $0x70, s21;
	s22 =	sand.u32 $0x180, s22;
	v4 =	vadd.f32 v5, v4;
	v5 =	vperm.xlane v6, v3  }
0xea: {  	s21 =	sor.u32 s21, s22  }
0xeb: {  	v8 =	vperm.xlane v4, v3;
	v4 =	vsel vm3, v4, v5;
	v7 =	vld [tilespmem:s21+$0x5800];
	_ =	sdelay $0x1  }
0xec: {  	v5 =	vsel vm3, v8, v6  }
0xed: {  	v4 =	vadd.f32 v5, v4;
	_ =	sdelay $0x1  }
0xee: {  	v4 =	vadd.f32 v4, v7;
	_ =	sdelay $0x1  }
0xef: {  	v5 =	vsub.f32 $0.0e+00, v4;
	_ =	sdelay $0x1  }
0xf0: {  	v5 =	vmul.f32 $1.442695020e+00, v5;
	_ =	sdelay $0x1  }
0xf1: {  	(erf) = vpow2.f32 v5;
	_ =	sdelay $0x7  }
.Ltmp1:
0xf2: {  	(pc) =	sbr.rel @p1 .LBB2_3-.Ltmp1, $3  }
0xf3: {  	v5 =	vpop (erf)  }
0xf4: {  	v5 =	vadd.f32 $1.000000000e+00, v5;
	_ =	sdelay $0x1  }
0xf5: {  	(erf) = vrcp.f32 v5  }
0xf6: {  	_ =	sdelay $0x7  }
0xf7: {  	v5 =	vpop (erf)  }
0xf8: {  	s16 =	sshll.u32 s16, $0x7;
	v4 =	vmul.f32 v5, v4  }
0xf9: {  	s16 =	sand.u32 $0x80, s16  }
0xfa: {  	s17 =	sadd.s32 s16, s8;
	[tilespmem:s18+$0x0] =	vst v4  }
0xfb: {  	[spmem:s17] =	stream.strided.scatter [tilespmem:s13], [sflag:$0x4], $0x100, s12, s11, $0x38;
	[tilespmem:$0x5D80] =	vst v63  }
0xfc: {  	_ =	swait.ge [sflag:s7], $0x100  }
0xfd: {  	[sflag:s7] =	ssyncset.done $0x0  }
0xfe: {  	p1 =	sne.s32 s15, $0x17;
	[sflag:s7] =	ssyncadd.s32 $0xFFFFFF00  }
.Ltmp2:
0xff: {  	s16 =	sadd.s32 s16, s3;
	[bflag:$0x0] =	sbarrier.arrive $0xFFFF;
	(pc) =	sbr.rel @p1 .LBB2_2-.Ltmp2, $4  }
0x100: {  	[tilespmem:s4], [sflag:$0x4] =	stream.strided.gather [spmem:s16], $0x1000, s12, s11, $0x38;
	[tilespmem:$0x5D80] =	vst v63  }
0x101: {  	_ =	swait.ge [sflag:s7], $0x1000  }
0x102: {  	s14 =	sadd.s32 $0x100, s14;
	[sflag:s7] =	ssyncset.done $0x0  }
0x103: {  	p0 =	por !p0, !p0;
	s16 =	smov.u32 s15;
	[sflag:s7] =	ssyncadd.s32 $0xFFFFF000  }
0x104: {  	s3 =	simm.s32 $0x3  }
0x105: {  	_ =	swait.ge [sflag:s3], $0x800  }
0x106: {  	[sflag:s3] =	ssyncset.done $0x0  }
0x107: {  	[sflag:s3] =	ssyncadd.s32 $0xFFFFF800  }
0x108: {  	_ =	swait.ge [sflag:s3], $0x40  }
0x109: {  	[sflag:s3] =	ssyncset.done $0x0  }
0x10a: {  	[sflag:s3] =	ssyncadd.s32 $0xFFFFFFC0;
	s3 =	simm.s32 $0x5100  }
0x10b: {  	v9 =	vld [tilespmem:s3+$0xFFFFFFA0]  }
0x10c: {  	v8 =	vld [tilespmem:s3+$0xFFFFFF60]  }
0x10d: {  	v7 =	vld [tilespmem:s3+$0xFFFFFF40]  }
0x10e: {  	v10 =	vld [tilespmem:s3+$0xFFFFFF20]  }
0x10f: {  	v11 =	vld [tilespmem:s3+$0xE0]  }
0x110: {  	v17 =	vld [tilespmem:s3+$0xFFFFFF30]  }
0x111: {  	v14 =	vld [tilespmem:s3+$0xFFFFFFB0]  }
0x112: {  	v5 =	vld [tilespmem:s3+$0xFFFFFFC0]  }
0x113: {  	v6 =	vld [tilespmem:s3+$0xFFFFFFD0]  }
0x114: {  	v21 =	vld [tilespmem:s3+$0xFFFFFF10]  }
0x115: {  	v19 =	vld [tilespmem:s3+$0xFFFFFF50]  }
0x116: {  	v18 =	vld [tilespmem:s3+$0xF0]  }
0x117: {  	v22 =	vld [tilespmem:s3+$0xFFFFFF70]  }
0x118: {  	v20 =	vld [tilespmem:s3+$0xD0]  }
0x119: {  	v16 =	vld [tilespmem:s3+$0xC0]  }
0x11a: {  	v0 =	vimm.s32 $0xEFCDAB89;
	v24 =	vld [tilespmem:s3+$0x70]  }
0x11b: {  	v1 =	vimm.s32 $0x67452301;
	v2 =	vimm.s32 $0xDCFE98BA;
	v25 =	vld [tilespmem:s3+$0xB0]  }
0x11c: {  	v3 =	vimm.s32 $0x54761032;
	v12 =	vimm.s32 $0xBA98FEDC;
	v26 =	vld [tilespmem:s3+$0xA0]  }
0x11d: {  	v13 =	vimm.s32 $0x32107654;
	v0 =	vunpack.c.l.s4.s8 v0;
	v1 =	vunpack.c.l.s4.s8 v1;
	v28 =	vld [tilespmem:s3+$0x90]  }
0x11e: {  	v2 =	vunpack.c.l.s4.s8 v2;
	v3 =	vunpack.c.l.s4.s8 v3;
	v12 =	vunpack.c.l.s4.s8 v12;
	v30 =	vld [tilespmem:s3+$0x80]  }
0x11f: {  	v13 =	vunpack.c.l.s4.s8 v13;
	v0 =	vunpack.c.0.s8.s32 v0;
	v1 =	vunpack.c.0.s8.s32 v1;
	v36 =	vld [tilespmem:s3+$0xFFFFFF80]  }
0x120: {  	v2 =	vunpack.c.0.s8.s32 v2;
	v3 =	vunpack.c.0.s8.s32 v3;
	v60 =	vld [tilespmem:s3+$0x50];
	v4 =	vand.u32 $0xFFFF, v18  }
0x121: {  	v12 =	vunpack.c.0.s8.s32 v12;
	v13 =	vunpack.c.0.s8.s32 v13;
	v61 =	vld [tilespmem:s3+$0x40];
	v15 =	vand.u32 $0xFFFF, v11  }
0x122: {  	v0 =	vcombine.low v1, v0;
	v1 =	vcombine.low v3, v2;
	v41 =	vld [tilespmem:s3+$0x10];
	v27 =	vand.u32 $0xFFFF, v20  }
0x123: {  	v2 =	vcombine.low v13, v12;
	v3 =	vimm.s32 $0xFEDCBA98;
	v43 =	vld [tilespmem:s3+$0x0];
	v29 =	vand.u32 $0xFFFF, v16  }
0x124: {  	s4 =	simm.s32 $0x0;
	v3 =	vunpack.c.l.s4.s8 v3;
	v0 =	vand.u32 $0xF, v0;
	v44 =	vld [tilespmem:s3+$0xFFFFFFE0];
	v32 =	vand.u32 $0xFFFF, v25  }
0x125: {  	v1 =	vand.u32 $0xF, v1;
	v2 =	vand.u32 $0xF, v2;
	v34 =	vand.u32 $0xFFFF, v26;
	v31 =	vld.idx.msk [tilespmem:v4+s4+$0x0], $0xffff  }
0x126: {  	v3 =	vunpack.c.0.s8.s32 v3;
	v35 =	vand.u32 $0xFFFF, v28;
	v37 =	vand.u32 $0xFFFF, v30;
	v33 =	vld.idx.msk [tilespmem:v15+s4+$0x0], $0xffff  }
0x127: {  	v12 =	vand.u32 $0xFFFF, v22;
	v38 =	vand.u32 $0xFFFF, v19;
	v39 =	vand.u32 $0xFFFF, v21;
	v27 =	vld.idx.msk [tilespmem:v27+s4+$0x0], $0xffff  }
0x128: {  	v40 =	vand.u32 $0xFFFF0000, v11;
	v11 =	vand.u32 $0xFFFF0000, v8;
	v57 =	vand.u32 $0xFFFF0000, v16;
	v29 =	vld.idx.msk [tilespmem:v29+s4+$0x0], $0xffff  }
0x129: {  	v16 =	vand.u32 $0xFFFF0000, v7;
	v20 =	vand.u32 $0xFFFF0000, v20;
	v58 =	vand.u32 $0xFFFF0000, v18;
	v32 =	vld.idx.msk [tilespmem:v32+s4+$0x0], $0xffff  }
0x12a: {  	v18 =	vand.u32 $0xFFFF0000, v17;
	v26 =	vand.u32 $0xFFFF0000, v26;
	v42 =	vand.u32 $0xFFFF, v24;
	v34 =	vld.idx.msk [tilespmem:v34+s4+$0x0], $0xffff  }
0x12b: {  	v25 =	vand.u32 $0xFFFF0000, v25;
	v30 =	vand.u32 $0xFFFF0000, v30;
	v55 =	vand.u32 $0xFFFF, v41;
	v35 =	vld.idx.msk [tilespmem:v35+s4+$0x0], $0xffff  }
0x12c: {  	v28 =	vand.u32 $0xFFFF0000, v28;
	v52 =	vand.u32 $0xFFFF, v60;
	v8 =	vand.u32 $0xFFFF, v8;
	v37 =	vld.idx.msk [tilespmem:v37+s4+$0x0], $0xffff  }
0x12d: {  	v53 =	vand.u32 $0xFFFF0000, v60;
	v54 =	vand.u32 $0xFFFF, v61;
	v7 =	vand.u32 $0xFFFF, v7;
	v38 =	vld.idx.msk [tilespmem:v38+s4+$0x0], $0xffff  }
0x12e: {  	v47 =	vand.u32 $0xFFFF0000, v19;
	v21 =	vand.u32 $0xFFFF0000, v21;
	v60 =	vand.u32 $0xFFFF, v44;
	v63 =	vld.idx.msk [tilespmem:v39+s4+$0x0], $0xffff  }
0x12f: {  	v24 =	vand.u32 $0xFFFF0000, v24;
	v41 =	vand.u32 $0xFFFF0000, v41;
	v50 =	vand.u32 $0xFFFF, v36;
	v42 =	vld.idx.msk [tilespmem:v42+s4+$0x0], $0xffff  }
0x130: {  	v15 =	vand.u32 $0xFFFF, v10;
	v10 =	vand.u32 $0xFFFF0000, v10;
	v39 =	vld.idx.msk [tilespmem:v55+s4+$0x0], $0xffff;
	v33 =	vmul.f32 v40, v33  }
0x131: {  	v8 =	vld.idx.msk [tilespmem:v8+s4+$0x0], $0xffff;
	v29 =	vmul.f32 v57, v29;
	v27 =	vmul.f32 v20, v27;
	v20 =	vand.u32 $0xFFFF0000, v14  }
0x132: {  	v7 =	vld.idx.msk [tilespmem:v7+s4+$0x0], $0xffff;
	v31 =	vmul.f32 v58, v31;
	v40 =	vand.u32 $0xFFFF, v17;
	v26 =	vmul.f32 v26, v34  }
0x133: {  	v12 =	vld.idx.msk [tilespmem:v12+s4+$0x0], $0xffff;
	v17 =	vand.u32 $0xFFFF0000, v22;
	v25 =	vmul.f32 v25, v32;
	v30 =	vmul.f32 v30, v37  }
0x134: {  	v23 =	vld [tilespmem:s3+$0x60];
	v28 =	vmul.f32 v28, v35;
	v57 =	vand.u32 $0xFFFF, v43;
	v21 =	vmul.f32 v21, v63  }
0x135: {  	v13 =	vld [tilespmem:s3+$0xFFFFFF90];
	v43 =	vand.u32 $0xFFFF0000, v43;
	v38 =	vmul.f32 v47, v38;
	v24 =	vmul.f32 v24, v42  }
0x136: {  	v49 =	vld [tilespmem:s3+$0xFFFFFF00];
	v63 =	vand.u32 $0xFFFF, v5;
	v14 =	vand.u32 $0xFFFF, v14;
	v39 =	vmul.f32 v41, v39  }
0x137: {  	v34 =	vld.idx.msk [tilespmem:v52+s4+$0x0], $0xffff;
	v52 =	vand.u32 $0xFFFF0000, v44;
	v5 =	vand.u32 $0xFFFF0000, v5;
	v7 =	vmul.f32 v16, v7  }
0x138: {  	v32 =	vld [tilespmem:s3+$0x30];
	v8 =	vmul.f32 v11, v8;
	v12 =	vmul.f32 v17, v12;
	v59 =	vadd.f32 v27, v29  }
0x139: {  	v35 =	vld [tilespmem:s3+$0x20];
	v29 =	vand.u32 $0xFFFF0000, v23;
	v31 =	vadd.f32 v31, v33;
	v23 =	vand.u32 $0xFFFF, v23  }
0x13a: {  	v28 =	vadd.f32 v28, v30;
	v25 =	vadd.f32 v25, v26;
	v27 =	vld [tilespmem:s3+$0xFFFFFFF0];
	v33 =	vand.u32 $0xFFFF0000, v61  }
0x13b: {  	v30 =	vld.idx.msk [tilespmem:v54+s4+$0x0], $0xffff;
	v61 =	vand.u32 $0xFFFF, v6;
	v54 =	vand.u32 $0xFFFF, v49;
	v6 =	vand.u32 $0xFFFF0000, v6  }
0x13c: {  	v7 =	vadd.f32 v38, v7;
	v62 =	vperm.xlane v59, v0;
	v51 =	vperm.xlane v31, v0;
	v40 =	vld.idx.msk [tilespmem:v40+s4+$0x0], $0xffff  }
0x13d: {  	v8 =	vadd.f32 v12, v8;
	v45 =	vperm.xlane v28, v0;
	v26 =	vmul.f32 v53, v34;
	v53 =	vld.idx.msk [tilespmem:v63+s4+$0x0], $0xffff  }
0x13e: {  	v46 =	vperm.xlane v25, v0;
	v48 =	vand.u32 $0xFFFF, v32;
	v56 =	vand.u32 $0xFFFF, v35;
	v14 =	vld.idx.msk [tilespmem:v14+s4+$0x0], $0xffff  }
0x13f: {  	v32 =	vand.u32 $0xFFFF0000, v32;
	v31 =	vsel vm0, v62, v31;
	v22 =	vsel vm0, v59, v51;
	v23 =	vld.idx.msk [tilespmem:v23+s4+$0x0], $0xffff  }
0x140: {  	v28 =	vsel vm0, v28, v46;
	v25 =	vsel vm0, v45, v25;
	v19 =	vadd.f32 v22, v31;
	v31 =	vld.idx.msk [tilespmem:v57+s4+$0x0], $0xffff  }
0x141: {  	v35 =	vand.u32 $0xFFFF0000, v35;
	v25 =	vadd.f32 v28, v25;
	v30 =	vmul.f32 v33, v30;
	v28 =	vld.idx.msk [tilespmem:v60+s4+$0x0], $0xffff  }
0x142: {  	v59 =	vand.u32 $0xFFFF, v27;
	v51 =	vld.idx.msk [tilespmem:v61+s4+$0x0], $0xffff;
	v27 =	vand.u32 $0xFFFF0000, v27;
	v58 =	vperm.xlane v19, v1  }
0x143: {  	v26 =	vadd.f32 v26, v30;
	v62 =	vld.idx.msk [tilespmem:v48+s4+$0x0], $0xffff;
	v48 =	vand.u32 $0xFFFF, v13;
	v5 =	vmul.f32 v5, v53  }
0x144: {  	v22 =	vld.idx.msk [tilespmem:v56+s4+$0x0], $0xffff;
	v56 =	vand.u32 $0xFFFF0000, v36;
	v14 =	vmul.f32 v20, v14;
	v18 =	vmul.f32 v18, v40  }
0x145: {  	v45 =	vsel vm1, v25, v58;
	v25 =	vperm.xlane v25, v1;
	v58 =	vperm.xlane v26, v0  }
0x146: {  	v23 =	vmul.f32 v29, v23;
	v29 =	vand.u32 $0xFFFF0000, v9;
	v9 =	vand.u32 $0xFFFF, v9  }
0x147: {  	v36 =	vand.u32 $0xFFFF0000, v49;
	v37 =	vld.idx.msk [tilespmem:v59+s4+$0x0], $0xffff;
	v31 =	vmul.f32 v43, v31;
	v6 =	vmul.f32 v6, v51  }
0x148: {  	v28 =	vmul.f32 v52, v28;
	v59 =	vld.idx.msk [tilespmem:v50+s4+$0x0], $0xffff;
	v50 =	vperm.xlane v8, v0;
	v23 =	vadd.f32 v24, v23  }
0x149: {  	v55 =	vadd.f32 v39, v31;
	v5 =	vadd.f32 v6, v5;
	v6 =	vld.idx.msk [tilespmem:v15+s4+$0x0], $0xffff;
	v32 =	vmul.f32 v32, v62  }
0x14a: {  	v13 =	vand.u32 $0xFFFF0000, v13;
	v22 =	vmul.f32 v35, v22;
	v33 =	vld.idx.msk [tilespmem:v48+s4+$0x0], $0xffff;
	v48 =	vperm.xlane v7, v0  }
0x14b: {  	v7 =	vsel vm0, v7, v50;
	v60 =	vperm.xlane v55, v0;
	v62 =	vperm.xlane v23, v0;
	v9 =	vld.idx.msk [tilespmem:v9+s4+$0x0], $0xffff  }
0x14c: {  	v23 =	vsel vm0, v58, v23;
	v58 =	vsel vm1, v25, v19;
	v22 =	vadd.f32 v32, v22;
	v32 =	vld.idx.msk [tilespmem:v54+s4+$0x0], $0xffff  }
0x14d: {  	v27 =	vmul.f32 v27, v37;
	v37 =	vperm.xlane v5, v0;
	v8 =	vsel vm0, v48, v8  }
0x14e: {  	v40 =	vmul.f32 v56, v59;
	v35 =	vsel vm0, v26, v62;
	v7 =	vadd.f32 v7, v8  }
0x14f: {  	v57 =	vperm.xlane v22, v0;
	v27 =	vadd.f32 v27, v28;
	v22 =	vsel vm0, v60, v22  }
0x150: {  	v15 =	vadd.f32 v35, v23;
	v6 =	vmul.f32 v10, v6;
	v13 =	vmul.f32 v13, v33  }
0x151: {  	v61 =	vsel vm0, v55, v57;
	v9 =	vmul.f32 v29, v9;
	v41 =	vmul.f32 v36, v32  }
0x152: {  	v63 =	vperm.xlane v27, v0;
	v6 =	vadd.f32 v18, v6;
	v43 =	vadd.f32 v13, v40  }
0x153: {  	v51 =	vperm.xlane v15, v1;
	v9 =	vadd.f32 v14, v9;
	v14 =	vadd.f32 v21, v41  }
0x154: {  	v42 =	vsel vm0, v37, v27;
	v49 =	vperm.xlane v6, v0;
	v46 =	vperm.xlane v43, v0  }
0x155: {  	v5 =	vsel vm0, v5, v63;
	v44 =	vperm.xlane v9, v0;
	v47 =	vperm.xlane v14, v0  }
0x156: {  	v22 =	vadd.f32 v61, v22;
	v5 =	vadd.f32 v5, v42;
	v9 =	vsel vm0, v46, v9  }
0x157: {  	v11 =	vsel vm0, v14, v49;
	v10 =	vsel vm0, v43, v44;
	v6 =	vsel vm0, v47, v6  }
0x158: {  	v54 =	vperm.xlane v22, v1;
	v9 =	vadd.f32 v10, v9;
	v6 =	vadd.f32 v11, v6  }
0x159: {  	v57 =	vperm.xlane v7, v1;
	v55 =	vsel vm1, v22, v51;
	v53 =	vperm.xlane v5, v1  }
0x15a: {  	v8 =	vsel vm1, v54, v15;
	v52 =	vperm.xlane v9, v1;
	v56 =	vperm.xlane v6, v1  }
0x15b: {  	v59 =	vadd.f32 v45, v58;
	v8 =	vadd.f32 v55, v8;
	v9 =	vsel vm1, v9, v53  }
0x15c: {  	v6 =	vsel vm1, v6, v57;
	v5 =	vsel vm1, v52, v5;
	v7 =	vsel vm1, v56, v7  }
0x15d: {  	v4 =	vimm.s32 $0x76543210;
	v5 =	vadd.f32 v9, v5;
	v6 =	vadd.f32 v6, v7  }
0x15e: {  	v4 =	vunpack.c.l.s4.s8 v4;
	v60 =	vperm.xlane v59, v2;
	v62 =	vperm.xlane v8, v2  }
0x15f: {  	v7 =	vperm.xlane v5, v2;
	v61 =	vperm.xlane v6, v2  }
0x160: {  	v3 =	vand.u32 $0xF, v3;
	v4 =	vunpack.c.0.s8.s32 v4;
	v63 =	vsel vm2, v62, v59  }
0x161: {  	v6 =	vsel vm2, v6, v7;
	v7 =	vsel vm2, v8, v60;
	v5 =	vsel vm2, v61, v5  }
0x162: {  	v3 =	vcombine.low v3, v4;
	v4 =	vadd.f32 v6, v5;
	v5 =	vadd.f32 v7, v63;
	_ =	sdelay $0x1  }
0x163: {  	v7 =	vperm.xlane v5, v3  }
0x164: {  	s7 =	simm.s32 $0x0;
	v6 =	vperm.xlane v4, v3  }
0x165: {  	v7 =	vsel vm3, v4, v7;
	v4 =	vld [tilespmem:s7+$0x5A00]  }
0x166: {  	v5 =	vsel vm3, v6, v5  }
0x167: {  	s5 =	simm.s32 $0x40;
	v5 =	vadd.f32 v5, v7  }
.LBB2_6:
0x168: {  	p0 =	sne.s32 s5, $0xC0  }
0x169: {  	s3 =	sadd.s32 $0x200, s3;
	s6 =	smov.u32 s5;
	s5 =	sadd.s32 $0x40, s5  }
0x16a: {  	v4 =	vadd.f32 v5, v4;
	_ =	sdelay $0x1  }
0x16b: {  	[tilespmem:s7+$0x5A80] =	vst v4  }
0x16c: {  	v15 =	vld [tilespmem:s3+$0xFFFFFFA0]  }
0x16d: {  	v10 =	vld [tilespmem:s3+$0xFFFFFF60]  }
0x16e: {  	v8 =	vld [tilespmem:s3+$0xFFFFFF40]  }
0x16f: {  	v9 =	vld [tilespmem:s3+$0xFFFFFF20]  }
0x170: {  	v11 =	vld [tilespmem:s3+$0xE0]  }
0x171: {  	v13 =	vld [tilespmem:s3+$0xFFFFFF30]  }
0x172: {  	v19 =	vld [tilespmem:s3+$0xFFFFFFB0]  }
0x173: {  	v5 =	vld [tilespmem:s3+$0xFFFFFFC0]  }
0x174: {  	v4 =	vand.u32 $0xFFFF, v9;
	v7 =	vld [tilespmem:s3+$0xFFFFFFD0]  }
0x175: {  	v22 =	vld [tilespmem:s3+$0xFFFFFF10]  }
0x176: {  	v17 =	vld [tilespmem:s3+$0xFFFFFF50]  }
0x177: {  	v16 =	vld [tilespmem:s3+$0xF0]  }
0x178: {  	v23 =	vld [tilespmem:s3+$0xFFFFFF70]  }
0x179: {  	v18 =	vld [tilespmem:s3+$0xD0]  }
0x17a: {  	v24 =	vld [tilespmem:s3+$0xC0]  }
0x17b: {  	v25 =	vld [tilespmem:s3+$0x60]  }
0x17c: {  	v21 =	vld [tilespmem:s3+$0x70];
	v12 =	vand.u32 $0xFFFF, v16  }
0x17d: {  	v14 =	vand.u32 $0xFFFF, v11;
	v6 =	vand.u32 $0xFFFF, v23;
	v26 =	vld [tilespmem:s3+$0xB0]  }
0x17e: {  	v27 =	vld [tilespmem:s3+$0xA0];
	v20 =	vand.u32 $0xFFFF, v18  }
0x17f: {  	v28 =	vld [tilespmem:s3+$0x90];
	v29 =	vand.u32 $0xFFFF, v24  }
0x180: {  	v30 =	vld [tilespmem:s3+$0x80]  }
0x181: {  	v31 =	vld.idx.msk [tilespmem:v12+s4+$0x0], $0xffff  }
0x182: {  	v12 =	vand.u32 $0xFFFF, v26;
	v32 =	vld.idx.msk [tilespmem:v14+s4+$0x0], $0xffff  }
0x183: {  	v33 =	vand.u32 $0xFFFF, v27;
	v34 =	vld.idx.msk [tilespmem:v20+s4+$0x0], $0xffff  }
0x184: {  	v35 =	vand.u32 $0xFFFF, v28;
	v29 =	vld.idx.msk [tilespmem:v29+s4+$0x0], $0xffff  }
0x185: {  	v20 =	vld [tilespmem:s3+$0xFFFFFF80];
	v36 =	vand.u32 $0xFFFF, v30  }
0x186: {  	v37 =	vand.u32 $0xFFFF, v17;
	v14 =	vld [tilespmem:s3+$0xFFFFFF90]  }
0x187: {  	v38 =	vand.u32 $0xFFFF, v22;
	v39 =	vld.idx.msk [tilespmem:v12+s4+$0x0], $0xffff;
	v12 =	vand.u32 $0xFFFF0000, v11  }
0x188: {  	v9 =	vand.u32 $0xFFFF0000, v9;
	v11 =	vand.u32 $0xFFFF0000, v10;
	v33 =	vld.idx.msk [tilespmem:v33+s4+$0x0], $0xffff;
	v32 =	vmul.f32 v12, v32  }
0x189: {  	v18 =	vand.u32 $0xFFFF0000, v18;
	v24 =	vand.u32 $0xFFFF0000, v24;
	v12 =	vand.u32 $0xFFFF0000, v8;
	v35 =	vld.idx.msk [tilespmem:v35+s4+$0x0], $0xffff  }
0x18a: {  	v24 =	vmul.f32 v24, v29;
	v29 =	vmul.f32 v18, v34;
	v34 =	vand.u32 $0xFFFF0000, v16;
	v36 =	vld.idx.msk [tilespmem:v36+s4+$0x0], $0xffff  }
0x18b: {  	v16 =	vand.u32 $0xFFFF0000, v13;
	v18 =	vand.u32 $0xFFFF0000, v19;
	v31 =	vmul.f32 v34, v31;
	v37 =	vld.idx.msk [tilespmem:v37+s4+$0x0], $0xffff  }
0x18c: {  	v34 =	vld.idx.msk [tilespmem:v38+s4+$0x0], $0xffff;
	v38 =	vand.u32 $0xFFFF, v13;
	v13 =	vand.u32 $0xFFFF0000, v23;
	v23 =	vadd.f32 v29, v24  }
0x18d: {  	v27 =	vand.u32 $0xFFFF0000, v27;
	v29 =	vand.u32 $0xFFFF0000, v25;
	v31 =	vadd.f32 v31, v32;
	v24 =	vld [tilespmem:s3+$0x50]  }
0x18e: {  	v26 =	vand.u32 $0xFFFF0000, v26;
	v27 =	vmul.f32 v27, v33;
	v32 =	vld [tilespmem:s3+$0x40];
	v33 =	vperm.xlane v23, v0  }
0x18f: {  	v28 =	vand.u32 $0xFFFF0000, v28;
	v30 =	vand.u32 $0xFFFF0000, v30;
	v26 =	vmul.f32 v26, v39;
	v40 =	vld [tilespmem:s3+$0x10]  }
0x190: {  	v41 =	vand.u32 $0xFFFF, v21;
	v28 =	vmul.f32 v28, v35;
	v30 =	vmul.f32 v30, v36;
	v39 =	vld [tilespmem:s3+$0x30]  }
0x191: {  	v25 =	vand.u32 $0xFFFF, v25;
	v36 =	vperm.xlane v31, v0;
	v31 =	vsel vm0, v33, v31;
	v35 =	vld [tilespmem:s3+$0x20]  }
0x192: {  	v26 =	vadd.f32 v26, v27;
	v28 =	vadd.f32 v28, v30;
	v33 =	vld [tilespmem:s3+$0x0];
	v42 =	vand.u32 $0xFFFF, v24  }
0x193: {  	v23 =	vsel vm0, v23, v36;
	v24 =	vand.u32 $0xFFFF0000, v24;
	v27 =	vld [tilespmem:s3+$0xFFFFFFF0];
	v30 =	vand.u32 $0xFFFF, v32  }
0x194: {  	v45 =	vperm.xlane v26, v0;
	v44 =	vperm.xlane v28, v0;
	v36 =	vld [tilespmem:s3+$0xFFFFFFE0];
	v43 =	vand.u32 $0xFFFF, v40  }
0x195: {  	v46 =	vand.u32 $0xFFFF0000, v17;
	v17 =	vadd.f32 v23, v31;
	v47 =	vand.u32 $0xFFFF, v39;
	v41 =	vld.idx.msk [tilespmem:v41+s4+$0x0], $0xffff  }
0x196: {  	v28 =	vsel vm0, v28, v45;
	v26 =	vsel vm0, v44, v26;
	v23 =	vand.u32 $0xFFFF, v35;
	v25 =	vld.idx.msk [tilespmem:v25+s4+$0x0], $0xffff  }
0x197: {  	v22 =	vand.u32 $0xFFFF0000, v22;
	v44 =	vperm.xlane v17, v1;
	v31 =	vand.u32 $0xFFFF, v33;
	v42 =	vld.idx.msk [tilespmem:v42+s4+$0x0], $0xffff  }
0x198: {  	v22 =	vmul.f32 v22, v34;
	v33 =	vand.u32 $0xFFFF0000, v33;
	v34 =	vand.u32 $0xFFFF, v27;
	v30 =	vld.idx.msk [tilespmem:v30+s4+$0x0], $0xffff  }
0x199: {  	v32 =	vand.u32 $0xFFFF0000, v32;
	v26 =	vadd.f32 v28, v26;
	v45 =	vand.u32 $0xFFFF, v36;
	v43 =	vld.idx.msk [tilespmem:v43+s4+$0x0], $0xffff  }
0x19a: {  	v21 =	vand.u32 $0xFFFF0000, v21;
	v28 =	vmul.f32 v46, v37;
	v37 =	vand.u32 $0xFFFF, v7;
	v46 =	vld.idx.msk [tilespmem:v47+s4+$0x0], $0xffff  }
0x19b: {  	v47 =	vand.u32 $0xFFFF, v5;
	v41 =	vmul.f32 v21, v41;
	v21 =	vperm.xlane v26, v1;
	v23 =	vld.idx.msk [tilespmem:v23+s4+$0x0], $0xffff  }
0x19c: {  	v48 =	vand.u32 $0xFFFF, v19;
	v40 =	vand.u32 $0xFFFF0000, v40;
	v19 =	vsel vm1, v26, v44;
	v31 =	vld.idx.msk [tilespmem:v31+s4+$0x0], $0xffff  }
0x19d: {  	v26 =	vand.u32 $0xFFFF0000, v15;
	v15 =	vand.u32 $0xFFFF, v15;
	v25 =	vmul.f32 v29, v25;
	v34 =	vld.idx.msk [tilespmem:v34+s4+$0x0], $0xffff  }
0x19e: {  	v29 =	vand.u32 $0xFFFF, v14;
	v24 =	vmul.f32 v24, v42;
	v30 =	vmul.f32 v32, v30;
	v44 =	vld.idx.msk [tilespmem:v45+s4+$0x0], $0xffff  }
0x19f: {  	v39 =	vand.u32 $0xFFFF0000, v39;
	v42 =	vand.u32 $0xFFFF, v20;
	v40 =	vmul.f32 v40, v43;
	v32 =	vld [tilespmem:s3+$0xFFFFFF00]  }
0x1a0: {  	v35 =	vand.u32 $0xFFFF0000, v35;
	v25 =	vadd.f32 v41, v25;
	v39 =	vmul.f32 v39, v46;
	v38 =	vld.idx.msk [tilespmem:v38+s4+$0x0], $0xffff  }
0x1a1: {  	v10 =	vand.u32 $0xFFFF, v10;
	v24 =	vadd.f32 v24, v30;
	v23 =	vmul.f32 v35, v23;
	v37 =	vld.idx.msk [tilespmem:v37+s4+$0x0], $0xffff  }
0x1a2: {  	v27 =	vand.u32 $0xFFFF0000, v27;
	v35 =	vand.u32 $0xFFFF0000, v36;
	v31 =	vmul.f32 v33, v31;
	v30 =	vld.idx.msk [tilespmem:v47+s4+$0x0], $0xffff  }
0x1a3: {  	v8 =	vand.u32 $0xFFFF, v8;
	v27 =	vmul.f32 v27, v34;
	v23 =	vadd.f32 v39, v23;
	v33 =	vld.idx.msk [tilespmem:v48+s4+$0x0], $0xffff  }
0x1a4: {  	v35 =	vmul.f32 v35, v44;
	v31 =	vadd.f32 v40, v31;
	v34 =	vand.u32 $0xFFFF, v32;
	v15 =	vld.idx.msk [tilespmem:v15+s4+$0x0], $0xffff  }
0x1a5: {  	v20 =	vand.u32 $0xFFFF0000, v20;
	v39 =	vperm.xlane v24, v0;
	v36 =	vperm.xlane v23, v0;
	v29 =	vld.idx.msk [tilespmem:v29+s4+$0x0], $0xffff  }
0x1a6: {  	v7 =	vand.u32 $0xFFFF0000, v7;
	v27 =	vadd.f32 v27, v35;
	v35 =	vperm.xlane v31, v0;
	v40 =	vld.idx.msk [tilespmem:v42+s4+$0x0], $0xffff  }
0x1a7: {  	v5 =	vand.u32 $0xFFFF0000, v5;
	v7 =	vmul.f32 v7, v37;
	v31 =	vsel vm0, v31, v36;
	v10 =	vld.idx.msk [tilespmem:v10+s4+$0x0], $0xffff  }
0x1a8: {  	v5 =	vmul.f32 v5, v30;
	v23 =	vsel vm0, v35, v23;
	v30 =	vperm.xlane v25, v0;
	v8 =	vld.idx.msk [tilespmem:v8+s4+$0x0], $0xffff  }
0x1a9: {  	v35 =	vperm.xlane v27, v0;
	v25 =	vsel vm0, v39, v25;
	v23 =	vadd.f32 v31, v23;
	v34 =	vld.idx.msk [tilespmem:v34+s4+$0x0], $0xffff  }
0x1aa: {  	v15 =	vmul.f32 v26, v15;
	v5 =	vadd.f32 v7, v5;
	v7 =	vsel vm0, v24, v30;
	v4 =	vld.idx.msk [tilespmem:v4+s4+$0x0], $0xffff  }
0x1ab: {  	v14 =	vand.u32 $0xFFFF0000, v14;
	v24 =	vand.u32 $0xFFFF0000, v32;
	v26 =	vperm.xlane v23, v1;
	v6 =	vld.idx.msk [tilespmem:v6+s4+$0x0], $0xffff  }
0x1ac: {  	v18 =	vmul.f32 v18, v33;
	v30 =	vperm.xlane v5, v0;
	v5 =	vsel vm0, v5, v35  }
0x1ad: {  	v16 =	vmul.f32 v16, v38;
	v14 =	vmul.f32 v14, v29;
	v7 =	vadd.f32 v7, v25  }
0x1ae: {  	v15 =	vadd.f32 v18, v15;
	v8 =	vmul.f32 v12, v8;
	v12 =	vmul.f32 v20, v40  }
0x1af: {  	v10 =	vmul.f32 v11, v10;
	v11 =	vsel vm0, v30, v27;
	v18 =	vmul.f32 v24, v34  }
0x1b0: {  	v4 =	vmul.f32 v9, v4;
	v9 =	vadd.f32 v14, v12;
	v12 =	vperm.xlane v15, v0  }
0x1b1: {  	v5 =	vadd.f32 v5, v11;
	v11 =	vperm.xlane v7, v1;
	v14 =	vadd.f32 v22, v18  }
0x1b2: {  	v8 =	vadd.f32 v28, v8;
	v6 =	vmul.f32 v13, v6;
	v13 =	vperm.xlane v9, v0  }
0x1b3: {  	v4 =	vadd.f32 v16, v4;
	v9 =	vsel vm0, v9, v12;
	v16 =	vperm.xlane v14, v0  }
0x1b4: {  	v6 =	vadd.f32 v6, v10;
	v10 =	vperm.xlane v8, v0;
	v12 =	vsel vm0, v13, v15  }
0x1b5: {  	v13 =	vperm.xlane v4, v0;
	v4 =	vsel vm0, v16, v4;
	v9 =	vadd.f32 v9, v12  }
0x1b6: {  	v12 =	vperm.xlane v6, v0;
	v6 =	vsel vm0, v10, v6;
	v10 =	vsel vm1, v23, v11  }
0x1b7: {  	v11 =	vsel vm0, v14, v13;
	v14 =	vperm.xlane v5, v1;
	v13 =	vperm.xlane v9, v1  }
0x1b8: {  	v7 =	vsel vm1, v26, v7;
	v4 =	vadd.f32 v11, v4;
	v8 =	vsel vm0, v8, v12  }
0x1b9: {  	v6 =	vadd.f32 v8, v6;
	v8 =	vsel vm1, v21, v17;
	v5 =	vsel vm1, v13, v5  }
0x1ba: {  	v9 =	vsel vm1, v9, v14;
	v11 =	vperm.xlane v4, v1  }
0x1bb: {  	v8 =	vadd.f32 v19, v8;
	v12 =	vperm.xlane v6, v1;
	v5 =	vadd.f32 v9, v5  }
0x1bc: {  	v6 =	vsel vm1, v11, v6  }
0x1bd: {  	v7 =	vadd.f32 v10, v7;
	v4 =	vsel vm1, v4, v12;
	v9 =	vperm.xlane v5, v2  }
0x1be: {  	v4 =	vadd.f32 v4, v6  }
0x1bf: {  	v6 =	vperm.xlane v8, v2  }
0x1c0: {  	v10 =	vperm.xlane v4, v2;
	v4 =	vsel vm2, v4, v9;
	v9 =	vperm.xlane v7, v2  }
0x1c1: {  	v6 =	vsel vm2, v7, v6  }
0x1c2: {  	v5 =	vsel vm2, v10, v5;
	v7 =	vsel vm2, v9, v8  }
0x1c3: {  	v5 =	vadd.f32 v4, v5;
	v6 =	vadd.f32 v6, v7  }
.Ltmp3:
0x1c4: {  	s7 =	sshra.s32 s6, $0x2;
	(pc) =	sbr.rel @p0 .LBB2_6-.Ltmp3, $3  }
0x1c5: {  	v7 =	vperm.xlane v5, v3;
	v8 =	vperm.xlane v6, v3;
	v4 =	vld [tilespmem:s7+$0x5A00];
	_ =	sdelay $0x1  }
0x1c6: {  	v5 =	vsel vm3, v5, v8;
	v6 =	vsel vm3, v7, v6  }
0x1c7: {  	v5 =	vadd.f32 v6, v5  }
0x1c8: {  	_ = 	snop  }
0x1c9: {  	v0 =	vadd.f32 v5, v4;
	_ =	sdelay $0x1  }
0x1ca: {  	s3 =	simm.s32 $0x0;
	s4 =	simm.s32 $0x5A80;
	s31 =	simm.s32 $0x4;
	[tilespmem:s7+$0x5A80] =	vst v0  }
0x1cb: {  	[hbm4b:s2+s3] =	stream.linear.scatter [tilespmem:s4], [sflag:$0x4], $0x40, $0x38;
	[tilespmem:$0x5D80] =	vst v63  }
0x1cc: {  	_ =	swait.ge [sflag:s31], $0x40  }
0x1cd: {  	[sflag:s31] =	ssyncset.done $0x0  }
0x1ce: {  	[sflag:s31] =	ssyncadd.s32 $0xFFFFFFC0  }
.LBB2_8:
0x1cf: {  	_ =	sfence.sel $0x180000  }
0x1d0: {  	[bflag:$0x0] =	sbarrier.arrive $0xFFFF  }
0x1d1: {  	p0 =	sne.s32 s1, $0x0;
	_ =	strace $0x90000047  }
0x1d2: {  	s0 =	sadd.s32 @!p0 $0x100000, s0;
	[bflag:$0x2] =	sbarrier.arrive $0xFFFF  }
0x1d3: {  	[sflag:s0] =	ssyncadd.tile.s32 @!p0 $0x1;
	_ =	shalt  }
.Lfunc_end2:
_tile_overlayer_lowered:
.L_overlay_start_2:
0x1d4: {  	(tag) =	ssettag $0x2  }
0x1d5: {  	s0 =	rddreg [dreg:$0x0];
	s2 =	stileid.u32  }
0x1d6: {  	s1 =	rddreg [dreg:$0x1];
	p0 =	sne.s32 s2, $0x0  }
0x1d7: {  	s3 =	rddreg [dreg:$0x2];
	[bflag:$0x3] =	sbarrier.arrive $0xFFFF;
	s2 =	simm.s32 @!p0 $0x1C04  }
0x1d8: {  	[timem:s3], [sflag:s2] =	dma.local @!p0 [hbm:s0], s1  }
0x1d9: {  	s0 =	simm.s32 @!p0 $0x4  }
0x1da: {  	_ =	swait.ge @!p0 [sflag:s0], s1  }
0x1db: {  	s1 =	ssub.s32 @!p0 $0x0, s1;
	[sflag:s0] =	ssyncset.done @!p0 $0x0  }
0x1dc: {  	[sflag:s0] =	ssyncadd.s32 @!p0 s1  }
0x1dd: {  	[bflag:$0x3] =	sbarrier.arrive $0xFFFF  }
0x1de: {  	_ =	shalt  }

</sc_bundles>
